<compile_context>
chip_gen: v7x
topology: tpu7x:2x2x1
jax: 0.10.2.dev20260603
libtpu: 0.0.44.dev20260713+nightly
codegen_flags: <defaults>
</compile_context>

<pallas_src>
import functools

import jax
import jax.numpy as jnp
from jax import lax
from jax.experimental import pallas as pl
from jax.experimental.pallas import tpu as pltpu
from jax.experimental.pallas import tpu_sc as plsc

N = 10000
E = 320000
D = 128
NC, NS = 2, 16
NW = NC * NS
C = 128
CH = 80
CH0 = 80
CH1 = 80
EPW = CH * C
EPAD = NW * EPW
DUMP = N
NPAD = 10240
STR = NPAD // NS
GRID = 10
BR = N // GRID

_mesh = plsc.VectorSubcoreMesh(core_axis_name="c", subcore_axis_name="s")


@functools.partial(
    pl.kernel,
    out_type=jax.ShapeDtypeStruct((NC * NPAD, D), jnp.float32),
    mesh=_mesh,
    scratch_types=[
        pltpu.VMEM((CH, C), jnp.int32),
        pltpu.VMEM((C, D), jnp.float32),
        pltpu.VMEM_SHARED((NPAD, D), jnp.float32),
    ],
)
def _sc_degree(dst_hbm, out_hbm, idx_v, rows_v, acc_sh):
    c = lax.axis_index("c")
    s = lax.axis_index("s")
    wid = s * NC + c
    pltpu.sync_copy(dst_hbm.at[wid], idx_v)
    zrow = jnp.zeros((16,), jnp.float32)

    def zinit(i, carry):
        for k in range(D // 16):
            rows_v[i, pl.ds(k * 16, 16)] = zrow
        return carry

    lax.fori_loop(0, C, zinit, 0)
    for k in range(STR // C):
        pltpu.sync_copy(rows_v, acc_sh.at[pl.ds(s * STR + k * C, C)])
    plsc.subcore_barrier()
    orow = jnp.ones((16,), jnp.float32)

    def oinit(i, carry):
        for k in range(D // 16):
            rows_v[i, pl.ds(k * 16, 16)] = orow
        return carry

    lax.fori_loop(0, C, oinit, 0)

    def body(j, carry):
        pltpu.sync_copy(rows_v, acc_sh.at[idx_v.at[j]], add=True)
        return carry

    lax.fori_loop(0, CH, body, 0)
    plsc.subcore_barrier()
    for k in range(STR // C):
        pltpu.sync_copy(acc_sh.at[pl.ds(s * STR + k * C, C)], rows_v)
        pltpu.sync_copy(rows_v, out_hbm.at[pl.ds(c * NPAD + s * STR + k * C, C)])


@functools.partial(
    pl.kernel,
    out_type=jax.ShapeDtypeStruct((NC * NPAD, D), jnp.float32),
    mesh=_mesh,
    scratch_types=[
        pltpu.VMEM((32, C), jnp.int32),
        pltpu.VMEM((32, C), jnp.int32),
        pltpu.VMEM((C, D), jnp.float32),
        pltpu.VMEM((C, D), jnp.float32),
        pltpu.VMEM_SHARED((NPAD, D), jnp.float32),
        pltpu.SemaphoreType.DMA,
        pltpu.SemaphoreType.DMA,
    ],
)
def _sc_edge_pass(m_hbm, src_hbm, dst_hbm, out_hbm,
                  sblk, dblk, buf_a, buf_b, acc_sh, sem_a, sem_b):
    c = lax.axis_index("c")
    s = lax.axis_index("s")
    base = lax.select(c == 0, 0, CH0)
    nch = lax.select(c == 0, CH0, CH1)
    zrow = jnp.zeros((16,), jnp.float32)

    def zinit(i, carry):
        for k in range(D // 16):
            buf_a[i, pl.ds(k * 16, 16)] = zrow
        return carry

    lax.fori_loop(0, C, zinit, 0)
    for k in range(STR // C):
        pltpu.sync_copy(buf_a, acc_sh.at[pl.ds(s * STR + k * C, C)])
    plsc.subcore_barrier()

    def load_blk(b, half):
        pltpu.sync_copy(src_hbm.at[s, pl.ds(base + b * 16, 16)],
                        sblk.at[pl.ds(half * 16, 16)])
        pltpu.sync_copy(dst_hbm.at[s, pl.ds(base + b * 16, 16)],
                        dblk.at[pl.ds(half * 16, 16)])

    def gstart(r, buf, sem):
        pltpu.async_copy(m_hbm.at[sblk.at[r]], buf, sem)

    def gwait(buf, sem):
        pltpu.make_async_copy(m_hbm.at[sblk.at[0]], buf, sem).wait()

    load_blk(0, 0)
    gstart(0, buf_a, sem_a)

    def body(j2, carry):
        j = 2 * j2
        b_next = j // 16 + 1

        @pl.when((lax.rem(j2, 8) == 0) & (b_next < nch // 16))
        def _():
            load_blk(b_next, lax.rem(b_next, 2))

        gwait(buf_a, sem_a)
        gstart(lax.rem(j + 1, 32), buf_b, sem_b)
        pltpu.sync_copy(buf_a, acc_sh.at[dblk.at[lax.rem(j, 32)]], add=True)
        gwait(buf_b, sem_b)
        gstart(lax.rem(j + 2, 32), buf_a, sem_a)
        pltpu.sync_copy(buf_b, acc_sh.at[dblk.at[lax.rem(j + 1, 32)]], add=True)
        return carry

    lax.fori_loop(0, nch // 2, body, 0)
    gwait(buf_a, sem_a)
    plsc.subcore_barrier()
    for k in range(STR // C):
        pltpu.sync_copy(acc_sh.at[pl.ds(s * STR + k * C, C)], buf_a)
        pltpu.sync_copy(buf_a, out_hbm.at[pl.ds(c * NPAD + s * STR + k * C, C)])


def _tc_dinv_m1_body(parts_ref, feat_ref, dinv_ref, m1_ref):
    deg = parts_ref[0, :, 0:1] + parts_ref[1, :, 0:1]
    dinv = lax.rsqrt(jnp.maximum(deg, 1.0))
    dinv_ref[...] = dinv
    m1_ref[...] = feat_ref[...] * dinv


_tc_dinv_m1 = pl.pallas_call(
    _tc_dinv_m1_body,
    grid=(GRID,),
    in_specs=[
        pl.BlockSpec((NC, BR, D), lambda i: (0, i, 0)),
        pl.BlockSpec((BR, D), lambda i: (i, 0)),
    ],
    out_specs=[
        pl.BlockSpec((BR, 1), lambda i: (i, 0)),
        pl.BlockSpec((BR, D), lambda i: (i, 0)),
    ],
    out_shape=[
        jax.ShapeDtypeStruct((N, 1), jnp.float32),
        jax.ShapeDtypeStruct((N, D), jnp.float32),
    ],
)


def _tc_f1_m2_body(feat_ref, dinv_ref, parts_ref, ld_ref, f1_ref, m2_ref):
    agg = parts_ref[0] + parts_ref[1]
    dinv = dinv_ref[...]
    f1 = feat_ref[...] - (agg * dinv) * ld_ref[1:2, :]
    f1_ref[...] = f1
    m2_ref[...] = f1 * dinv


_tc_f1_m2 = pl.pallas_call(
    _tc_f1_m2_body,
    grid=(GRID,),
    in_specs=[
        pl.BlockSpec((BR, D), lambda i: (i, 0)),
        pl.BlockSpec((BR, 1), lambda i: (i, 0)),
        pl.BlockSpec((NC, BR, D), lambda i: (0, i, 0)),
        pl.BlockSpec((3, D), lambda i: (0, 0)),
    ],
    out_specs=[
        pl.BlockSpec((BR, D), lambda i: (i, 0)),
        pl.BlockSpec((BR, D), lambda i: (i, 0)),
    ],
    out_shape=[
        jax.ShapeDtypeStruct((N, D), jnp.float32),
        jax.ShapeDtypeStruct((N, D), jnp.float32),
    ],
)


def _tc_final_body(feat_ref, dinv_ref, f1_ref, parts_ref, ld_ref, w_ref, b_ref,
                   h_ref):
    agg2 = parts_ref[0] + parts_ref[1]
    dinv = dinv_ref[...]
    f1 = f1_ref[...]
    f2 = f1 - (agg2 * dinv) * ld_ref[2:3, :]
    xm = (0.5 * feat_ref[...]) * ld_ref[0:1, :]
    h_lin = lax.dot_general(
        xm, w_ref[...], (((1,), (1,)), ((), ())),
        preferred_element_type=jnp.float32,
        precision=lax.Precision.HIGHEST,
    )
    h_ref[...] = h_lin + b_ref[...] + 0.5 * f1 + 0.5 * f2


_tc_final = pl.pallas_call(
    _tc_final_body,
    grid=(GRID,),
    in_specs=[
        pl.BlockSpec((BR, D), lambda i: (i, 0)),
        pl.BlockSpec((BR, 1), lambda i: (i, 0)),
        pl.BlockSpec((BR, D), lambda i: (i, 0)),
        pl.BlockSpec((NC, BR, D), lambda i: (0, i, 0)),
        pl.BlockSpec((3, D), lambda i: (0, 0)),
        pl.BlockSpec((D, D), lambda i: (0, 0)),
        pl.BlockSpec((1, D), lambda i: (0, 0)),
    ],
    out_specs=pl.BlockSpec((BR, D), lambda i: (i, 0)),
    out_shape=jax.ShapeDtypeStruct((N, D), jnp.float32),
)


def kernel(feat, edge_index, learnable_diag, W, b):
    src = edge_index[0].astype(jnp.int32)
    dst = edge_index[1].astype(jnp.int32)
    pad = EPAD - E
    pad_src = (jnp.arange(pad, dtype=jnp.int32) * 131) % N
    src_flat = jnp.concatenate([src, pad_src])
    dst_flat = jnp.concatenate([dst, jnp.full((pad,), DUMP, jnp.int32)])
    src_e = src_flat.reshape(NS, CH0 + CH1, C)
    dst_e = dst_flat.reshape(NS, CH0 + CH1, C)
    dst_p = dst_flat.reshape(NW, CH, C)
    deg_parts = _sc_degree(dst_p).reshape(NC, NPAD, D)
    dinv, m1 = _tc_dinv_m1(deg_parts, feat)
    p1 = _sc_edge_pass(m1, src_e, dst_e).reshape(NC, NPAD, D)
    f1, m2 = _tc_f1_m2(feat, dinv, p1, learnable_diag)
    p2 = _sc_edge_pass(m2, src_e, dst_e).reshape(NC, NPAD, D)
    return _tc_final(feat, dinv, f1, p2, learnable_diag, W, b.reshape(1, D))

# --- scband reference (transcript-rebuilt; emitter-appended) ---
"""Pipeline reference for scband-poly-conv-15453292331333 (READ-ONLY COPY).

The authoritative reference and input builder live on the scoring server;
editing this copy changes nothing except your own understanding.
"""

import jax, jax.numpy as jnp
import numpy as np

N_NODES = 10000
N_EDGES = 320000
D_FEAT = 128
THETA = [0.5, 0.5, 0.5]


def setup_inputs(seed: int = 0) -> dict:
    key = jax.random.key(seed)
    k1, k2, k3, k4 = jax.random.split(key, 4)
    feat = jax.random.normal(k1, (N_NODES, D_FEAT), dtype=jnp.float32)
    edge_index = jax.random.randint(k2, (2, N_EDGES), 0, N_NODES, dtype=jnp.int64)
    # learnable parameters (sized per init_kwargs)
    learnable_diag = jax.random.uniform(k3, (3, D_FEAT), dtype=jnp.float32)
    # xavier-uniform init for linear weight (out_feats, out_feats)
    limit = float(np.sqrt(6.0 / (D_FEAT + D_FEAT)))
    W = jax.random.uniform(k4, (D_FEAT, D_FEAT), dtype=jnp.float32, minval=-limit, maxval=limit)
    b = jnp.zeros((D_FEAT,), dtype=jnp.float32)
    return {"feat": feat, "edge_index": edge_index, "learnable_diag": learnable_diag, "W": W, "b": b}


def reference(feat, edge_index, learnable_diag, W, b):
    src = edge_index[0]
    dst = edge_index[1]
    # in-degrees (messages flow src -> dst, summed at dst)
    deg = jax.ops.segment_sum(jnp.ones((N_EDGES,), dtype=jnp.float32), dst, num_segments=N_NODES)
    D_invsqrt = jnp.power(jnp.clip(deg, 1.0, None), -0.5)[:, None]

    def unn_laplacian(f, diag_k):
        m = f * D_invsqrt
        agg = jax.ops.segment_sum(m[src], dst, num_segments=N_NODES)
        return f - (agg * D_invsqrt) * diag_k

    h = THETA[0] * feat
    h = h * learnable_diag[0]
    h = h @ W.T + b
    f = feat
    for k in range(1, len(THETA)):
        f = unn_laplacian(f, learnable_diag[k])
        h = h + THETA[k] * f
    return h

if __name__ == "__main__":
    import jax
    _d = setup_inputs()
    print(jax.jit(kernel)(*tuple(_d.values())))

</pallas_src>

<mosaic_0001>
#map = affine_map<(d0, d1) -> (0, 0)>
#map1 = affine_map<(d0, d1) -> (0, 0, 0)>
module attributes {stable_mosaic.version = 14 : i64} {
  func.func @_sc_edge_pass(%arg0: i32, %arg1: i32, %arg2: memref<10000x128xf32, #tpu.memory_space<hbm>>, %arg3: memref<16x160x128xi32, #tpu.memory_space<hbm>>, %arg4: memref<16x160x128xi32, #tpu.memory_space<hbm>>, %arg5: memref<20480x128xf32, #tpu.memory_space<hbm>>, %arg6: memref<32x128xi32, #tpu.memory_space<vmem>>, %arg7: memref<32x128xi32, #tpu.memory_space<vmem>>, %arg8: memref<128x128xf32, #tpu.memory_space<vmem>>, %arg9: memref<128x128xf32, #tpu.memory_space<vmem>>, %arg10: memref<10240x128xf32, #tpu.memory_space<vmem_shared>>, %arg11: memref<!tpu.dma_semaphore, #tpu.memory_space<semaphore_mem>>, %arg12: memref<!tpu.dma_semaphore, #tpu.memory_space<semaphore_mem>>) attributes {dimension_semantics = [#tpu.dimension_semantics<core_parallel>, #tpu.dimension_semantics<subcore_parallel>], iteration_bounds = array<i64: 2, 16>, scalar_prefetch = 0 : i64, scratch_operands = 7 : i64, tpu.core_type = #tpu.core_type<sc_vector_subcore>, window_params = [{transform_indices = #map}, {transform_indices = #map1}, {transform_indices = #map1}, {transform_indices = #map}]} {
    %eq3A = arith.constant 0 : i32
    %eq3A_0 = arith.cmpi eq, %arg0, %eq3A : i32
    %select_n3A = arith.constant 80 : i32
    %select_n3A_1 = arith.constant 0 : i32
    %select_n3A_2 = arith.select %eq3A_0, %select_n3A_1, %select_n3A : i32
    %eq3A_3 = arith.constant 0 : i32
    %eq3A_4 = arith.cmpi eq, %arg0, %eq3A_3 : i32
    %select_n3A_5 = arith.constant 80 : i32
    %select_n3A_6 = arith.constant 80 : i32
    %select_n3A_7 = arith.select %eq3A_4, %select_n3A_6, %select_n3A_5 : i32
    %broadcast_in_dim3A = arith.constant 0.000000e+00 : f32
    %broadcast_in_dim3A_8 = vector.broadcast %broadcast_in_dim3A : f32 to vector<16xf32>
    %scan3A = arith.constant 0 : i32
    %scan3A_9 = arith.constant 0 : i32
    %scan3A_10 = arith.constant 128 : i32
    %scan3A_11 = arith.addi %scan3A_9, %scan3A_10 : i32
    %scan3A_12 = arith.constant 1 : i32
    scf.for %scan3A_130 = %scan3A_9 to %scan3A_11 step %scan3A_12  : i32 {
      %swap3A = arith.index_cast %scan3A_130 : i32 to index
      %swap3A_131 = arith.constant 0 : index
      %swap3A_132 = tpu.vector_load %arg8[%swap3A, %swap3A_131] {strides = array<i32>} : memref<128x128xf32, #tpu.memory_space<vmem>>, vector<1x16xf32>,
      %swap3A_133 = vector.shape_cast %swap3A_132 : vector<1x16xf32> to vector<16xf32>
      %swap3A_134 = vector.shape_cast %broadcast_in_dim3A_8 : vector<16xf32> to vector<1x16xf32>
      tpu.vector_store %arg8[%swap3A, %swap3A_131], %swap3A_134 {strides = array<i32>} : memref<128x128xf32, #tpu.memory_space<vmem>>, vector<1x16xf32>,
      %swap3A_135 = arith.index_cast %scan3A_130 : i32 to index
      %swap3A_136 = arith.constant 16 : index
      %swap3A_137 = tpu.vector_load %arg8[%swap3A_135, %swap3A_136] {strides = array<i32>} : memref<128x128xf32, #tpu.memory_space<vmem>>, vector<1x16xf32>,
      %swap3A_138 = vector.shape_cast %swap3A_137 : vector<1x16xf32> to vector<16xf32>
      %swap3A_139 = vector.shape_cast %broadcast_in_dim3A_8 : vector<16xf32> to vector<1x16xf32>
      tpu.vector_store %arg8[%swap3A_135, %swap3A_136], %swap3A_139 {strides = array<i32>} : memref<128x128xf32, #tpu.memory_space<vmem>>, vector<1x16xf32>,
      %swap3A_140 = arith.index_cast %scan3A_130 : i32 to index
      %swap3A_141 = arith.constant 32 : index
      %swap3A_142 = tpu.vector_load %arg8[%swap3A_140, %swap3A_141] {strides = array<i32>} : memref<128x128xf32, #tpu.memory_space<vmem>>, vector<1x16xf32>,
      %swap3A_143 = vector.shape_cast %swap3A_142 : vector<1x16xf32> to vector<16xf32>
      %swap3A_144 = vector.shape_cast %broadcast_in_dim3A_8 : vector<16xf32> to vector<1x16xf32>
      tpu.vector_store %arg8[%swap3A_140, %swap3A_141], %swap3A_144 {strides = array<i32>} : memref<128x128xf32, #tpu.memory_space<vmem>>, vector<1x16xf32>,
      %swap3A_145 = arith.index_cast %scan3A_130 : i32 to index
      %swap3A_146 = arith.constant 48 : index
      %swap3A_147 = tpu.vector_load %arg8[%swap3A_145, %swap3A_146] {strides = array<i32>} : memref<128x128xf32, #tpu.memory_space<vmem>>, vector<1x16xf32>,
      %swap3A_148 = vector.shape_cast %swap3A_147 : vector<1x16xf32> to vector<16xf32>
      %swap3A_149 = vector.shape_cast %broadcast_in_dim3A_8 : vector<16xf32> to vector<1x16xf32>
      tpu.vector_store %arg8[%swap3A_145, %swap3A_146], %swap3A_149 {strides = array<i32>} : memref<128x128xf32, #tpu.memory_space<vmem>>, vector<1x16xf32>,
      %swap3A_150 = arith.index_cast %scan3A_130 : i32 to index
      %swap3A_151 = arith.constant 64 : index
      %swap3A_152 = tpu.vector_load %arg8[%swap3A_150, %swap3A_151] {strides = array<i32>} : memref<128x128xf32, #tpu.memory_space<vmem>>, vector<1x16xf32>,
      %swap3A_153 = vector.shape_cast %swap3A_152 : vector<1x16xf32> to vector<16xf32>
      %swap3A_154 = vector.shape_cast %broadcast_in_dim3A_8 : vector<16xf32> to vector<1x16xf32>
      tpu.vector_store %arg8[%swap3A_150, %swap3A_151], %swap3A_154 {strides = array<i32>} : memref<128x128xf32, #tpu.memory_space<vmem>>, vector<1x16xf32>,
      %swap3A_155 = arith.index_cast %scan3A_130 : i32 to index
      %swap3A_156 = arith.constant 80 : index
      %swap3A_157 = tpu.vector_load %arg8[%swap3A_155, %swap3A_156] {strides = array<i32>} : memref<128x128xf32, #tpu.memory_space<vmem>>, vector<1x16xf32>,
      %swap3A_158 = vector.shape_cast %swap3A_157 : vector<1x16xf32> to vector<16xf32>
      %swap3A_159 = vector.shape_cast %broadcast_in_dim3A_8 : vector<16xf32> to vector<1x16xf32>
      tpu.vector_store %arg8[%swap3A_155, %swap3A_156], %swap3A_159 {strides = array<i32>} : memref<128x128xf32, #tpu.memory_space<vmem>>, vector<1x16xf32>,
      %swap3A_160 = arith.index_cast %scan3A_130 : i32 to index
      %swap3A_161 = arith.constant 96 : index
      %swap3A_162 = tpu.vector_load %arg8[%swap3A_160, %swap3A_161] {strides = array<i32>} : memref<128x128xf32, #tpu.memory_space<vmem>>, vector<1x16xf32>,
      %swap3A_163 = vector.shape_cast %swap3A_162 : vector<1x16xf32> to vector<16xf32>
      %swap3A_164 = vector.shape_cast %broadcast_in_dim3A_8 : vector<16xf32> to vector<1x16xf32>
      tpu.vector_store %arg8[%swap3A_160, %swap3A_161], %swap3A_164 {strides = array<i32>} : memref<128x128xf32, #tpu.memory_space<vmem>>, vector<1x16xf32>,
      %swap3A_165 = arith.index_cast %scan3A_130 : i32 to index
      %swap3A_166 = arith.constant 112 : index
      %swap3A_167 = tpu.vector_load %arg8[%swap3A_165, %swap3A_166] {strides = array<i32>} : memref<128x128xf32, #tpu.memory_space<vmem>>, vector<1x16xf32>,
      %swap3A_168 = vector.shape_cast %swap3A_167 : vector<1x16xf32> to vector<16xf32>
      %swap3A_169 = vector.shape_cast %broadcast_in_dim3A_8 : vector<16xf32> to vector<1x16xf32>
      tpu.vector_store %arg8[%swap3A_165, %swap3A_166], %swap3A_169 {strides = array<i32>} : memref<128x128xf32, #tpu.memory_space<vmem>>, vector<1x16xf32>,
    }
    %scan3A_13 = arith.constant 128 : i32
    %mul3A = arith.constant 640 : i32
    %mul3A_14 = arith.muli %arg1, %mul3A : i32
    %add3A = arith.constant 0 : i32
    %add3A_15 = arith.addi %mul3A_14, %add3A : i32
    "tpu.region"() ({
      %run_scoped3A = tpu.sem_alloc : memref<!tpu.dma_semaphore, #tpu.memory_space<semaphore_mem>>
      %dma_start3A_130 = arith.constant 0 : i32
      %dma_start3A_131 = tpu.memref_slice %arg10[%add3A_15, %dma_start3A_130] : memref<10240x128xf32, #tpu.memory_space<vmem_shared>> -> memref<128x128xf32, #tpu.memory_space<vmem_shared>>
      %dma_start3A_132 = arith.constant 0 : i32
      %dma_start3A_133 = tpu.memref_slice %arg10[%add3A_15, %dma_start3A_132] : memref<10240x128xf32, #tpu.memory_space<vmem_shared>> -> memref<128x128xf32, #tpu.memory_space<vmem_shared>>
      tpu.enqueue_dma source(%arg8 : memref<128x128xf32, #tpu.memory_space<vmem>>) target(%dma_start3A_133 : memref<128x128xf32, #tpu.memory_space<vmem_shared>>) target_semaphore(%run_scoped3A : memref<!tpu.dma_semaphore, #tpu.memory_space<semaphore_mem>>)
      %dma_wait3A_134 = arith.constant 0 : i32
      %dma_wait3A_135 = tpu.memref_slice %arg10[%add3A_15, %dma_wait3A_134] : memref<10240x128xf32, #tpu.memory_space<vmem_shared>> -> memref<128x128xf32, #tpu.memory_space<vmem_shared>>
      %dma_wait3A_136 = arith.constant 0 : i32
      %dma_wait3A_137 = tpu.memref_slice %arg10[%add3A_15, %dma_wait3A_136] : memref<10240x128xf32, #tpu.memory_space<vmem_shared>> -> memref<128x128xf32, #tpu.memory_space<vmem_shared>>
      tpu.wait_dma2 semaphore(%run_scoped3A : memref<!tpu.dma_semaphore, #tpu.memory_space<semaphore_mem>>) src(%arg8 : memref<128x128xf32, #tpu.memory_space<vmem>>) dst(%dma_wait3A_137 : memref<128x128xf32, #tpu.memory_space<vmem_shared>>)
      tpu.yield
    }) : () -> ()
    %mul3A_16 = arith.constant 640 : i32
    %mul3A_17 = arith.muli %arg1, %mul3A_16 : i32
    %add3A_18 = arith.constant 128 : i32
    %add3A_19 = arith.addi %mul3A_17, %add3A_18 : i32
    "tpu.region"() ({
      %run_scoped3A = tpu.sem_alloc : memref<!tpu.dma_semaphore, #tpu.memory_space<semaphore_mem>>
      %dma_start3A_130 = arith.constant 0 : i32
      %dma_start3A_131 = tpu.memref_slice %arg10[%add3A_19, %dma_start3A_130] : memref<10240x128xf32, #tpu.memory_space<vmem_shared>> -> memref<128x128xf32, #tpu.memory_space<vmem_shared>>
      %dma_start3A_132 = arith.constant 0 : i32
      %dma_start3A_133 = tpu.memref_slice %arg10[%add3A_19, %dma_start3A_132] : memref<10240x128xf32, #tpu.memory_space<vmem_shared>> -> memref<128x128xf32, #tpu.memory_space<vmem_shared>>
      tpu.enqueue_dma source(%arg8 : memref<128x128xf32, #tpu.memory_space<vmem>>) target(%dma_start3A_133 : memref<128x128xf32, #tpu.memory_space<vmem_shared>>) target_semaphore(%run_scoped3A : memref<!tpu.dma_semaphore, #tpu.memory_space<semaphore_mem>>)
      %dma_wait3A_134 = arith.constant 0 : i32
      %dma_wait3A_135 = tpu.memref_slice %arg10[%add3A_19, %dma_wait3A_134] : memref<10240x128xf32, #tpu.memory_space<vmem_shared>> -> memref<128x128xf32, #tpu.memory_space<vmem_shared>>
      %dma_wait3A_136 = arith.constant 0 : i32
      %dma_wait3A_137 = tpu.memref_slice %arg10[%add3A_19, %dma_wait3A_136] : memref<10240x128xf32, #tpu.memory_space<vmem_shared>> -> memref<128x128xf32, #tpu.memory_space<vmem_shared>>
      tpu.wait_dma2 semaphore(%run_scoped3A : memref<!tpu.dma_semaphore, #tpu.memory_space<semaphore_mem>>) src(%arg8 : memref<128x128xf32, #tpu.memory_space<vmem>>) dst(%dma_wait3A_137 : memref<128x128xf32, #tpu.memory_space<vmem_shared>>)
      tpu.yield
    }) : () -> ()
    %mul3A_20 = arith.constant 640 : i32
    %mul3A_21 = arith.muli %arg1, %mul3A_20 : i32
    %add3A_22 = arith.constant 256 : i32
    %add3A_23 = arith.addi %mul3A_21, %add3A_22 : i32
    "tpu.region"() ({
      %run_scoped3A = tpu.sem_alloc : memref<!tpu.dma_semaphore, #tpu.memory_space<semaphore_mem>>
      %dma_start3A_130 = arith.constant 0 : i32
      %dma_start3A_131 = tpu.memref_slice %arg10[%add3A_23, %dma_start3A_130] : memref<10240x128xf32, #tpu.memory_space<vmem_shared>> -> memref<128x128xf32, #tpu.memory_space<vmem_shared>>
      %dma_start3A_132 = arith.constant 0 : i32
      %dma_start3A_133 = tpu.memref_slice %arg10[%add3A_23, %dma_start3A_132] : memref<10240x128xf32, #tpu.memory_space<vmem_shared>> -> memref<128x128xf32, #tpu.memory_space<vmem_shared>>
      tpu.enqueue_dma source(%arg8 : memref<128x128xf32, #tpu.memory_space<vmem>>) target(%dma_start3A_133 : memref<128x128xf32, #tpu.memory_space<vmem_shared>>) target_semaphore(%run_scoped3A : memref<!tpu.dma_semaphore, #tpu.memory_space<semaphore_mem>>)
      %dma_wait3A_134 = arith.constant 0 : i32
      %dma_wait3A_135 = tpu.memref_slice %arg10[%add3A_23, %dma_wait3A_134] : memref<10240x128xf32, #tpu.memory_space<vmem_shared>> -> memref<128x128xf32, #tpu.memory_space<vmem_shared>>
      %dma_wait3A_136 = arith.constant 0 : i32
      %dma_wait3A_137 = tpu.memref_slice %arg10[%add3A_23, %dma_wait3A_136] : memref<10240x128xf32, #tpu.memory_space<vmem_shared>> -> memref<128x128xf32, #tpu.memory_space<vmem_shared>>
      tpu.wait_dma2 semaphore(%run_scoped3A : memref<!tpu.dma_semaphore, #tpu.memory_space<semaphore_mem>>) src(%arg8 : memref<128x128xf32, #tpu.memory_space<vmem>>) dst(%dma_wait3A_137 : memref<128x128xf32, #tpu.memory_space<vmem_shared>>)
      tpu.yield
    }) : () -> ()
    %mul3A_24 = arith.constant 640 : i32
    %mul3A_25 = arith.muli %arg1, %mul3A_24 : i32
    %add3A_26 = arith.constant 384 : i32
    %add3A_27 = arith.addi %mul3A_25, %add3A_26 : i32
    "tpu.region"() ({
      %run_scoped3A = tpu.sem_alloc : memref<!tpu.dma_semaphore, #tpu.memory_space<semaphore_mem>>
      %dma_start3A_130 = arith.constant 0 : i32
      %dma_start3A_131 = tpu.memref_slice %arg10[%add3A_27, %dma_start3A_130] : memref<10240x128xf32, #tpu.memory_space<vmem_shared>> -> memref<128x128xf32, #tpu.memory_space<vmem_shared>>
      %dma_start3A_132 = arith.constant 0 : i32
      %dma_start3A_133 = tpu.memref_slice %arg10[%add3A_27, %dma_start3A_132] : memref<10240x128xf32, #tpu.memory_space<vmem_shared>> -> memref<128x128xf32, #tpu.memory_space<vmem_shared>>
      tpu.enqueue_dma source(%arg8 : memref<128x128xf32, #tpu.memory_space<vmem>>) target(%dma_start3A_133 : memref<128x128xf32, #tpu.memory_space<vmem_shared>>) target_semaphore(%run_scoped3A : memref<!tpu.dma_semaphore, #tpu.memory_space<semaphore_mem>>)
      %dma_wait3A_134 = arith.constant 0 : i32
      %dma_wait3A_135 = tpu.memref_slice %arg10[%add3A_27, %dma_wait3A_134] : memref<10240x128xf32, #tpu.memory_space<vmem_shared>> -> memref<128x128xf32, #tpu.memory_space<vmem_shared>>
      %dma_wait3A_136 = arith.constant 0 : i32
      %dma_wait3A_137 = tpu.memref_slice %arg10[%add3A_27, %dma_wait3A_136] : memref<10240x128xf32, #tpu.memory_space<vmem_shared>> -> memref<128x128xf32, #tpu.memory_space<vmem_shared>>
      tpu.wait_dma2 semaphore(%run_scoped3A : memref<!tpu.dma_semaphore, #tpu.memory_space<semaphore_mem>>) src(%arg8 : memref<128x128xf32, #tpu.memory_space<vmem>>) dst(%dma_wait3A_137 : memref<128x128xf32, #tpu.memory_space<vmem_shared>>)
      tpu.yield
    }) : () -> ()
    %mul3A_28 = arith.constant 640 : i32
    %mul3A_29 = arith.muli %arg1, %mul3A_28 : i32
    %add3A_30 = arith.constant 512 : i32
    %add3A_31 = arith.addi %mul3A_29, %add3A_30 : i32
    "tpu.region"() ({
      %run_scoped3A = tpu.sem_alloc : memref<!tpu.dma_semaphore, #tpu.memory_space<semaphore_mem>>
      %dma_start3A_130 = arith.constant 0 : i32
      %dma_start3A_131 = tpu.memref_slice %arg10[%add3A_31, %dma_start3A_130] : memref<10240x128xf32, #tpu.memory_space<vmem_shared>> -> memref<128x128xf32, #tpu.memory_space<vmem_shared>>
      %dma_start3A_132 = arith.constant 0 : i32
      %dma_start3A_133 = tpu.memref_slice %arg10[%add3A_31, %dma_start3A_132] : memref<10240x128xf32, #tpu.memory_space<vmem_shared>> -> memref<128x128xf32, #tpu.memory_space<vmem_shared>>
      tpu.enqueue_dma source(%arg8 : memref<128x128xf32, #tpu.memory_space<vmem>>) target(%dma_start3A_133 : memref<128x128xf32, #tpu.memory_space<vmem_shared>>) target_semaphore(%run_scoped3A : memref<!tpu.dma_semaphore, #tpu.memory_space<semaphore_mem>>)
      %dma_wait3A_134 = arith.constant 0 : i32
      %dma_wait3A_135 = tpu.memref_slice %arg10[%add3A_31, %dma_wait3A_134] : memref<10240x128xf32, #tpu.memory_space<vmem_shared>> -> memref<128x128xf32, #tpu.memory_space<vmem_shared>>
      %dma_wait3A_136 = arith.constant 0 : i32
      %dma_wait3A_137 = tpu.memref_slice %arg10[%add3A_31, %dma_wait3A_136] : memref<10240x128xf32, #tpu.memory_space<vmem_shared>> -> memref<128x128xf32, #tpu.memory_space<vmem_shared>>
      tpu.wait_dma2 semaphore(%run_scoped3A : memref<!tpu.dma_semaphore, #tpu.memory_space<semaphore_mem>>) src(%arg8 : memref<128x128xf32, #tpu.memory_space<vmem>>) dst(%dma_wait3A_137 : memref<128x128xf32, #tpu.memory_space<vmem_shared>>)
      tpu.yield
    }) : () -> ()
    %barrier3A = arith.constant 0 : index
    tpu.barrier barrier_id(%barrier3A)
    %add3A_32 = arith.constant 0 : i32
    %add3A_33 = arith.addi %select_n3A_2, %add3A_32 : i32
    "tpu.region"() ({
      %run_scoped3A = tpu.sem_alloc : memref<!tpu.dma_semaphore, #tpu.memory_space<semaphore_mem>>
      %dma_start3A_130 = arith.constant 0 : i32
      %dma_start3A_131 = arith.constant 0 : i32
      %dma_start3A_132 = tpu.memref_slice %arg6[%dma_start3A_130, %dma_start3A_131] : memref<32x128xi32, #tpu.memory_space<vmem>> -> memref<16x128xi32, #tpu.memory_space<vmem>>
      %dma_start3A_133 = arith.constant 0 : i32
      %dma_start3A_134 = tpu.memref_slice %arg3[%arg1, %add3A_33, %dma_start3A_133] : memref<16x160x128xi32, #tpu.memory_space<hbm>> -> memref<1x16x128xi32, #tpu.memory_space<hbm>>
      %dma_start3A_135 = tpu.memref_squeeze %dma_start3A_134 : memref<1x16x128xi32, #tpu.memory_space<hbm>> -> memref<16x128xi32, #tpu.memory_space<hbm>>
      %dma_start3A_136 = arith.constant 0 : i32
      %dma_start3A_137 = arith.constant 0 : i32
      %dma_start3A_138 = tpu.memref_slice %arg6[%dma_start3A_136, %dma_start3A_137] : memref<32x128xi32, #tpu.memory_space<vmem>> -> memref<16x128xi32, #tpu.memory_space<vmem>>
      %dma_start3A_139 = arith.constant 0 : i32
      %dma_start3A_140 = tpu.memref_slice %arg3[%arg1, %add3A_33, %dma_start3A_139] : memref<16x160x128xi32, #tpu.memory_space<hbm>> -> memref<1x16x128xi32, #tpu.memory_space<hbm>>
      %dma_start3A_141 = tpu.memref_squeeze %dma_start3A_140 : memref<1x16x128xi32, #tpu.memory_space<hbm>> -> memref<16x128xi32, #tpu.memory_space<hbm>>
      tpu.enqueue_dma source(%dma_start3A_141 : memref<16x128xi32, #tpu.memory_space<hbm>>) target(%dma_start3A_138 : memref<16x128xi32, #tpu.memory_space<vmem>>) target_semaphore(%run_scoped3A : memref<!tpu.dma_semaphore, #tpu.memory_space<semaphore_mem>>)
      %dma_wait3A_142 = arith.constant 0 : i32
      %dma_wait3A_143 = arith.constant 0 : i32
      %dma_wait3A_144 = tpu.memref_slice %arg6[%dma_wait3A_142, %dma_wait3A_143] : memref<32x128xi32, #tpu.memory_space<vmem>> -> memref<16x128xi32, #tpu.memory_space<vmem>>
      %dma_wait3A_145 = arith.constant 0 : i32
      %dma_wait3A_146 = tpu.memref_slice %arg3[%arg1, %add3A_33, %dma_wait3A_145] : memref<16x160x128xi32, #tpu.memory_space<hbm>> -> memref<1x16x128xi32, #tpu.memory_space<hbm>>
      %dma_wait3A_147 = tpu.memref_squeeze %dma_wait3A_146 : memref<1x16x128xi32, #tpu.memory_space<hbm>> -> memref<16x128xi32, #tpu.memory_space<hbm>>
      %dma_wait3A_148 = arith.constant 0 : i32
      %dma_wait3A_149 = arith.constant 0 : i32
      %dma_wait3A_150 = tpu.memref_slice %arg6[%dma_wait3A_148, %dma_wait3A_149] : memref<32x128xi32, #tpu.memory_space<vmem>> -> memref<16x128xi32, #tpu.memory_space<vmem>>
      %dma_wait3A_151 = arith.constant 0 : i32
      %dma_wait3A_152 = tpu.memref_slice %arg3[%arg1, %add3A_33, %dma_wait3A_151] : memref<16x160x128xi32, #tpu.memory_space<hbm>> -> memref<1x16x128xi32, #tpu.memory_space<hbm>>
      %dma_wait3A_153 = tpu.memref_squeeze %dma_wait3A_152 : memref<1x16x128xi32, #tpu.memory_space<hbm>> -> memref<16x128xi32, #tpu.memory_space<hbm>>
      tpu.wait_dma2 semaphore(%run_scoped3A : memref<!tpu.dma_semaphore, #tpu.memory_space<semaphore_mem>>) src(%dma_wait3A_153 : memref<16x128xi32, #tpu.memory_space<hbm>>) dst(%dma_wait3A_150 : memref<16x128xi32, #tpu.memory_space<vmem>>)
      tpu.yield
    }) : () -> ()
    %add3A_34 = arith.constant 0 : i32
    %add3A_35 = arith.addi %select_n3A_2, %add3A_34 : i32
    "tpu.region"() ({
      %run_scoped3A = tpu.sem_alloc : memref<!tpu.dma_semaphore, #tpu.memory_space<semaphore_mem>>
      %dma_start3A_130 = arith.constant 0 : i32
      %dma_start3A_131 = arith.constant 0 : i32
      %dma_start3A_132 = tpu.memref_slice %arg7[%dma_start3A_130, %dma_start3A_131] : memref<32x128xi32, #tpu.memory_space<vmem>> -> memref<16x128xi32, #tpu.memory_space<vmem>>
      %dma_start3A_133 = arith.constant 0 : i32
      %dma_start3A_134 = tpu.memref_slice %arg4[%arg1, %add3A_35, %dma_start3A_133] : memref<16x160x128xi32, #tpu.memory_space<hbm>> -> memref<1x16x128xi32, #tpu.memory_space<hbm>>
      %dma_start3A_135 = tpu.memref_squeeze %dma_start3A_134 : memref<1x16x128xi32, #tpu.memory_space<hbm>> -> memref<16x128xi32, #tpu.memory_space<hbm>>
      %dma_start3A_136 = arith.constant 0 : i32
      %dma_start3A_137 = arith.constant 0 : i32
      %dma_start3A_138 = tpu.memref_slice %arg7[%dma_start3A_136, %dma_start3A_137] : memref<32x128xi32, #tpu.memory_space<vmem>> -> memref<16x128xi32, #tpu.memory_space<vmem>>
      %dma_start3A_139 = arith.constant 0 : i32
      %dma_start3A_140 = tpu.memref_slice %arg4[%arg1, %add3A_35, %dma_start3A_139] : memref<16x160x128xi32, #tpu.memory_space<hbm>> -> memref<1x16x128xi32, #tpu.memory_space<hbm>>
      %dma_start3A_141 = tpu.memref_squeeze %dma_start3A_140 : memref<1x16x128xi32, #tpu.memory_space<hbm>> -> memref<16x128xi32, #tpu.memory_space<hbm>>
      tpu.enqueue_dma source(%dma_start3A_141 : memref<16x128xi32, #tpu.memory_space<hbm>>) target(%dma_start3A_138 : memref<16x128xi32, #tpu.memory_space<vmem>>) target_semaphore(%run_scoped3A : memref<!tpu.dma_semaphore, #tpu.memory_space<semaphore_mem>>)
      %dma_wait3A_142 = arith.constant 0 : i32
      %dma_wait3A_143 = arith.constant 0 : i32
      %dma_wait3A_144 = tpu.memref_slice %arg7[%dma_wait3A_142, %dma_wait3A_143] : memref<32x128xi32, #tpu.memory_space<vmem>> -> memref<16x128xi32, #tpu.memory_space<vmem>>
      %dma_wait3A_145 = arith.constant 0 : i32
      %dma_wait3A_146 = tpu.memref_slice %arg4[%arg1, %add3A_35, %dma_wait3A_145] : memref<16x160x128xi32, #tpu.memory_space<hbm>> -> memref<1x16x128xi32, #tpu.memory_space<hbm>>
      %dma_wait3A_147 = tpu.memref_squeeze %dma_wait3A_146 : memref<1x16x128xi32, #tpu.memory_space<hbm>> -> memref<16x128xi32, #tpu.memory_space<hbm>>
      %dma_wait3A_148 = arith.constant 0 : i32
      %dma_wait3A_149 = arith.constant 0 : i32
      %dma_wait3A_150 = tpu.memref_slice %arg7[%dma_wait3A_148, %dma_wait3A_149] : memref<32x128xi32, #tpu.memory_space<vmem>> -> memref<16x128xi32, #tpu.memory_space<vmem>>
      %dma_wait3A_151 = arith.constant 0 : i32
      %dma_wait3A_152 = tpu.memref_slice %arg4[%arg1, %add3A_35, %dma_wait3A_151] : memref<16x160x128xi32, #tpu.memory_space<hbm>> -> memref<1x16x128xi32, #tpu.memory_space<hbm>>
      %dma_wait3A_153 = tpu.memref_squeeze %dma_wait3A_152 : memref<1x16x128xi32, #tpu.memory_space<hbm>> -> memref<16x128xi32, #tpu.memory_space<hbm>>
      tpu.wait_dma2 semaphore(%run_scoped3A : memref<!tpu.dma_semaphore, #tpu.memory_space<semaphore_mem>>) src(%dma_wait3A_153 : memref<16x128xi32, #tpu.memory_space<hbm>>) dst(%dma_wait3A_150 : memref<16x128xi32, #tpu.memory_space<vmem>>)
      tpu.yield
    }) : () -> ()
    %dma_start3A = arith.constant 0 : i32
    %dma_start3A_36 = arith.constant 0 : i32
    %dma_start3A_37 = tpu.memref_slice %arg6[%dma_start3A, %dma_start3A_36] : memref<32x128xi32, #tpu.memory_space<vmem>> -> memref<1x128xi32, #tpu.memory_space<vmem>>
    %dma_start3A_38 = tpu.memref_squeeze %dma_start3A_37 : memref<1x128xi32, #tpu.memory_space<vmem>> -> memref<128xi32, #tpu.memory_space<vmem>>
    %dma_start3A_39 = arith.constant 0 : i32
    %dma_start3A_40 = arith.constant 0 : i32
    %dma_start3A_41 = tpu.memref_slice %arg2[%dma_start3A_39, %dma_start3A_40] : memref<10000x128xf32, #tpu.memory_space<hbm>> -> memref<10000x128xf32, #tpu.memory_space<hbm>>
    tpu.enqueue_indirect_dma source(%dma_start3A_41 : memref<10000x128xf32, #tpu.memory_space<hbm>>) target(%arg8 : memref<128x128xf32, #tpu.memory_space<vmem>>) offsets(%dma_start3A_38 : memref<128xi32, #tpu.memory_space<vmem>>) semaphore(%arg11 : memref<!tpu.dma_semaphore, #tpu.memory_space<semaphore_mem>>)
    %jit3A = arith.constant 2 : i32
    %div3A = arith.divsi %select_n3A_7, %jit3A : i32
    %sign3A = arith.constant 0 : i32
    %sign3A_42 = arith.cmpi sgt, %select_n3A_7, %sign3A : i32
    %sign3A_43 = arith.extui %sign3A_42 : i1 to i32
    %sign3A_44 = arith.constant 0 : i32
    %sign3A_45 = arith.cmpi slt, %select_n3A_7, %sign3A_44 : i32
    %sign3A_46 = arith.extui %sign3A_45 : i1 to i32
    %sign3A_47 = arith.subi %sign3A_43, %sign3A_46 : i32
    %sign3A_48 = arith.constant 0 : i32
    %sign3A_49 = arith.cmpi sgt, %jit3A, %sign3A_48 : i32
    %sign3A_50 = arith.extui %sign3A_49 : i1 to i32
    %sign3A_51 = arith.constant 0 : i32
    %sign3A_52 = arith.cmpi slt, %jit3A, %sign3A_51 : i32
    %sign3A_53 = arith.extui %sign3A_52 : i1 to i32
    %sign3A_54 = arith.subi %sign3A_50, %sign3A_53 : i32
    %ne3A = arith.cmpi ne, %sign3A_47, %sign3A_54 : i32
    %rem3A = arith.remsi %select_n3A_7, %jit3A : i32
    %ne3A_55 = arith.constant 0 : i32
    %ne3A_56 = arith.cmpi ne, %rem3A, %ne3A_55 : i32
    %and3A = arith.andi %ne3A, %ne3A_56 : i1
    %sub3A = arith.constant 1 : i32
    %sub3A_57 = arith.subi %div3A, %sub3A : i32
    %select_n3A_58 = arith.select %and3A, %sub3A_57, %div3A : i32
    %while3A = arith.constant 0 : i32
    %while3A_59 = arith.constant 0 : i32
    %while3A_60 = arith.subi %select_n3A_58, %while3A_59 : i32
    %while3A_61 = arith.addi %while3A_59, %while3A_60 : i32
    %while3A_62 = arith.constant 1 : i32
    %while3A_63 = arith.divsi %while3A_60, %while3A_62 : i32
    %while3A_64 = arith.muli %while3A_63, %while3A_62 : i32
    %while3A_65 = arith.addi %while3A_59, %while3A_64 : i32
    %while3A_66 = arith.constant 1 : i32
    scf.for %while3A_130 = %while3A_59 to %while3A_65 step %while3A_66  : i32 {
      %mul3A_131 = arith.constant 2 : i32
      %mul3A_132 = arith.muli %mul3A_131, %while3A_130 : i32
      %jit3A_133 = arith.constant 16 : i32
      %div3A_134 = arith.divsi %mul3A_132, %jit3A_133 : i32
      %sign3A_135 = arith.constant 0 : i32
      %sign3A_136 = arith.cmpi sgt, %mul3A_132, %sign3A_135 : i32
      %sign3A_137 = arith.extui %sign3A_136 : i1 to i32
      %sign3A_138 = arith.constant 0 : i32
      %sign3A_139 = arith.cmpi slt, %mul3A_132, %sign3A_138 : i32
      %sign3A_140 = arith.extui %sign3A_139 : i1 to i32
      %sign3A_141 = arith.subi %sign3A_137, %sign3A_140 : i32
      %sign3A_142 = arith.constant 0 : i32
      %sign3A_143 = arith.cmpi sgt, %jit3A_133, %sign3A_142 : i32
      %sign3A_144 = arith.extui %sign3A_143 : i1 to i32
      %sign3A_145 = arith.constant 0 : i32
      %sign3A_146 = arith.cmpi slt, %jit3A_133, %sign3A_145 : i32
      %sign3A_147 = arith.extui %sign3A_146 : i1 to i32
      %sign3A_148 = arith.subi %sign3A_144, %sign3A_147 : i32
      %ne3A_149 = arith.cmpi ne, %sign3A_141, %sign3A_148 : i32
      %rem3A_150 = arith.remsi %mul3A_132, %jit3A_133 : i32
      %ne3A_151 = arith.constant 0 : i32
      %ne3A_152 = arith.cmpi ne, %rem3A_150, %ne3A_151 : i32
      %and3A_153 = arith.andi %ne3A_149, %ne3A_152 : i1
      %sub3A_154 = arith.constant 1 : i32
      %sub3A_155 = arith.subi %div3A_134, %sub3A_154 : i32
      %select_n3A_156 = arith.select %and3A_153, %sub3A_155, %div3A_134 : i32
      %add3A_157 = arith.constant 1 : i32
      %add3A_158 = arith.addi %select_n3A_156, %add3A_157 : i32
      %rem3A_159 = arith.constant 8 : i32
      %rem3A_160 = arith.remsi %while3A_130, %rem3A_159 : i32
      %eq3A_161 = arith.constant 0 : i32
      %eq3A_162 = arith.cmpi eq, %rem3A_160, %eq3A_161 : i32
      %jit3A_163 = arith.constant 16 : i32
      %div3A_164 = arith.divsi %select_n3A_7, %jit3A_163 : i32
      %sign3A_165 = arith.constant 0 : i32
      %sign3A_166 = arith.cmpi sgt, %select_n3A_7, %sign3A_165 : i32
      %sign3A_167 = arith.extui %sign3A_166 : i1 to i32
      %sign3A_168 = arith.constant 0 : i32
      %sign3A_169 = arith.cmpi slt, %select_n3A_7, %sign3A_168 : i32
      %sign3A_170 = arith.extui %sign3A_169 : i1 to i32
      %sign3A_171 = arith.subi %sign3A_167, %sign3A_170 : i32
      %sign3A_172 = arith.constant 0 : i32
      %sign3A_173 = arith.cmpi sgt, %jit3A_163, %sign3A_172 : i32
      %sign3A_174 = arith.extui %sign3A_173 : i1 to i32
      %sign3A_175 = arith.constant 0 : i32
      %sign3A_176 = arith.cmpi slt, %jit3A_163, %sign3A_175 : i32
      %sign3A_177 = arith.extui %sign3A_176 : i1 to i32
      %sign3A_178 = arith.subi %sign3A_174, %sign3A_177 : i32
      %ne3A_179 = arith.cmpi ne, %sign3A_171, %sign3A_178 : i32
      %rem3A_180 = arith.remsi %select_n3A_7, %jit3A_163 : i32
      %ne3A_181 = arith.constant 0 : i32
      %ne3A_182 = arith.cmpi ne, %rem3A_180, %ne3A_181 : i32
      %and3A_183 = arith.andi %ne3A_179, %ne3A_182 : i1
      %sub3A_184 = arith.constant 1 : i32
      %sub3A_185 = arith.subi %div3A_164, %sub3A_184 : i32
      %select_n3A_186 = arith.select %and3A_183, %sub3A_185, %div3A_164 : i32
      %lt3A = arith.cmpi slt, %add3A_158, %select_n3A_186 : i32
      %and3A_187 = arith.andi %eq3A_162, %lt3A : i1
      %convert_element_type3A = arith.extui %and3A_187 : i1 to i32
      %cond3A = arith.constant 0 : i32
      %cond3A_188 = arith.cmpi ne, %convert_element_type3A, %cond3A : i32
      scf.if %cond3A_188 {
        %rem3A_229 = arith.constant 2 : i32
        %rem3A_230 = arith.remsi %add3A_158, %rem3A_229 : i32
        %mul3A_231 = arith.constant 16 : i32
        %mul3A_232 = arith.muli %add3A_158, %mul3A_231 : i32
        %add3A_233 = arith.addi %select_n3A_2, %mul3A_232 : i32
        %mul3A_234 = arith.constant 16 : i32
        %mul3A_235 = arith.muli %rem3A_230, %mul3A_234 : i32
        "tpu.region"() ({
          %run_scoped3A = tpu.sem_alloc : memref<!tpu.dma_semaphore, #tpu.memory_space<semaphore_mem>>
          %dma_start3A_241 = arith.constant 0 : i32
          %dma_start3A_242 = tpu.memref_slice %arg6[%mul3A_235, %dma_start3A_241] : memref<32x128xi32, #tpu.memory_space<vmem>> -> memref<16x128xi32, #tpu.memory_space<vmem>>
          %dma_start3A_243 = arith.constant 0 : i32
          %dma_start3A_244 = tpu.memref_slice %arg3[%arg1, %add3A_233, %dma_start3A_243] : memref<16x160x128xi32, #tpu.memory_space<hbm>> -> memref<1x16x128xi32, #tpu.memory_space<hbm>>
          %dma_start3A_245 = tpu.memref_squeeze %dma_start3A_244 : memref<1x16x128xi32, #tpu.memory_space<hbm>> -> memref<16x128xi32, #tpu.memory_space<hbm>>
          %dma_start3A_246 = arith.constant 0 : i32
          %dma_start3A_247 = tpu.memref_slice %arg6[%mul3A_235, %dma_start3A_246] : memref<32x128xi32, #tpu.memory_space<vmem>> -> memref<16x128xi32, #tpu.memory_space<vmem>>
          %dma_start3A_248 = arith.constant 0 : i32
          %dma_start3A_249 = tpu.memref_slice %arg3[%arg1, %add3A_233, %dma_start3A_248] : memref<16x160x128xi32, #tpu.memory_space<hbm>> -> memref<1x16x128xi32, #tpu.memory_space<hbm>>
          %dma_start3A_250 = tpu.memref_squeeze %dma_start3A_249 : memref<1x16x128xi32, #tpu.memory_space<hbm>> -> memref<16x128xi32, #tpu.memory_space<hbm>>
          tpu.enqueue_dma source(%dma_start3A_250 : memref<16x128xi32, #tpu.memory_space<hbm>>) target(%dma_start3A_247 : memref<16x128xi32, #tpu.memory_space<vmem>>) target_semaphore(%run_scoped3A : memref<!tpu.dma_semaphore, #tpu.memory_space<semaphore_mem>>)
          %dma_wait3A_251 = arith.constant 0 : i32
          %dma_wait3A_252 = tpu.memref_slice %arg6[%mul3A_235, %dma_wait3A_251] : memref<32x128xi32, #tpu.memory_space<vmem>> -> memref<16x128xi32, #tpu.memory_space<vmem>>
          %dma_wait3A_253 = arith.constant 0 : i32
          %dma_wait3A_254 = tpu.memref_slice %arg3[%arg1, %add3A_233, %dma_wait3A_253] : memref<16x160x128xi32, #tpu.memory_space<hbm>> -> memref<1x16x128xi32, #tpu.memory_space<hbm>>
          %dma_wait3A_255 = tpu.memref_squeeze %dma_wait3A_254 : memref<1x16x128xi32, #tpu.memory_space<hbm>> -> memref<16x128xi32, #tpu.memory_space<hbm>>
          %dma_wait3A_256 = arith.constant 0 : i32
          %dma_wait3A_257 = tpu.memref_slice %arg6[%mul3A_235, %dma_wait3A_256] : memref<32x128xi32, #tpu.memory_space<vmem>> -> memref<16x128xi32, #tpu.memory_space<vmem>>
          %dma_wait3A_258 = arith.constant 0 : i32
          %dma_wait3A_259 = tpu.memref_slice %arg3[%arg1, %add3A_233, %dma_wait3A_258] : memref<16x160x128xi32, #tpu.memory_space<hbm>> -> memref<1x16x128xi32, #tpu.memory_space<hbm>>
          %dma_wait3A_260 = tpu.memref_squeeze %dma_wait3A_259 : memref<1x16x128xi32, #tpu.memory_space<hbm>> -> memref<16x128xi32, #tpu.memory_space<hbm>>
          tpu.wait_dma2 semaphore(%run_scoped3A : memref<!tpu.dma_semaphore, #tpu.memory_space<semaphore_mem>>) src(%dma_wait3A_260 : memref<16x128xi32, #tpu.memory_space<hbm>>) dst(%dma_wait3A_257 : memref<16x128xi32, #tpu.memory_space<vmem>>)
          tpu.yield
        }) : () -> ()
        %mul3A_236 = arith.constant 16 : i32
        %mul3A_237 = arith.muli %add3A_158, %mul3A_236 : i32
        %add3A_238 = arith.addi %select_n3A_2, %mul3A_237 : i32
        %mul3A_239 = arith.constant 16 : i32
        %mul3A_240 = arith.muli %rem3A_230, %mul3A_239 : i32
        "tpu.region"() ({
          %run_scoped3A = tpu.sem_alloc : memref<!tpu.dma_semaphore, #tpu.memory_space<semaphore_mem>>
          %dma_start3A_241 = arith.constant 0 : i32
          %dma_start3A_242 = tpu.memref_slice %arg7[%mul3A_240, %dma_start3A_241] : memref<32x128xi32, #tpu.memory_space<vmem>> -> memref<16x128xi32, #tpu.memory_space<vmem>>
          %dma_start3A_243 = arith.constant 0 : i32
          %dma_start3A_244 = tpu.memref_slice %arg4[%arg1, %add3A_238, %dma_start3A_243] : memref<16x160x128xi32, #tpu.memory_space<hbm>> -> memref<1x16x128xi32, #tpu.memory_space<hbm>>
          %dma_start3A_245 = tpu.memref_squeeze %dma_start3A_244 : memref<1x16x128xi32, #tpu.memory_space<hbm>> -> memref<16x128xi32, #tpu.memory_space<hbm>>
          %dma_start3A_246 = arith.constant 0 : i32
          %dma_start3A_247 = tpu.memref_slice %arg7[%mul3A_240, %dma_start3A_246] : memref<32x128xi32, #tpu.memory_space<vmem>> -> memref<16x128xi32, #tpu.memory_space<vmem>>
          %dma_start3A_248 = arith.constant 0 : i32
          %dma_start3A_249 = tpu.memref_slice %arg4[%arg1, %add3A_238, %dma_start3A_248] : memref<16x160x128xi32, #tpu.memory_space<hbm>> -> memref<1x16x128xi32, #tpu.memory_space<hbm>>
          %dma_start3A_250 = tpu.memref_squeeze %dma_start3A_249 : memref<1x16x128xi32, #tpu.memory_space<hbm>> -> memref<16x128xi32, #tpu.memory_space<hbm>>
          tpu.enqueue_dma source(%dma_start3A_250 : memref<16x128xi32, #tpu.memory_space<hbm>>) target(%dma_start3A_247 : memref<16x128xi32, #tpu.memory_space<vmem>>) target_semaphore(%run_scoped3A : memref<!tpu.dma_semaphore, #tpu.memory_space<semaphore_mem>>)
          %dma_wait3A_251 = arith.constant 0 : i32
          %dma_wait3A_252 = tpu.memref_slice %arg7[%mul3A_240, %dma_wait3A_251] : memref<32x128xi32, #tpu.memory_space<vmem>> -> memref<16x128xi32, #tpu.memory_space<vmem>>
          %dma_wait3A_253 = arith.constant 0 : i32
          %dma_wait3A_254 = tpu.memref_slice %arg4[%arg1, %add3A_238, %dma_wait3A_253] : memref<16x160x128xi32, #tpu.memory_space<hbm>> -> memref<1x16x128xi32, #tpu.memory_space<hbm>>
          %dma_wait3A_255 = tpu.memref_squeeze %dma_wait3A_254 : memref<1x16x128xi32, #tpu.memory_space<hbm>> -> memref<16x128xi32, #tpu.memory_space<hbm>>
          %dma_wait3A_256 = arith.constant 0 : i32
          %dma_wait3A_257 = tpu.memref_slice %arg7[%mul3A_240, %dma_wait3A_256] : memref<32x128xi32, #tpu.memory_space<vmem>> -> memref<16x128xi32, #tpu.memory_space<vmem>>
          %dma_wait3A_258 = arith.constant 0 : i32
          %dma_wait3A_259 = tpu.memref_slice %arg4[%arg1, %add3A_238, %dma_wait3A_258] : memref<16x160x128xi32, #tpu.memory_space<hbm>> -> memref<1x16x128xi32, #tpu.memory_space<hbm>>
          %dma_wait3A_260 = tpu.memref_squeeze %dma_wait3A_259 : memref<1x16x128xi32, #tpu.memory_space<hbm>> -> memref<16x128xi32, #tpu.memory_space<hbm>>
          tpu.wait_dma2 semaphore(%run_scoped3A : memref<!tpu.dma_semaphore, #tpu.memory_space<semaphore_mem>>) src(%dma_wait3A_260 : memref<16x128xi32, #tpu.memory_space<hbm>>) dst(%dma_wait3A_257 : memref<16x128xi32, #tpu.memory_space<vmem>>)
          tpu.yield
        }) : () -> ()
      } else {
      }
      %dma_wait3A_189 = arith.constant 0 : i32
      %dma_wait3A_190 = arith.constant 0 : i32
      %dma_wait3A_191 = tpu.memref_slice %arg6[%dma_wait3A_189, %dma_wait3A_190] : memref<32x128xi32, #tpu.memory_space<vmem>> -> memref<1x128xi32, #tpu.memory_space<vmem>>
      %dma_wait3A_192 = tpu.memref_squeeze %dma_wait3A_191 : memref<1x128xi32, #tpu.memory_space<vmem>> -> memref<128xi32, #tpu.memory_space<vmem>>
      %dma_wait3A_193 = arith.constant 0 : i32
      %dma_wait3A_194 = arith.constant 0 : i32
      %dma_wait3A_195 = tpu.memref_slice %arg2[%dma_wait3A_193, %dma_wait3A_194] : memref<10000x128xf32, #tpu.memory_space<hbm>> -> memref<10000x128xf32, #tpu.memory_space<hbm>>
      tpu.wait_indirect_dma semaphore(%arg11 : memref<!tpu.dma_semaphore, #tpu.memory_space<semaphore_mem>>) src(%dma_wait3A_195 : memref<10000x128xf32, #tpu.memory_space<hbm>>) dst(%arg8 : memref<128x128xf32, #tpu.memory_space<vmem>>)
      %add3A_196 = arith.constant 1 : i32
      %add3A_197 = arith.addi %mul3A_132, %add3A_196 : i32
      %rem3A_198 = arith.constant 32 : i32
      %rem3A_199 = arith.remsi %add3A_197, %rem3A_198 : i32
      %dma_start3A_200 = arith.constant 0 : i32
      %dma_start3A_201 = tpu.memref_slice %arg6[%rem3A_199, %dma_start3A_200] : memref<32x128xi32, #tpu.memory_space<vmem>> -> memref<1x128xi32, #tpu.memory_space<vmem>>
      %dma_start3A_202 = tpu.memref_squeeze %dma_start3A_201 : memref<1x128xi32, #tpu.memory_space<vmem>> -> memref<128xi32, #tpu.memory_space<vmem>>
      %dma_start3A_203 = arith.constant 0 : i32
      %dma_start3A_204 = arith.constant 0 : i32
      %dma_start3A_205 = tpu.memref_slice %arg2[%dma_start3A_203, %dma_start3A_204] : memref<10000x128xf32, #tpu.memory_space<hbm>> -> memref<10000x128xf32, #tpu.memory_space<hbm>>
      tpu.enqueue_indirect_dma source(%dma_start3A_205 : memref<10000x128xf32, #tpu.memory_space<hbm>>) target(%arg9 : memref<128x128xf32, #tpu.memory_space<vmem>>) offsets(%dma_start3A_202 : memref<128xi32, #tpu.memory_space<vmem>>) semaphore(%arg12 : memref<!tpu.dma_semaphore, #tpu.memory_space<semaphore_mem>>)
      %rem3A_206 = arith.constant 32 : i32
      %rem3A_207 = arith.remsi %mul3A_132, %rem3A_206 : i32
      "tpu.region"() ({
        %run_scoped3A = tpu.sem_alloc : memref<!tpu.dma_semaphore, #tpu.memory_space<semaphore_mem>>
        %dma_start3A_229 = arith.constant 0 : i32
        %dma_start3A_230 = tpu.memref_slice %arg7[%rem3A_207, %dma_start3A_229] : memref<32x128xi32, #tpu.memory_space<vmem>> -> memref<1x128xi32, #tpu.memory_space<vmem>>
        %dma_start3A_231 = tpu.memref_squeeze %dma_start3A_230 : memref<1x128xi32, #tpu.memory_space<vmem>> -> memref<128xi32, #tpu.memory_space<vmem>>
        %dma_start3A_232 = arith.constant 0 : i32
        %dma_start3A_233 = arith.constant 0 : i32
        %dma_start3A_234 = tpu.memref_slice %arg10[%dma_start3A_232, %dma_start3A_233] : memref<10240x128xf32, #tpu.memory_space<vmem_shared>> -> memref<10240x128xf32, #tpu.memory_space<vmem_shared>>
        tpu.enqueue_indirect_dma source(%arg8 : memref<128x128xf32, #tpu.memory_space<vmem>>) target(%dma_start3A_234 : memref<10240x128xf32, #tpu.memory_space<vmem_shared>>) offsets(%dma_start3A_231 : memref<128xi32, #tpu.memory_space<vmem>>) semaphore(%run_scoped3A : memref<!tpu.dma_semaphore, #tpu.memory_space<semaphore_mem>>) {add = true}
        %dma_wait3A_235 = arith.constant 0 : i32
        %dma_wait3A_236 = tpu.memref_slice %arg7[%rem3A_207, %dma_wait3A_235] : memref<32x128xi32, #tpu.memory_space<vmem>> -> memref<1x128xi32, #tpu.memory_space<vmem>>
        %dma_wait3A_237 = tpu.memref_squeeze %dma_wait3A_236 : memref<1x128xi32, #tpu.memory_space<vmem>> -> memref<128xi32, #tpu.memory_space<vmem>>
        %dma_wait3A_238 = arith.constant 0 : i32
        %dma_wait3A_239 = arith.constant 0 : i32
        %dma_wait3A_240 = tpu.memref_slice %arg10[%dma_wait3A_238, %dma_wait3A_239] : memref<10240x128xf32, #tpu.memory_space<vmem_shared>> -> memref<10240x128xf32, #tpu.memory_space<vmem_shared>>
        tpu.wait_indirect_dma semaphore(%run_scoped3A : memref<!tpu.dma_semaphore, #tpu.memory_space<semaphore_mem>>) src(%arg8 : memref<128x128xf32, #tpu.memory_space<vmem>>) dst(%dma_wait3A_240 : memref<10240x128xf32, #tpu.memory_space<vmem_shared>>)
        tpu.yield
      }) : () -> ()
      %dma_wait3A_208 = arith.constant 0 : i32
      %dma_wait3A_209 = arith.constant 0 : i32
      %dma_wait3A_210 = tpu.memref_slice %arg6[%dma_wait3A_208, %dma_wait3A_209] : memref<32x128xi32, #tpu.memory_space<vmem>> -> memref<1x128xi32, #tpu.memory_space<vmem>>
      %dma_wait3A_211 = tpu.memref_squeeze %dma_wait3A_210 : memref<1x128xi32, #tpu.memory_space<vmem>> -> memref<128xi32, #tpu.memory_space<vmem>>
      %dma_wait3A_212 = arith.constant 0 : i32
      %dma_wait3A_213 = arith.constant 0 : i32
      %dma_wait3A_214 = tpu.memref_slice %arg2[%dma_wait3A_212, %dma_wait3A_213] : memref<10000x128xf32, #tpu.memory_space<hbm>> -> memref<10000x128xf32, #tpu.memory_space<hbm>>
      tpu.wait_indirect_dma semaphore(%arg12 : memref<!tpu.dma_semaphore, #tpu.memory_space<semaphore_mem>>) src(%dma_wait3A_214 : memref<10000x128xf32, #tpu.memory_space<hbm>>) dst(%arg9 : memref<128x128xf32, #tpu.memory_space<vmem>>)
      %add3A_215 = arith.constant 2 : i32
      %add3A_216 = arith.addi %mul3A_132, %add3A_215 : i32
      %rem3A_217 = arith.constant 32 : i32
      %rem3A_218 = arith.remsi %add3A_216, %rem3A_217 : i32
      %dma_start3A_219 = arith.constant 0 : i32
      %dma_start3A_220 = tpu.memref_slice %arg6[%rem3A_218, %dma_start3A_219] : memref<32x128xi32, #tpu.memory_space<vmem>> -> memref<1x128xi32, #tpu.memory_space<vmem>>
      %dma_start3A_221 = tpu.memref_squeeze %dma_start3A_220 : memref<1x128xi32, #tpu.memory_space<vmem>> -> memref<128xi32, #tpu.memory_space<vmem>>
      %dma_start3A_222 = arith.constant 0 : i32
      %dma_start3A_223 = arith.constant 0 : i32
      %dma_start3A_224 = tpu.memref_slice %arg2[%dma_start3A_222, %dma_start3A_223] : memref<10000x128xf32, #tpu.memory_space<hbm>> -> memref<10000x128xf32, #tpu.memory_space<hbm>>
      tpu.enqueue_indirect_dma source(%dma_start3A_224 : memref<10000x128xf32, #tpu.memory_space<hbm>>) target(%arg8 : memref<128x128xf32, #tpu.memory_space<vmem>>) offsets(%dma_start3A_221 : memref<128xi32, #tpu.memory_space<vmem>>) semaphore(%arg11 : memref<!tpu.dma_semaphore, #tpu.memory_space<semaphore_mem>>)
      %add3A_225 = arith.constant 1 : i32
      %add3A_226 = arith.addi %mul3A_132, %add3A_225 : i32
      %rem3A_227 = arith.constant 32 : i32
      %rem3A_228 = arith.remsi %add3A_226, %rem3A_227 : i32
      "tpu.region"() ({
        %run_scoped3A = tpu.sem_alloc : memref<!tpu.dma_semaphore, #tpu.memory_space<semaphore_mem>>
        %dma_start3A_229 = arith.constant 0 : i32
        %dma_start3A_230 = tpu.memref_slice %arg7[%rem3A_228, %dma_start3A_229] : memref<32x128xi32, #tpu.memory_space<vmem>> -> memref<1x128xi32, #tpu.memory_space<vmem>>
        %dma_start3A_231 = tpu.memref_squeeze %dma_start3A_230 : memref<1x128xi32, #tpu.memory_space<vmem>> -> memref<128xi32, #tpu.memory_space<vmem>>
        %dma_start3A_232 = arith.constant 0 : i32
        %dma_start3A_233 = arith.constant 0 : i32
        %dma_start3A_234 = tpu.memref_slice %arg10[%dma_start3A_232, %dma_start3A_233] : memref<10240x128xf32, #tpu.memory_space<vmem_shared>> -> memref<10240x128xf32, #tpu.memory_space<vmem_shared>>
        tpu.enqueue_indirect_dma source(%arg9 : memref<128x128xf32, #tpu.memory_space<vmem>>) target(%dma_start3A_234 : memref<10240x128xf32, #tpu.memory_space<vmem_shared>>) offsets(%dma_start3A_231 : memref<128xi32, #tpu.memory_space<vmem>>) semaphore(%run_scoped3A : memref<!tpu.dma_semaphore, #tpu.memory_space<semaphore_mem>>) {add = true}
        %dma_wait3A_235 = arith.constant 0 : i32
        %dma_wait3A_236 = tpu.memref_slice %arg7[%rem3A_228, %dma_wait3A_235] : memref<32x128xi32, #tpu.memory_space<vmem>> -> memref<1x128xi32, #tpu.memory_space<vmem>>
        %dma_wait3A_237 = tpu.memref_squeeze %dma_wait3A_236 : memref<1x128xi32, #tpu.memory_space<vmem>> -> memref<128xi32, #tpu.memory_space<vmem>>
        %dma_wait3A_238 = arith.constant 0 : i32
        %dma_wait3A_239 = arith.constant 0 : i32
        %dma_wait3A_240 = tpu.memref_slice %arg10[%dma_wait3A_238, %dma_wait3A_239] : memref<10240x128xf32, #tpu.memory_space<vmem_shared>> -> memref<10240x128xf32, #tpu.memory_space<vmem_shared>>
        tpu.wait_indirect_dma semaphore(%run_scoped3A : memref<!tpu.dma_semaphore, #tpu.memory_space<semaphore_mem>>) src(%arg9 : memref<128x128xf32, #tpu.memory_space<vmem>>) dst(%dma_wait3A_240 : memref<10240x128xf32, #tpu.memory_space<vmem_shared>>)
        tpu.yield
      }) : () -> ()
    }
    %while3A_67 = arith.constant 1 : i32
    scf.for %while3A_130 = %while3A_65 to %while3A_61 step %while3A_67  : i32 {
      %mul3A_131 = arith.constant 2 : i32
      %mul3A_132 = arith.muli %mul3A_131, %while3A_130 : i32
      %jit3A_133 = arith.constant 16 : i32
      %div3A_134 = arith.divsi %mul3A_132, %jit3A_133 : i32
      %sign3A_135 = arith.constant 0 : i32
      %sign3A_136 = arith.cmpi sgt, %mul3A_132, %sign3A_135 : i32
      %sign3A_137 = arith.extui %sign3A_136 : i1 to i32
      %sign3A_138 = arith.constant 0 : i32
      %sign3A_139 = arith.cmpi slt, %mul3A_132, %sign3A_138 : i32
      %sign3A_140 = arith.extui %sign3A_139 : i1 to i32
      %sign3A_141 = arith.subi %sign3A_137, %sign3A_140 : i32
      %sign3A_142 = arith.constant 0 : i32
      %sign3A_143 = arith.cmpi sgt, %jit3A_133, %sign3A_142 : i32
      %sign3A_144 = arith.extui %sign3A_143 : i1 to i32
      %sign3A_145 = arith.constant 0 : i32
      %sign3A_146 = arith.cmpi slt, %jit3A_133, %sign3A_145 : i32
      %sign3A_147 = arith.extui %sign3A_146 : i1 to i32
      %sign3A_148 = arith.subi %sign3A_144, %sign3A_147 : i32
      %ne3A_149 = arith.cmpi ne, %sign3A_141, %sign3A_148 : i32
      %rem3A_150 = arith.remsi %mul3A_132, %jit3A_133 : i32
      %ne3A_151 = arith.constant 0 : i32
      %ne3A_152 = arith.cmpi ne, %rem3A_150, %ne3A_151 : i32
      %and3A_153 = arith.andi %ne3A_149, %ne3A_152 : i1
      %sub3A_154 = arith.constant 1 : i32
      %sub3A_155 = arith.subi %div3A_134, %sub3A_154 : i32
      %select_n3A_156 = arith.select %and3A_153, %sub3A_155, %div3A_134 : i32
      %add3A_157 = arith.constant 1 : i32
      %add3A_158 = arith.addi %select_n3A_156, %add3A_157 : i32
      %rem3A_159 = arith.constant 8 : i32
      %rem3A_160 = arith.remsi %while3A_130, %rem3A_159 : i32
      %eq3A_161 = arith.constant 0 : i32
      %eq3A_162 = arith.cmpi eq, %rem3A_160, %eq3A_161 : i32
      %jit3A_163 = arith.constant 16 : i32
      %div3A_164 = arith.divsi %select_n3A_7, %jit3A_163 : i32
      %sign3A_165 = arith.constant 0 : i32
      %sign3A_166 = arith.cmpi sgt, %select_n3A_7, %sign3A_165 : i32
      %sign3A_167 = arith.extui %sign3A_166 : i1 to i32
      %sign3A_168 = arith.constant 0 : i32
      %sign3A_169 = arith.cmpi slt, %select_n3A_7, %sign3A_168 : i32
      %sign3A_170 = arith.extui %sign3A_169 : i1 to i32
      %sign3A_171 = arith.subi %sign3A_167, %sign3A_170 : i32
      %sign3A_172 = arith.constant 0 : i32
      %sign3A_173 = arith.cmpi sgt, %jit3A_163, %sign3A_172 : i32
      %sign3A_174 = arith.extui %sign3A_173 : i1 to i32
      %sign3A_175 = arith.constant 0 : i32
      %sign3A_176 = arith.cmpi slt, %jit3A_163, %sign3A_175 : i32
      %sign3A_177 = arith.extui %sign3A_176 : i1 to i32
      %sign3A_178 = arith.subi %sign3A_174, %sign3A_177 : i32
      %ne3A_179 = arith.cmpi ne, %sign3A_171, %sign3A_178 : i32
      %rem3A_180 = arith.remsi %select_n3A_7, %jit3A_163 : i32
      %ne3A_181 = arith.constant 0 : i32
      %ne3A_182 = arith.cmpi ne, %rem3A_180, %ne3A_181 : i32
      %and3A_183 = arith.andi %ne3A_179, %ne3A_182 : i1
      %sub3A_184 = arith.constant 1 : i32
      %sub3A_185 = arith.subi %div3A_164, %sub3A_184 : i32
      %select_n3A_186 = arith.select %and3A_183, %sub3A_185, %div3A_164 : i32
      %lt3A = arith.cmpi slt, %add3A_158, %select_n3A_186 : i32
      %and3A_187 = arith.andi %eq3A_162, %lt3A : i1
      %convert_element_type3A = arith.extui %and3A_187 : i1 to i32
      %cond3A = arith.constant 0 : i32
      %cond3A_188 = arith.cmpi ne, %convert_element_type3A, %cond3A : i32
      scf.if %cond3A_188 {
        %rem3A_229 = arith.constant 2 : i32
        %rem3A_230 = arith.remsi %add3A_158, %rem3A_229 : i32
        %mul3A_231 = arith.constant 16 : i32
        %mul3A_232 = arith.muli %add3A_158, %mul3A_231 : i32
        %add3A_233 = arith.addi %select_n3A_2, %mul3A_232 : i32
        %mul3A_234 = arith.constant 16 : i32
        %mul3A_235 = arith.muli %rem3A_230, %mul3A_234 : i32
        "tpu.region"() ({
          %run_scoped3A = tpu.sem_alloc : memref<!tpu.dma_semaphore, #tpu.memory_space<semaphore_mem>>
          %dma_start3A_241 = arith.constant 0 : i32
          %dma_start3A_242 = tpu.memref_slice %arg6[%mul3A_235, %dma_start3A_241] : memref<32x128xi32, #tpu.memory_space<vmem>> -> memref<16x128xi32, #tpu.memory_space<vmem>>
          %dma_start3A_243 = arith.constant 0 : i32
          %dma_start3A_244 = tpu.memref_slice %arg3[%arg1, %add3A_233, %dma_start3A_243] : memref<16x160x128xi32, #tpu.memory_space<hbm>> -> memref<1x16x128xi32, #tpu.memory_space<hbm>>
          %dma_start3A_245 = tpu.memref_squeeze %dma_start3A_244 : memref<1x16x128xi32, #tpu.memory_space<hbm>> -> memref<16x128xi32, #tpu.memory_space<hbm>>
          %dma_start3A_246 = arith.constant 0 : i32
          %dma_start3A_247 = tpu.memref_slice %arg6[%mul3A_235, %dma_start3A_246] : memref<32x128xi32, #tpu.memory_space<vmem>> -> memref<16x128xi32, #tpu.memory_space<vmem>>
          %dma_start3A_248 = arith.constant 0 : i32
          %dma_start3A_249 = tpu.memref_slice %arg3[%arg1, %add3A_233, %dma_start3A_248] : memref<16x160x128xi32, #tpu.memory_space<hbm>> -> memref<1x16x128xi32, #tpu.memory_space<hbm>>
          %dma_start3A_250 = tpu.memref_squeeze %dma_start3A_249 : memref<1x16x128xi32, #tpu.memory_space<hbm>> -> memref<16x128xi32, #tpu.memory_space<hbm>>
          tpu.enqueue_dma source(%dma_start3A_250 : memref<16x128xi32, #tpu.memory_space<hbm>>) target(%dma_start3A_247 : memref<16x128xi32, #tpu.memory_space<vmem>>) target_semaphore(%run_scoped3A : memref<!tpu.dma_semaphore, #tpu.memory_space<semaphore_mem>>)
          %dma_wait3A_251 = arith.constant 0 : i32
          %dma_wait3A_252 = tpu.memref_slice %arg6[%mul3A_235, %dma_wait3A_251] : memref<32x128xi32, #tpu.memory_space<vmem>> -> memref<16x128xi32, #tpu.memory_space<vmem>>
          %dma_wait3A_253 = arith.constant 0 : i32
          %dma_wait3A_254 = tpu.memref_slice %arg3[%arg1, %add3A_233, %dma_wait3A_253] : memref<16x160x128xi32, #tpu.memory_space<hbm>> -> memref<1x16x128xi32, #tpu.memory_space<hbm>>
          %dma_wait3A_255 = tpu.memref_squeeze %dma_wait3A_254 : memref<1x16x128xi32, #tpu.memory_space<hbm>> -> memref<16x128xi32, #tpu.memory_space<hbm>>
          %dma_wait3A_256 = arith.constant 0 : i32
          %dma_wait3A_257 = tpu.memref_slice %arg6[%mul3A_235, %dma_wait3A_256] : memref<32x128xi32, #tpu.memory_space<vmem>> -> memref<16x128xi32, #tpu.memory_space<vmem>>
          %dma_wait3A_258 = arith.constant 0 : i32
          %dma_wait3A_259 = tpu.memref_slice %arg3[%arg1, %add3A_233, %dma_wait3A_258] : memref<16x160x128xi32, #tpu.memory_space<hbm>> -> memref<1x16x128xi32, #tpu.memory_space<hbm>>
          %dma_wait3A_260 = tpu.memref_squeeze %dma_wait3A_259 : memref<1x16x128xi32, #tpu.memory_space<hbm>> -> memref<16x128xi32, #tpu.memory_space<hbm>>
          tpu.wait_dma2 semaphore(%run_scoped3A : memref<!tpu.dma_semaphore, #tpu.memory_space<semaphore_mem>>) src(%dma_wait3A_260 : memref<16x128xi32, #tpu.memory_space<hbm>>) dst(%dma_wait3A_257 : memref<16x128xi32, #tpu.memory_space<vmem>>)
          tpu.yield
        }) : () -> ()
        %mul3A_236 = arith.constant 16 : i32
        %mul3A_237 = arith.muli %add3A_158, %mul3A_236 : i32
        %add3A_238 = arith.addi %select_n3A_2, %mul3A_237 : i32
        %mul3A_239 = arith.constant 16 : i32
        %mul3A_240 = arith.muli %rem3A_230, %mul3A_239 : i32
        "tpu.region"() ({
          %run_scoped3A = tpu.sem_alloc : memref<!tpu.dma_semaphore, #tpu.memory_space<semaphore_mem>>
          %dma_start3A_241 = arith.constant 0 : i32
          %dma_start3A_242 = tpu.memref_slice %arg7[%mul3A_240, %dma_start3A_241] : memref<32x128xi32, #tpu.memory_space<vmem>> -> memref<16x128xi32, #tpu.memory_space<vmem>>
          %dma_start3A_243 = arith.constant 0 : i32
          %dma_start3A_244 = tpu.memref_slice %arg4[%arg1, %add3A_238, %dma_start3A_243] : memref<16x160x128xi32, #tpu.memory_space<hbm>> -> memref<1x16x128xi32, #tpu.memory_space<hbm>>
          %dma_start3A_245 = tpu.memref_squeeze %dma_start3A_244 : memref<1x16x128xi32, #tpu.memory_space<hbm>> -> memref<16x128xi32, #tpu.memory_space<hbm>>
          %dma_start3A_246 = arith.constant 0 : i32
          %dma_start3A_247 = tpu.memref_slice %arg7[%mul3A_240, %dma_start3A_246] : memref<32x128xi32, #tpu.memory_space<vmem>> -> memref<16x128xi32, #tpu.memory_space<vmem>>
          %dma_start3A_248 = arith.constant 0 : i32
          %dma_start3A_249 = tpu.memref_slice %arg4[%arg1, %add3A_238, %dma_start3A_248] : memref<16x160x128xi32, #tpu.memory_space<hbm>> -> memref<1x16x128xi32, #tpu.memory_space<hbm>>
          %dma_start3A_250 = tpu.memref_squeeze %dma_start3A_249 : memref<1x16x128xi32, #tpu.memory_space<hbm>> -> memref<16x128xi32, #tpu.memory_space<hbm>>
          tpu.enqueue_dma source(%dma_start3A_250 : memref<16x128xi32, #tpu.memory_space<hbm>>) target(%dma_start3A_247 : memref<16x128xi32, #tpu.memory_space<vmem>>) target_semaphore(%run_scoped3A : memref<!tpu.dma_semaphore, #tpu.memory_space<semaphore_mem>>)
          %dma_wait3A_251 = arith.constant 0 : i32
          %dma_wait3A_252 = tpu.memref_slice %arg7[%mul3A_240, %dma_wait3A_251] : memref<32x128xi32, #tpu.memory_space<vmem>> -> memref<16x128xi32, #tpu.memory_space<vmem>>
          %dma_wait3A_253 = arith.constant 0 : i32
          %dma_wait3A_254 = tpu.memref_slice %arg4[%arg1, %add3A_238, %dma_wait3A_253] : memref<16x160x128xi32, #tpu.memory_space<hbm>> -> memref<1x16x128xi32, #tpu.memory_space<hbm>>
          %dma_wait3A_255 = tpu.memref_squeeze %dma_wait3A_254 : memref<1x16x128xi32, #tpu.memory_space<hbm>> -> memref<16x128xi32, #tpu.memory_space<hbm>>
          %dma_wait3A_256 = arith.constant 0 : i32
          %dma_wait3A_257 = tpu.memref_slice %arg7[%mul3A_240, %dma_wait3A_256] : memref<32x128xi32, #tpu.memory_space<vmem>> -> memref<16x128xi32, #tpu.memory_space<vmem>>
          %dma_wait3A_258 = arith.constant 0 : i32
          %dma_wait3A_259 = tpu.memref_slice %arg4[%arg1, %add3A_238, %dma_wait3A_258] : memref<16x160x128xi32, #tpu.memory_space<hbm>> -> memref<1x16x128xi32, #tpu.memory_space<hbm>>
          %dma_wait3A_260 = tpu.memref_squeeze %dma_wait3A_259 : memref<1x16x128xi32, #tpu.memory_space<hbm>> -> memref<16x128xi32, #tpu.memory_space<hbm>>
          tpu.wait_dma2 semaphore(%run_scoped3A : memref<!tpu.dma_semaphore, #tpu.memory_space<semaphore_mem>>) src(%dma_wait3A_260 : memref<16x128xi32, #tpu.memory_space<hbm>>) dst(%dma_wait3A_257 : memref<16x128xi32, #tpu.memory_space<vmem>>)
          tpu.yield
        }) : () -> ()
      } else {
      }
      %dma_wait3A_189 = arith.constant 0 : i32
      %dma_wait3A_190 = arith.constant 0 : i32
      %dma_wait3A_191 = tpu.memref_slice %arg6[%dma_wait3A_189, %dma_wait3A_190] : memref<32x128xi32, #tpu.memory_space<vmem>> -> memref<1x128xi32, #tpu.memory_space<vmem>>
      %dma_wait3A_192 = tpu.memref_squeeze %dma_wait3A_191 : memref<1x128xi32, #tpu.memory_space<vmem>> -> memref<128xi32, #tpu.memory_space<vmem>>
      %dma_wait3A_193 = arith.constant 0 : i32
      %dma_wait3A_194 = arith.constant 0 : i32
      %dma_wait3A_195 = tpu.memref_slice %arg2[%dma_wait3A_193, %dma_wait3A_194] : memref<10000x128xf32, #tpu.memory_space<hbm>> -> memref<10000x128xf32, #tpu.memory_space<hbm>>
      tpu.wait_indirect_dma semaphore(%arg11 : memref<!tpu.dma_semaphore, #tpu.memory_space<semaphore_mem>>) src(%dma_wait3A_195 : memref<10000x128xf32, #tpu.memory_space<hbm>>) dst(%arg8 : memref<128x128xf32, #tpu.memory_space<vmem>>)
      %add3A_196 = arith.constant 1 : i32
      %add3A_197 = arith.addi %mul3A_132, %add3A_196 : i32
      %rem3A_198 = arith.constant 32 : i32
      %rem3A_199 = arith.remsi %add3A_197, %rem3A_198 : i32
      %dma_start3A_200 = arith.constant 0 : i32
      %dma_start3A_201 = tpu.memref_slice %arg6[%rem3A_199, %dma_start3A_200] : memref<32x128xi32, #tpu.memory_space<vmem>> -> memref<1x128xi32, #tpu.memory_space<vmem>>
      %dma_start3A_202 = tpu.memref_squeeze %dma_start3A_201 : memref<1x128xi32, #tpu.memory_space<vmem>> -> memref<128xi32, #tpu.memory_space<vmem>>
      %dma_start3A_203 = arith.constant 0 : i32
      %dma_start3A_204 = arith.constant 0 : i32
      %dma_start3A_205 = tpu.memref_slice %arg2[%dma_start3A_203, %dma_start3A_204] : memref<10000x128xf32, #tpu.memory_space<hbm>> -> memref<10000x128xf32, #tpu.memory_space<hbm>>
      tpu.enqueue_indirect_dma source(%dma_start3A_205 : memref<10000x128xf32, #tpu.memory_space<hbm>>) target(%arg9 : memref<128x128xf32, #tpu.memory_space<vmem>>) offsets(%dma_start3A_202 : memref<128xi32, #tpu.memory_space<vmem>>) semaphore(%arg12 : memref<!tpu.dma_semaphore, #tpu.memory_space<semaphore_mem>>)
      %rem3A_206 = arith.constant 32 : i32
      %rem3A_207 = arith.remsi %mul3A_132, %rem3A_206 : i32
      "tpu.region"() ({
        %run_scoped3A = tpu.sem_alloc : memref<!tpu.dma_semaphore, #tpu.memory_space<semaphore_mem>>
        %dma_start3A_229 = arith.constant 0 : i32
        %dma_start3A_230 = tpu.memref_slice %arg7[%rem3A_207, %dma_start3A_229] : memref<32x128xi32, #tpu.memory_space<vmem>> -> memref<1x128xi32, #tpu.memory_space<vmem>>
        %dma_start3A_231 = tpu.memref_squeeze %dma_start3A_230 : memref<1x128xi32, #tpu.memory_space<vmem>> -> memref<128xi32, #tpu.memory_space<vmem>>
        %dma_start3A_232 = arith.constant 0 : i32
        %dma_start3A_233 = arith.constant 0 : i32
        %dma_start3A_234 = tpu.memref_slice %arg10[%dma_start3A_232, %dma_start3A_233] : memref<10240x128xf32, #tpu.memory_space<vmem_shared>> -> memref<10240x128xf32, #tpu.memory_space<vmem_shared>>
        tpu.enqueue_indirect_dma source(%arg8 : memref<128x128xf32, #tpu.memory_space<vmem>>) target(%dma_start3A_234 : memref<10240x128xf32, #tpu.memory_space<vmem_shared>>) offsets(%dma_start3A_231 : memref<128xi32, #tpu.memory_space<vmem>>) semaphore(%run_scoped3A : memref<!tpu.dma_semaphore, #tpu.memory_space<semaphore_mem>>) {add = true}
        %dma_wait3A_235 = arith.constant 0 : i32
        %dma_wait3A_236 = tpu.memref_slice %arg7[%rem3A_207, %dma_wait3A_235] : memref<32x128xi32, #tpu.memory_space<vmem>> -> memref<1x128xi32, #tpu.memory_space<vmem>>
        %dma_wait3A_237 = tpu.memref_squeeze %dma_wait3A_236 : memref<1x128xi32, #tpu.memory_space<vmem>> -> memref<128xi32, #tpu.memory_space<vmem>>
        %dma_wait3A_238 = arith.constant 0 : i32
        %dma_wait3A_239 = arith.constant 0 : i32
        %dma_wait3A_240 = tpu.memref_slice %arg10[%dma_wait3A_238, %dma_wait3A_239] : memref<10240x128xf32, #tpu.memory_space<vmem_shared>> -> memref<10240x128xf32, #tpu.memory_space<vmem_shared>>
        tpu.wait_indirect_dma semaphore(%run_scoped3A : memref<!tpu.dma_semaphore, #tpu.memory_space<semaphore_mem>>) src(%arg8 : memref<128x128xf32, #tpu.memory_space<vmem>>) dst(%dma_wait3A_240 : memref<10240x128xf32, #tpu.memory_space<vmem_shared>>)
        tpu.yield
      }) : () -> ()
      %dma_wait3A_208 = arith.constant 0 : i32
      %dma_wait3A_209 = arith.constant 0 : i32
      %dma_wait3A_210 = tpu.memref_slice %arg6[%dma_wait3A_208, %dma_wait3A_209] : memref<32x128xi32, #tpu.memory_space<vmem>> -> memref<1x128xi32, #tpu.memory_space<vmem>>
      %dma_wait3A_211 = tpu.memref_squeeze %dma_wait3A_210 : memref<1x128xi32, #tpu.memory_space<vmem>> -> memref<128xi32, #tpu.memory_space<vmem>>
      %dma_wait3A_212 = arith.constant 0 : i32
      %dma_wait3A_213 = arith.constant 0 : i32
      %dma_wait3A_214 = tpu.memref_slice %arg2[%dma_wait3A_212, %dma_wait3A_213] : memref<10000x128xf32, #tpu.memory_space<hbm>> -> memref<10000x128xf32, #tpu.memory_space<hbm>>
      tpu.wait_indirect_dma semaphore(%arg12 : memref<!tpu.dma_semaphore, #tpu.memory_space<semaphore_mem>>) src(%dma_wait3A_214 : memref<10000x128xf32, #tpu.memory_space<hbm>>) dst(%arg9 : memref<128x128xf32, #tpu.memory_space<vmem>>)
      %add3A_215 = arith.constant 2 : i32
      %add3A_216 = arith.addi %mul3A_132, %add3A_215 : i32
      %rem3A_217 = arith.constant 32 : i32
      %rem3A_218 = arith.remsi %add3A_216, %rem3A_217 : i32
      %dma_start3A_219 = arith.constant 0 : i32
      %dma_start3A_220 = tpu.memref_slice %arg6[%rem3A_218, %dma_start3A_219] : memref<32x128xi32, #tpu.memory_space<vmem>> -> memref<1x128xi32, #tpu.memory_space<vmem>>
      %dma_start3A_221 = tpu.memref_squeeze %dma_start3A_220 : memref<1x128xi32, #tpu.memory_space<vmem>> -> memref<128xi32, #tpu.memory_space<vmem>>
      %dma_start3A_222 = arith.constant 0 : i32
      %dma_start3A_223 = arith.constant 0 : i32
      %dma_start3A_224 = tpu.memref_slice %arg2[%dma_start3A_222, %dma_start3A_223] : memref<10000x128xf32, #tpu.memory_space<hbm>> -> memref<10000x128xf32, #tpu.memory_space<hbm>>
      tpu.enqueue_indirect_dma source(%dma_start3A_224 : memref<10000x128xf32, #tpu.memory_space<hbm>>) target(%arg8 : memref<128x128xf32, #tpu.memory_space<vmem>>) offsets(%dma_start3A_221 : memref<128xi32, #tpu.memory_space<vmem>>) semaphore(%arg11 : memref<!tpu.dma_semaphore, #tpu.memory_space<semaphore_mem>>)
      %add3A_225 = arith.constant 1 : i32
      %add3A_226 = arith.addi %mul3A_132, %add3A_225 : i32
      %rem3A_227 = arith.constant 32 : i32
      %rem3A_228 = arith.remsi %add3A_226, %rem3A_227 : i32
      "tpu.region"() ({
        %run_scoped3A = tpu.sem_alloc : memref<!tpu.dma_semaphore, #tpu.memory_space<semaphore_mem>>
        %dma_start3A_229 = arith.constant 0 : i32
        %dma_start3A_230 = tpu.memref_slice %arg7[%rem3A_228, %dma_start3A_229] : memref<32x128xi32, #tpu.memory_space<vmem>> -> memref<1x128xi32, #tpu.memory_space<vmem>>
        %dma_start3A_231 = tpu.memref_squeeze %dma_start3A_230 : memref<1x128xi32, #tpu.memory_space<vmem>> -> memref<128xi32, #tpu.memory_space<vmem>>
        %dma_start3A_232 = arith.constant 0 : i32
        %dma_start3A_233 = arith.constant 0 : i32
        %dma_start3A_234 = tpu.memref_slice %arg10[%dma_start3A_232, %dma_start3A_233] : memref<10240x128xf32, #tpu.memory_space<vmem_shared>> -> memref<10240x128xf32, #tpu.memory_space<vmem_shared>>
        tpu.enqueue_indirect_dma source(%arg9 : memref<128x128xf32, #tpu.memory_space<vmem>>) target(%dma_start3A_234 : memref<10240x128xf32, #tpu.memory_space<vmem_shared>>) offsets(%dma_start3A_231 : memref<128xi32, #tpu.memory_space<vmem>>) semaphore(%run_scoped3A : memref<!tpu.dma_semaphore, #tpu.memory_space<semaphore_mem>>) {add = true}
        %dma_wait3A_235 = arith.constant 0 : i32
        %dma_wait3A_236 = tpu.memref_slice %arg7[%rem3A_228, %dma_wait3A_235] : memref<32x128xi32, #tpu.memory_space<vmem>> -> memref<1x128xi32, #tpu.memory_space<vmem>>
        %dma_wait3A_237 = tpu.memref_squeeze %dma_wait3A_236 : memref<1x128xi32, #tpu.memory_space<vmem>> -> memref<128xi32, #tpu.memory_space<vmem>>
        %dma_wait3A_238 = arith.constant 0 : i32
        %dma_wait3A_239 = arith.constant 0 : i32
        %dma_wait3A_240 = tpu.memref_slice %arg10[%dma_wait3A_238, %dma_wait3A_239] : memref<10240x128xf32, #tpu.memory_space<vmem_shared>> -> memref<10240x128xf32, #tpu.memory_space<vmem_shared>>
        tpu.wait_indirect_dma semaphore(%run_scoped3A : memref<!tpu.dma_semaphore, #tpu.memory_space<semaphore_mem>>) src(%arg9 : memref<128x128xf32, #tpu.memory_space<vmem>>) dst(%dma_wait3A_240 : memref<10240x128xf32, #tpu.memory_space<vmem_shared>>)
        tpu.yield
      }) : () -> ()
    }
    %dma_wait3A = arith.constant 0 : i32
    %dma_wait3A_68 = arith.constant 0 : i32
    %dma_wait3A_69 = tpu.memref_slice %arg6[%dma_wait3A, %dma_wait3A_68] : memref<32x128xi32, #tpu.memory_space<vmem>> -> memref<1x128xi32, #tpu.memory_space<vmem>>
    %dma_wait3A_70 = tpu.memref_squeeze %dma_wait3A_69 : memref<1x128xi32, #tpu.memory_space<vmem>> -> memref<128xi32, #tpu.memory_space<vmem>>
    %dma_wait3A_71 = arith.constant 0 : i32
    %dma_wait3A_72 = arith.constant 0 : i32
    %dma_wait3A_73 = tpu.memref_slice %arg2[%dma_wait3A_71, %dma_wait3A_72] : memref<10000x128xf32, #tpu.memory_space<hbm>> -> memref<10000x128xf32, #tpu.memory_space<hbm>>
    tpu.wait_indirect_dma semaphore(%arg11 : memref<!tpu.dma_semaphore, #tpu.memory_space<semaphore_mem>>) src(%dma_wait3A_73 : memref<10000x128xf32, #tpu.memory_space<hbm>>) dst(%arg8 : memref<128x128xf32, #tpu.memory_space<vmem>>)
    %barrier3A_74 = arith.constant 0 : index
    tpu.barrier barrier_id(%barrier3A_74)
    %mul3A_75 = arith.constant 640 : i32
    %mul3A_76 = arith.muli %arg1, %mul3A_75 : i32
    %add3A_77 = arith.constant 0 : i32
    %add3A_78 = arith.addi %mul3A_76, %add3A_77 : i32
    "tpu.region"() ({
      %run_scoped3A = tpu.sem_alloc : memref<!tpu.dma_semaphore, #tpu.memory_space<semaphore_mem>>
      %dma_start3A_130 = arith.constant 0 : i32
      %dma_start3A_131 = tpu.memref_slice %arg10[%add3A_78, %dma_start3A_130] : memref<10240x128xf32, #tpu.memory_space<vmem_shared>> -> memref<128x128xf32, #tpu.memory_space<vmem_shared>>
      %dma_start3A_132 = arith.constant 0 : i32
      %dma_start3A_133 = tpu.memref_slice %arg10[%add3A_78, %dma_start3A_132] : memref<10240x128xf32, #tpu.memory_space<vmem_shared>> -> memref<128x128xf32, #tpu.memory_space<vmem_shared>>
      tpu.enqueue_dma source(%dma_start3A_133 : memref<128x128xf32, #tpu.memory_space<vmem_shared>>) target(%arg8 : memref<128x128xf32, #tpu.memory_space<vmem>>) target_semaphore(%run_scoped3A : memref<!tpu.dma_semaphore, #tpu.memory_space<semaphore_mem>>)
      %dma_wait3A_134 = arith.constant 0 : i32
      %dma_wait3A_135 = tpu.memref_slice %arg10[%add3A_78, %dma_wait3A_134] : memref<10240x128xf32, #tpu.memory_space<vmem_shared>> -> memref<128x128xf32, #tpu.memory_space<vmem_shared>>
      %dma_wait3A_136 = arith.constant 0 : i32
      %dma_wait3A_137 = tpu.memref_slice %arg10[%add3A_78, %dma_wait3A_136] : memref<10240x128xf32, #tpu.memory_space<vmem_shared>> -> memref<128x128xf32, #tpu.memory_space<vmem_shared>>
      tpu.wait_dma2 semaphore(%run_scoped3A : memref<!tpu.dma_semaphore, #tpu.memory_space<semaphore_mem>>) src(%dma_wait3A_137 : memref<128x128xf32, #tpu.memory_space<vmem_shared>>) dst(%arg8 : memref<128x128xf32, #tpu.memory_space<vmem>>)
      tpu.yield
    }) : () -> ()
    %mul3A_79 = arith.constant 10240 : i32
    %mul3A_80 = arith.muli %arg0, %mul3A_79 : i32
    %mul3A_81 = arith.constant 640 : i32
    %mul3A_82 = arith.muli %arg1, %mul3A_81 : i32
    %add3A_83 = arith.addi %mul3A_80, %mul3A_82 : i32
    %add3A_84 = arith.constant 0 : i32
    %add3A_85 = arith.addi %add3A_83, %add3A_84 : i32
    "tpu.region"() ({
      %run_scoped3A = tpu.sem_alloc : memref<!tpu.dma_semaphore, #tpu.memory_space<semaphore_mem>>
      %dma_start3A_130 = arith.constant 0 : i32
      %dma_start3A_131 = tpu.memref_slice %arg5[%add3A_85, %dma_start3A_130] : memref<20480x128xf32, #tpu.memory_space<hbm>> -> memref<128x128xf32, #tpu.memory_space<hbm>>
      %dma_start3A_132 = arith.constant 0 : i32
      %dma_start3A_133 = tpu.memref_slice %arg5[%add3A_85, %dma_start3A_132] : memref<20480x128xf32, #tpu.memory_space<hbm>> -> memref<128x128xf32, #tpu.memory_space<hbm>>
      tpu.enqueue_dma source(%arg8 : memref<128x128xf32, #tpu.memory_space<vmem>>) target(%dma_start3A_133 : memref<128x128xf32, #tpu.memory_space<hbm>>) target_semaphore(%run_scoped3A : memref<!tpu.dma_semaphore, #tpu.memory_space<semaphore_mem>>)
      %dma_wait3A_134 = arith.constant 0 : i32
      %dma_wait3A_135 = tpu.memref_slice %arg5[%add3A_85, %dma_wait3A_134] : memref<20480x128xf32, #tpu.memory_space<hbm>> -> memref<128x128xf32, #tpu.memory_space<hbm>>
      %dma_wait3A_136 = arith.constant 0 : i32
      %dma_wait3A_137 = tpu.memref_slice %arg5[%add3A_85, %dma_wait3A_136] : memref<20480x128xf32, #tpu.memory_space<hbm>> -> memref<128x128xf32, #tpu.memory_space<hbm>>
      tpu.wait_dma2 semaphore(%run_scoped3A : memref<!tpu.dma_semaphore, #tpu.memory_space<semaphore_mem>>) src(%arg8 : memref<128x128xf32, #tpu.memory_space<vmem>>) dst(%dma_wait3A_137 : memref<128x128xf32, #tpu.memory_space<hbm>>)
      tpu.yield
    }) : () -> ()
    %mul3A_86 = arith.constant 640 : i32
    %mul3A_87 = arith.muli %arg1, %mul3A_86 : i32
    %add3A_88 = arith.constant 128 : i32
    %add3A_89 = arith.addi %mul3A_87, %add3A_88 : i32
    "tpu.region"() ({
      %run_scoped3A = tpu.sem_alloc : memref<!tpu.dma_semaphore, #tpu.memory_space<semaphore_mem>>
      %dma_start3A_130 = arith.constant 0 : i32
      %dma_start3A_131 = tpu.memref_slice %arg10[%add3A_89, %dma_start3A_130] : memref<10240x128xf32, #tpu.memory_space<vmem_shared>> -> memref<128x128xf32, #tpu.memory_space<vmem_shared>>
      %dma_start3A_132 = arith.constant 0 : i32
      %dma_start3A_133 = tpu.memref_slice %arg10[%add3A_89, %dma_start3A_132] : memref<10240x128xf32, #tpu.memory_space<vmem_shared>> -> memref<128x128xf32, #tpu.memory_space<vmem_shared>>
      tpu.enqueue_dma source(%dma_start3A_133 : memref<128x128xf32, #tpu.memory_space<vmem_shared>>) target(%arg8 : memref<128x128xf32, #tpu.memory_space<vmem>>) target_semaphore(%run_scoped3A : memref<!tpu.dma_semaphore, #tpu.memory_space<semaphore_mem>>)
      %dma_wait3A_134 = arith.constant 0 : i32
      %dma_wait3A_135 = tpu.memref_slice %arg10[%add3A_89, %dma_wait3A_134] : memref<10240x128xf32, #tpu.memory_space<vmem_shared>> -> memref<128x128xf32, #tpu.memory_space<vmem_shared>>
      %dma_wait3A_136 = arith.constant 0 : i32
      %dma_wait3A_137 = tpu.memref_slice %arg10[%add3A_89, %dma_wait3A_136] : memref<10240x128xf32, #tpu.memory_space<vmem_shared>> -> memref<128x128xf32, #tpu.memory_space<vmem_shared>>
      tpu.wait_dma2 semaphore(%run_scoped3A : memref<!tpu.dma_semaphore, #tpu.memory_space<semaphore_mem>>) src(%dma_wait3A_137 : memref<128x128xf32, #tpu.memory_space<vmem_shared>>) dst(%arg8 : memref<128x128xf32, #tpu.memory_space<vmem>>)
      tpu.yield
    }) : () -> ()
    %mul3A_90 = arith.constant 10240 : i32
    %mul3A_91 = arith.muli %arg0, %mul3A_90 : i32
    %mul3A_92 = arith.constant 640 : i32
    %mul3A_93 = arith.muli %arg1, %mul3A_92 : i32
    %add3A_94 = arith.addi %mul3A_91, %mul3A_93 : i32
    %add3A_95 = arith.constant 128 : i32
    %add3A_96 = arith.addi %add3A_94, %add3A_95 : i32
    "tpu.region"() ({
      %run_scoped3A = tpu.sem_alloc : memref<!tpu.dma_semaphore, #tpu.memory_space<semaphore_mem>>
      %dma_start3A_130 = arith.constant 0 : i32
      %dma_start3A_131 = tpu.memref_slice %arg5[%add3A_96, %dma_start3A_130] : memref<20480x128xf32, #tpu.memory_space<hbm>> -> memref<128x128xf32, #tpu.memory_space<hbm>>
      %dma_start3A_132 = arith.constant 0 : i32
      %dma_start3A_133 = tpu.memref_slice %arg5[%add3A_96, %dma_start3A_132] : memref<20480x128xf32, #tpu.memory_space<hbm>> -> memref<128x128xf32, #tpu.memory_space<hbm>>
      tpu.enqueue_dma source(%arg8 : memref<128x128xf32, #tpu.memory_space<vmem>>) target(%dma_start3A_133 : memref<128x128xf32, #tpu.memory_space<hbm>>) target_semaphore(%run_scoped3A : memref<!tpu.dma_semaphore, #tpu.memory_space<semaphore_mem>>)
      %dma_wait3A_134 = arith.constant 0 : i32
      %dma_wait3A_135 = tpu.memref_slice %arg5[%add3A_96, %dma_wait3A_134] : memref<20480x128xf32, #tpu.memory_space<hbm>> -> memref<128x128xf32, #tpu.memory_space<hbm>>
      %dma_wait3A_136 = arith.constant 0 : i32
      %dma_wait3A_137 = tpu.memref_slice %arg5[%add3A_96, %dma_wait3A_136] : memref<20480x128xf32, #tpu.memory_space<hbm>> -> memref<128x128xf32, #tpu.memory_space<hbm>>
      tpu.wait_dma2 semaphore(%run_scoped3A : memref<!tpu.dma_semaphore, #tpu.memory_space<semaphore_mem>>) src(%arg8 : memref<128x128xf32, #tpu.memory_space<vmem>>) dst(%dma_wait3A_137 : memref<128x128xf32, #tpu.memory_space<hbm>>)
      tpu.yield
    }) : () -> ()
    %mul3A_97 = arith.constant 640 : i32
    %mul3A_98 = arith.muli %arg1, %mul3A_97 : i32
    %add3A_99 = arith.constant 256 : i32
    %add3A_100 = arith.addi %mul3A_98, %add3A_99 : i32
    "tpu.region"() ({
      %run_scoped3A = tpu.sem_alloc : memref<!tpu.dma_semaphore, #tpu.memory_space<semaphore_mem>>
      %dma_start3A_130 = arith.constant 0 : i32
      %dma_start3A_131 = tpu.memref_slice %arg10[%add3A_100, %dma_start3A_130] : memref<10240x128xf32, #tpu.memory_space<vmem_shared>> -> memref<128x128xf32, #tpu.memory_space<vmem_shared>>
      %dma_start3A_132 = arith.constant 0 : i32
      %dma_start3A_133 = tpu.memref_slice %arg10[%add3A_100, %dma_start3A_132] : memref<10240x128xf32, #tpu.memory_space<vmem_shared>> -> memref<128x128xf32, #tpu.memory_space<vmem_shared>>
      tpu.enqueue_dma source(%dma_start3A_133 : memref<128x128xf32, #tpu.memory_space<vmem_shared>>) target(%arg8 : memref<128x128xf32, #tpu.memory_space<vmem>>) target_semaphore(%run_scoped3A : memref<!tpu.dma_semaphore, #tpu.memory_space<semaphore_mem>>)
      %dma_wait3A_134 = arith.constant 0 : i32
      %dma_wait3A_135 = tpu.memref_slice %arg10[%add3A_100, %dma_wait3A_134] : memref<10240x128xf32, #tpu.memory_space<vmem_shared>> -> memref<128x128xf32, #tpu.memory_space<vmem_shared>>
      %dma_wait3A_136 = arith.constant 0 : i32
      %dma_wait3A_137 = tpu.memref_slice %arg10[%add3A_100, %dma_wait3A_136] : memref<10240x128xf32, #tpu.memory_space<vmem_shared>> -> memref<128x128xf32, #tpu.memory_space<vmem_shared>>
      tpu.wait_dma2 semaphore(%run_scoped3A : memref<!tpu.dma_semaphore, #tpu.memory_space<semaphore_mem>>) src(%dma_wait3A_137 : memref<128x128xf32, #tpu.memory_space<vmem_shared>>) dst(%arg8 : memref<128x128xf32, #tpu.memory_space<vmem>>)
      tpu.yield
    }) : () -> ()
    %mul3A_101 = arith.constant 10240 : i32
    %mul3A_102 = arith.muli %arg0, %mul3A_101 : i32
    %mul3A_103 = arith.constant 640 : i32
    %mul3A_104 = arith.muli %arg1, %mul3A_103 : i32
    %add3A_105 = arith.addi %mul3A_102, %mul3A_104 : i32
    %add3A_106 = arith.constant 256 : i32
    %add3A_107 = arith.addi %add3A_105, %add3A_106 : i32
    "tpu.region"() ({
      %run_scoped3A = tpu.sem_alloc : memref<!tpu.dma_semaphore, #tpu.memory_space<semaphore_mem>>
      %dma_start3A_130 = arith.constant 0 : i32
      %dma_start3A_131 = tpu.memref_slice %arg5[%add3A_107, %dma_start3A_130] : memref<20480x128xf32, #tpu.memory_space<hbm>> -> memref<128x128xf32, #tpu.memory_space<hbm>>
      %dma_start3A_132 = arith.constant 0 : i32
      %dma_start3A_133 = tpu.memref_slice %arg5[%add3A_107, %dma_start3A_132] : memref<20480x128xf32, #tpu.memory_space<hbm>> -> memref<128x128xf32, #tpu.memory_space<hbm>>
      tpu.enqueue_dma source(%arg8 : memref<128x128xf32, #tpu.memory_space<vmem>>) target(%dma_start3A_133 : memref<128x128xf32, #tpu.memory_space<hbm>>) target_semaphore(%run_scoped3A : memref<!tpu.dma_semaphore, #tpu.memory_space<semaphore_mem>>)
      %dma_wait3A_134 = arith.constant 0 : i32
      %dma_wait3A_135 = tpu.memref_slice %arg5[%add3A_107, %dma_wait3A_134] : memref<20480x128xf32, #tpu.memory_space<hbm>> -> memref<128x128xf32, #tpu.memory_space<hbm>>
      %dma_wait3A_136 = arith.constant 0 : i32
      %dma_wait3A_137 = tpu.memref_slice %arg5[%add3A_107, %dma_wait3A_136] : memref<20480x128xf32, #tpu.memory_space<hbm>> -> memref<128x128xf32, #tpu.memory_space<hbm>>
      tpu.wait_dma2 semaphore(%run_scoped3A : memref<!tpu.dma_semaphore, #tpu.memory_space<semaphore_mem>>) src(%arg8 : memref<128x128xf32, #tpu.memory_space<vmem>>) dst(%dma_wait3A_137 : memref<128x128xf32, #tpu.memory_space<hbm>>)
      tpu.yield
    }) : () -> ()
    %mul3A_108 = arith.constant 640 : i32
    %mul3A_109 = arith.muli %arg1, %mul3A_108 : i32
    %add3A_110 = arith.constant 384 : i32
    %add3A_111 = arith.addi %mul3A_109, %add3A_110 : i32
    "tpu.region"() ({
      %run_scoped3A = tpu.sem_alloc : memref<!tpu.dma_semaphore, #tpu.memory_space<semaphore_mem>>
      %dma_start3A_130 = arith.constant 0 : i32
      %dma_start3A_131 = tpu.memref_slice %arg10[%add3A_111, %dma_start3A_130] : memref<10240x128xf32, #tpu.memory_space<vmem_shared>> -> memref<128x128xf32, #tpu.memory_space<vmem_shared>>
      %dma_start3A_132 = arith.constant 0 : i32
      %dma_start3A_133 = tpu.memref_slice %arg10[%add3A_111, %dma_start3A_132] : memref<10240x128xf32, #tpu.memory_space<vmem_shared>> -> memref<128x128xf32, #tpu.memory_space<vmem_shared>>
      tpu.enqueue_dma source(%dma_start3A_133 : memref<128x128xf32, #tpu.memory_space<vmem_shared>>) target(%arg8 : memref<128x128xf32, #tpu.memory_space<vmem>>) target_semaphore(%run_scoped3A : memref<!tpu.dma_semaphore, #tpu.memory_space<semaphore_mem>>)
      %dma_wait3A_134 = arith.constant 0 : i32
      %dma_wait3A_135 = tpu.memref_slice %arg10[%add3A_111, %dma_wait3A_134] : memref<10240x128xf32, #tpu.memory_space<vmem_shared>> -> memref<128x128xf32, #tpu.memory_space<vmem_shared>>
      %dma_wait3A_136 = arith.constant 0 : i32
      %dma_wait3A_137 = tpu.memref_slice %arg10[%add3A_111, %dma_wait3A_136] : memref<10240x128xf32, #tpu.memory_space<vmem_shared>> -> memref<128x128xf32, #tpu.memory_space<vmem_shared>>
      tpu.wait_dma2 semaphore(%run_scoped3A : memref<!tpu.dma_semaphore, #tpu.memory_space<semaphore_mem>>) src(%dma_wait3A_137 : memref<128x128xf32, #tpu.memory_space<vmem_shared>>) dst(%arg8 : memref<128x128xf32, #tpu.memory_space<vmem>>)
      tpu.yield
    }) : () -> ()
    %mul3A_112 = arith.constant 10240 : i32
    %mul3A_113 = arith.muli %arg0, %mul3A_112 : i32
    %mul3A_114 = arith.constant 640 : i32
    %mul3A_115 = arith.muli %arg1, %mul3A_114 : i32
    %add3A_116 = arith.addi %mul3A_113, %mul3A_115 : i32
    %add3A_117 = arith.constant 384 : i32
    %add3A_118 = arith.addi %add3A_116, %add3A_117 : i32
    "tpu.region"() ({
      %run_scoped3A = tpu.sem_alloc : memref<!tpu.dma_semaphore, #tpu.memory_space<semaphore_mem>>
      %dma_start3A_130 = arith.constant 0 : i32
      %dma_start3A_131 = tpu.memref_slice %arg5[%add3A_118, %dma_start3A_130] : memref<20480x128xf32, #tpu.memory_space<hbm>> -> memref<128x128xf32, #tpu.memory_space<hbm>>
      %dma_start3A_132 = arith.constant 0 : i32
      %dma_start3A_133 = tpu.memref_slice %arg5[%add3A_118, %dma_start3A_132] : memref<20480x128xf32, #tpu.memory_space<hbm>> -> memref<128x128xf32, #tpu.memory_space<hbm>>
      tpu.enqueue_dma source(%arg8 : memref<128x128xf32, #tpu.memory_space<vmem>>) target(%dma_start3A_133 : memref<128x128xf32, #tpu.memory_space<hbm>>) target_semaphore(%run_scoped3A : memref<!tpu.dma_semaphore, #tpu.memory_space<semaphore_mem>>)
      %dma_wait3A_134 = arith.constant 0 : i32
      %dma_wait3A_135 = tpu.memref_slice %arg5[%add3A_118, %dma_wait3A_134] : memref<20480x128xf32, #tpu.memory_space<hbm>> -> memref<128x128xf32, #tpu.memory_space<hbm>>
      %dma_wait3A_136 = arith.constant 0 : i32
      %dma_wait3A_137 = tpu.memref_slice %arg5[%add3A_118, %dma_wait3A_136] : memref<20480x128xf32, #tpu.memory_space<hbm>> -> memref<128x128xf32, #tpu.memory_space<hbm>>
      tpu.wait_dma2 semaphore(%run_scoped3A : memref<!tpu.dma_semaphore, #tpu.memory_space<semaphore_mem>>) src(%arg8 : memref<128x128xf32, #tpu.memory_space<vmem>>) dst(%dma_wait3A_137 : memref<128x128xf32, #tpu.memory_space<hbm>>)
      tpu.yield
    }) : () -> ()
    %mul3A_119 = arith.constant 640 : i32
    %mul3A_120 = arith.muli %arg1, %mul3A_119 : i32
    %add3A_121 = arith.constant 512 : i32
    %add3A_122 = arith.addi %mul3A_120, %add3A_121 : i32
    "tpu.region"() ({
      %run_scoped3A = tpu.sem_alloc : memref<!tpu.dma_semaphore, #tpu.memory_space<semaphore_mem>>
      %dma_start3A_130 = arith.constant 0 : i32
      %dma_start3A_131 = tpu.memref_slice %arg10[%add3A_122, %dma_start3A_130] : memref<10240x128xf32, #tpu.memory_space<vmem_shared>> -> memref<128x128xf32, #tpu.memory_space<vmem_shared>>
      %dma_start3A_132 = arith.constant 0 : i32
      %dma_start3A_133 = tpu.memref_slice %arg10[%add3A_122, %dma_start3A_132] : memref<10240x128xf32, #tpu.memory_space<vmem_shared>> -> memref<128x128xf32, #tpu.memory_space<vmem_shared>>
      tpu.enqueue_dma source(%dma_start3A_133 : memref<128x128xf32, #tpu.memory_space<vmem_shared>>) target(%arg8 : memref<128x128xf32, #tpu.memory_space<vmem>>) target_semaphore(%run_scoped3A : memref<!tpu.dma_semaphore, #tpu.memory_space<semaphore_mem>>)
      %dma_wait3A_134 = arith.constant 0 : i32
      %dma_wait3A_135 = tpu.memref_slice %arg10[%add3A_122, %dma_wait3A_134] : memref<10240x128xf32, #tpu.memory_space<vmem_shared>> -> memref<128x128xf32, #tpu.memory_space<vmem_shared>>
      %dma_wait3A_136 = arith.constant 0 : i32
      %dma_wait3A_137 = tpu.memref_slice %arg10[%add3A_122, %dma_wait3A_136] : memref<10240x128xf32, #tpu.memory_space<vmem_shared>> -> memref<128x128xf32, #tpu.memory_space<vmem_shared>>
      tpu.wait_dma2 semaphore(%run_scoped3A : memref<!tpu.dma_semaphore, #tpu.memory_space<semaphore_mem>>) src(%dma_wait3A_137 : memref<128x128xf32, #tpu.memory_space<vmem_shared>>) dst(%arg8 : memref<128x128xf32, #tpu.memory_space<vmem>>)
      tpu.yield
    }) : () -> ()
    %mul3A_123 = arith.constant 10240 : i32
    %mul3A_124 = arith.muli %arg0, %mul3A_123 : i32
    %mul3A_125 = arith.constant 640 : i32
    %mul3A_126 = arith.muli %arg1, %mul3A_125 : i32
    %add3A_127 = arith.addi %mul3A_124, %mul3A_126 : i32
    %add3A_128 = arith.constant 512 : i32
    %add3A_129 = arith.addi %add3A_127, %add3A_128 : i32
    "tpu.region"() ({
      %run_scoped3A = tpu.sem_alloc : memref<!tpu.dma_semaphore, #tpu.memory_space<semaphore_mem>>
      %dma_start3A_130 = arith.constant 0 : i32
      %dma_start3A_131 = tpu.memref_slice %arg5[%add3A_129, %dma_start3A_130] : memref<20480x128xf32, #tpu.memory_space<hbm>> -> memref<128x128xf32, #tpu.memory_space<hbm>>
      %dma_start3A_132 = arith.constant 0 : i32
      %dma_start3A_133 = tpu.memref_slice %arg5[%add3A_129, %dma_start3A_132] : memref<20480x128xf32, #tpu.memory_space<hbm>> -> memref<128x128xf32, #tpu.memory_space<hbm>>
      tpu.enqueue_dma source(%arg8 : memref<128x128xf32, #tpu.memory_space<vmem>>) target(%dma_start3A_133 : memref<128x128xf32, #tpu.memory_space<hbm>>) target_semaphore(%run_scoped3A : memref<!tpu.dma_semaphore, #tpu.memory_space<semaphore_mem>>)
      %dma_wait3A_134 = arith.constant 0 : i32
      %dma_wait3A_135 = tpu.memref_slice %arg5[%add3A_129, %dma_wait3A_134] : memref<20480x128xf32, #tpu.memory_space<hbm>> -> memref<128x128xf32, #tpu.memory_space<hbm>>
      %dma_wait3A_136 = arith.constant 0 : i32
      %dma_wait3A_137 = tpu.memref_slice %arg5[%add3A_129, %dma_wait3A_136] : memref<20480x128xf32, #tpu.memory_space<hbm>> -> memref<128x128xf32, #tpu.memory_space<hbm>>
      tpu.wait_dma2 semaphore(%run_scoped3A : memref<!tpu.dma_semaphore, #tpu.memory_space<semaphore_mem>>) src(%arg8 : memref<128x128xf32, #tpu.memory_space<vmem>>) dst(%dma_wait3A_137 : memref<128x128xf32, #tpu.memory_space<hbm>>)
      tpu.yield
    }) : () -> ()
    return
  }
}

#map = affine_map<(d0, d1) -> (0, 0, 0)>
#map1 = affine_map<(d0, d1) -> (0, 0)>
module attributes {stable_mosaic.version = 14 : i64} {
  func.func @_sc_degree(%arg0: i32, %arg1: i32, %arg2: memref<32x80x128xi32, #tpu.memory_space<hbm>>, %arg3: memref<20480x128xf32, #tpu.memory_space<hbm>>, %arg4: memref<80x128xi32, #tpu.memory_space<vmem>>, %arg5: memref<128x128xf32, #tpu.memory_space<vmem>>, %arg6: memref<10240x128xf32, #tpu.memory_space<vmem_shared>>) attributes {dimension_semantics = [#tpu.dimension_semantics<core_parallel>, #tpu.dimension_semantics<subcore_parallel>], iteration_bounds = array<i64: 2, 16>, scalar_prefetch = 0 : i64, scratch_operands = 3 : i64, tpu.core_type = #tpu.core_type<sc_vector_subcore>, window_params = [{transform_indices = #map}, {transform_indices = #map1}]} {
    %mul3A = arith.constant 2 : i32
    %mul3A_0 = arith.muli %arg1, %mul3A : i32
    %add3A = arith.addi %mul3A_0, %arg0 : i32
    "tpu.region"() ({
      %run_scoped3A = tpu.sem_alloc : memref<!tpu.dma_semaphore, #tpu.memory_space<semaphore_mem>>
      %dma_start3A = arith.constant 0 : i32
      %dma_start3A_97 = arith.constant 0 : i32
      %dma_start3A_98 = tpu.memref_slice %arg2[%add3A, %dma_start3A, %dma_start3A_97] : memref<32x80x128xi32, #tpu.memory_space<hbm>> -> memref<1x80x128xi32, #tpu.memory_space<hbm>>
      %dma_start3A_99 = tpu.memref_squeeze %dma_start3A_98 : memref<1x80x128xi32, #tpu.memory_space<hbm>> -> memref<80x128xi32, #tpu.memory_space<hbm>>
      %dma_start3A_100 = arith.constant 0 : i32
      %dma_start3A_101 = arith.constant 0 : i32
      %dma_start3A_102 = tpu.memref_slice %arg2[%add3A, %dma_start3A_100, %dma_start3A_101] : memref<32x80x128xi32, #tpu.memory_space<hbm>> -> memref<1x80x128xi32, #tpu.memory_space<hbm>>
      %dma_start3A_103 = tpu.memref_squeeze %dma_start3A_102 : memref<1x80x128xi32, #tpu.memory_space<hbm>> -> memref<80x128xi32, #tpu.memory_space<hbm>>
      tpu.enqueue_dma source(%dma_start3A_103 : memref<80x128xi32, #tpu.memory_space<hbm>>) target(%arg4 : memref<80x128xi32, #tpu.memory_space<vmem>>) target_semaphore(%run_scoped3A : memref<!tpu.dma_semaphore, #tpu.memory_space<semaphore_mem>>)
      %dma_wait3A = arith.constant 0 : i32
      %dma_wait3A_104 = arith.constant 0 : i32
      %dma_wait3A_105 = tpu.memref_slice %arg2[%add3A, %dma_wait3A, %dma_wait3A_104] : memref<32x80x128xi32, #tpu.memory_space<hbm>> -> memref<1x80x128xi32, #tpu.memory_space<hbm>>
      %dma_wait3A_106 = tpu.memref_squeeze %dma_wait3A_105 : memref<1x80x128xi32, #tpu.memory_space<hbm>> -> memref<80x128xi32, #tpu.memory_space<hbm>>
      %dma_wait3A_107 = arith.constant 0 : i32
      %dma_wait3A_108 = arith.constant 0 : i32
      %dma_wait3A_109 = tpu.memref_slice %arg2[%add3A, %dma_wait3A_107, %dma_wait3A_108] : memref<32x80x128xi32, #tpu.memory_space<hbm>> -> memref<1x80x128xi32, #tpu.memory_space<hbm>>
      %dma_wait3A_110 = tpu.memref_squeeze %dma_wait3A_109 : memref<1x80x128xi32, #tpu.memory_space<hbm>> -> memref<80x128xi32, #tpu.memory_space<hbm>>
      tpu.wait_dma2 semaphore(%run_scoped3A : memref<!tpu.dma_semaphore, #tpu.memory_space<semaphore_mem>>) src(%dma_wait3A_110 : memref<80x128xi32, #tpu.memory_space<hbm>>) dst(%arg4 : memref<80x128xi32, #tpu.memory_space<vmem>>)
      tpu.yield
    }) : () -> ()
    %broadcast_in_dim3A = arith.constant 0.000000e+00 : f32
    %broadcast_in_dim3A_1 = vector.broadcast %broadcast_in_dim3A : f32 to vector<16xf32>
    %scan3A = arith.constant 0 : i32
    %scan3A_2 = arith.constant 0 : i32
    %scan3A_3 = arith.constant 128 : i32
    %scan3A_4 = arith.addi %scan3A_2, %scan3A_3 : i32
    %scan3A_5 = arith.constant 1 : i32
    scf.for %scan3A_97 = %scan3A_2 to %scan3A_4 step %scan3A_5  : i32 {
      %swap3A = arith.index_cast %scan3A_97 : i32 to index
      %swap3A_98 = arith.constant 0 : index
      %swap3A_99 = tpu.vector_load %arg5[%swap3A, %swap3A_98] {strides = array<i32>} : memref<128x128xf32, #tpu.memory_space<vmem>>, vector<1x16xf32>,
      %swap3A_100 = vector.shape_cast %swap3A_99 : vector<1x16xf32> to vector<16xf32>
      %swap3A_101 = vector.shape_cast %broadcast_in_dim3A_1 : vector<16xf32> to vector<1x16xf32>
      tpu.vector_store %arg5[%swap3A, %swap3A_98], %swap3A_101 {strides = array<i32>} : memref<128x128xf32, #tpu.memory_space<vmem>>, vector<1x16xf32>,
      %swap3A_102 = arith.index_cast %scan3A_97 : i32 to index
      %swap3A_103 = arith.constant 16 : index
      %swap3A_104 = tpu.vector_load %arg5[%swap3A_102, %swap3A_103] {strides = array<i32>} : memref<128x128xf32, #tpu.memory_space<vmem>>, vector<1x16xf32>,
      %swap3A_105 = vector.shape_cast %swap3A_104 : vector<1x16xf32> to vector<16xf32>
      %swap3A_106 = vector.shape_cast %broadcast_in_dim3A_1 : vector<16xf32> to vector<1x16xf32>
      tpu.vector_store %arg5[%swap3A_102, %swap3A_103], %swap3A_106 {strides = array<i32>} : memref<128x128xf32, #tpu.memory_space<vmem>>, vector<1x16xf32>,
      %swap3A_107 = arith.index_cast %scan3A_97 : i32 to index
      %swap3A_108 = arith.constant 32 : index
      %swap3A_109 = tpu.vector_load %arg5[%swap3A_107, %swap3A_108] {strides = array<i32>} : memref<128x128xf32, #tpu.memory_space<vmem>>, vector<1x16xf32>,
      %swap3A_110 = vector.shape_cast %swap3A_109 : vector<1x16xf32> to vector<16xf32>
      %swap3A_111 = vector.shape_cast %broadcast_in_dim3A_1 : vector<16xf32> to vector<1x16xf32>
      tpu.vector_store %arg5[%swap3A_107, %swap3A_108], %swap3A_111 {strides = array<i32>} : memref<128x128xf32, #tpu.memory_space<vmem>>, vector<1x16xf32>,
      %swap3A_112 = arith.index_cast %scan3A_97 : i32 to index
      %swap3A_113 = arith.constant 48 : index
      %swap3A_114 = tpu.vector_load %arg5[%swap3A_112, %swap3A_113] {strides = array<i32>} : memref<128x128xf32, #tpu.memory_space<vmem>>, vector<1x16xf32>,
      %swap3A_115 = vector.shape_cast %swap3A_114 : vector<1x16xf32> to vector<16xf32>
      %swap3A_116 = vector.shape_cast %broadcast_in_dim3A_1 : vector<16xf32> to vector<1x16xf32>
      tpu.vector_store %arg5[%swap3A_112, %swap3A_113], %swap3A_116 {strides = array<i32>} : memref<128x128xf32, #tpu.memory_space<vmem>>, vector<1x16xf32>,
      %swap3A_117 = arith.index_cast %scan3A_97 : i32 to index
      %swap3A_118 = arith.constant 64 : index
      %swap3A_119 = tpu.vector_load %arg5[%swap3A_117, %swap3A_118] {strides = array<i32>} : memref<128x128xf32, #tpu.memory_space<vmem>>, vector<1x16xf32>,
      %swap3A_120 = vector.shape_cast %swap3A_119 : vector<1x16xf32> to vector<16xf32>
      %swap3A_121 = vector.shape_cast %broadcast_in_dim3A_1 : vector<16xf32> to vector<1x16xf32>
      tpu.vector_store %arg5[%swap3A_117, %swap3A_118], %swap3A_121 {strides = array<i32>} : memref<128x128xf32, #tpu.memory_space<vmem>>, vector<1x16xf32>,
      %swap3A_122 = arith.index_cast %scan3A_97 : i32 to index
      %swap3A_123 = arith.constant 80 : index
      %swap3A_124 = tpu.vector_load %arg5[%swap3A_122, %swap3A_123] {strides = array<i32>} : memref<128x128xf32, #tpu.memory_space<vmem>>, vector<1x16xf32>,
      %swap3A_125 = vector.shape_cast %swap3A_124 : vector<1x16xf32> to vector<16xf32>
      %swap3A_126 = vector.shape_cast %broadcast_in_dim3A_1 : vector<16xf32> to vector<1x16xf32>
      tpu.vector_store %arg5[%swap3A_122, %swap3A_123], %swap3A_126 {strides = array<i32>} : memref<128x128xf32, #tpu.memory_space<vmem>>, vector<1x16xf32>,
      %swap3A_127 = arith.index_cast %scan3A_97 : i32 to index
      %swap3A_128 = arith.constant 96 : index
      %swap3A_129 = tpu.vector_load %arg5[%swap3A_127, %swap3A_128] {strides = array<i32>} : memref<128x128xf32, #tpu.memory_space<vmem>>, vector<1x16xf32>,
      %swap3A_130 = vector.shape_cast %swap3A_129 : vector<1x16xf32> to vector<16xf32>
      %swap3A_131 = vector.shape_cast %broadcast_in_dim3A_1 : vector<16xf32> to vector<1x16xf32>
      tpu.vector_store %arg5[%swap3A_127, %swap3A_128], %swap3A_131 {strides = array<i32>} : memref<128x128xf32, #tpu.memory_space<vmem>>, vector<1x16xf32>,
      %swap3A_132 = arith.index_cast %scan3A_97 : i32 to index
      %swap3A_133 = arith.constant 112 : index
      %swap3A_134 = tpu.vector_load %arg5[%swap3A_132, %swap3A_133] {strides = array<i32>} : memref<128x128xf32, #tpu.memory_space<vmem>>, vector<1x16xf32>,
      %swap3A_135 = vector.shape_cast %swap3A_134 : vector<1x16xf32> to vector<16xf32>
      %swap3A_136 = vector.shape_cast %broadcast_in_dim3A_1 : vector<16xf32> to vector<1x16xf32>
      tpu.vector_store %arg5[%swap3A_132, %swap3A_133], %swap3A_136 {strides = array<i32>} : memref<128x128xf32, #tpu.memory_space<vmem>>, vector<1x16xf32>,
    }
    %scan3A_6 = arith.constant 128 : i32
    %mul3A_7 = arith.constant 640 : i32
    %mul3A_8 = arith.muli %arg1, %mul3A_7 : i32
    %add3A_9 = arith.constant 0 : i32
    %add3A_10 = arith.addi %mul3A_8, %add3A_9 : i32
    "tpu.region"() ({
      %run_scoped3A = tpu.sem_alloc : memref<!tpu.dma_semaphore, #tpu.memory_space<semaphore_mem>>
      %dma_start3A = arith.constant 0 : i32
      %dma_start3A_97 = tpu.memref_slice %arg6[%add3A_10, %dma_start3A] : memref<10240x128xf32, #tpu.memory_space<vmem_shared>> -> memref<128x128xf32, #tpu.memory_space<vmem_shared>>
      %dma_start3A_98 = arith.constant 0 : i32
      %dma_start3A_99 = tpu.memref_slice %arg6[%add3A_10, %dma_start3A_98] : memref<10240x128xf32, #tpu.memory_space<vmem_shared>> -> memref<128x128xf32, #tpu.memory_space<vmem_shared>>
      tpu.enqueue_dma source(%arg5 : memref<128x128xf32, #tpu.memory_space<vmem>>) target(%dma_start3A_99 : memref<128x128xf32, #tpu.memory_space<vmem_shared>>) target_semaphore(%run_scoped3A : memref<!tpu.dma_semaphore, #tpu.memory_space<semaphore_mem>>)
      %dma_wait3A = arith.constant 0 : i32
      %dma_wait3A_100 = tpu.memref_slice %arg6[%add3A_10, %dma_wait3A] : memref<10240x128xf32, #tpu.memory_space<vmem_shared>> -> memref<128x128xf32, #tpu.memory_space<vmem_shared>>
      %dma_wait3A_101 = arith.constant 0 : i32
      %dma_wait3A_102 = tpu.memref_slice %arg6[%add3A_10, %dma_wait3A_101] : memref<10240x128xf32, #tpu.memory_space<vmem_shared>> -> memref<128x128xf32, #tpu.memory_space<vmem_shared>>
      tpu.wait_dma2 semaphore(%run_scoped3A : memref<!tpu.dma_semaphore, #tpu.memory_space<semaphore_mem>>) src(%arg5 : memref<128x128xf32, #tpu.memory_space<vmem>>) dst(%dma_wait3A_102 : memref<128x128xf32, #tpu.memory_space<vmem_shared>>)
      tpu.yield
    }) : () -> ()
    %mul3A_11 = arith.constant 640 : i32
    %mul3A_12 = arith.muli %arg1, %mul3A_11 : i32
    %add3A_13 = arith.constant 128 : i32
    %add3A_14 = arith.addi %mul3A_12, %add3A_13 : i32
    "tpu.region"() ({
      %run_scoped3A = tpu.sem_alloc : memref<!tpu.dma_semaphore, #tpu.memory_space<semaphore_mem>>
      %dma_start3A = arith.constant 0 : i32
      %dma_start3A_97 = tpu.memref_slice %arg6[%add3A_14, %dma_start3A] : memref<10240x128xf32, #tpu.memory_space<vmem_shared>> -> memref<128x128xf32, #tpu.memory_space<vmem_shared>>
      %dma_start3A_98 = arith.constant 0 : i32
      %dma_start3A_99 = tpu.memref_slice %arg6[%add3A_14, %dma_start3A_98] : memref<10240x128xf32, #tpu.memory_space<vmem_shared>> -> memref<128x128xf32, #tpu.memory_space<vmem_shared>>
      tpu.enqueue_dma source(%arg5 : memref<128x128xf32, #tpu.memory_space<vmem>>) target(%dma_start3A_99 : memref<128x128xf32, #tpu.memory_space<vmem_shared>>) target_semaphore(%run_scoped3A : memref<!tpu.dma_semaphore, #tpu.memory_space<semaphore_mem>>)
      %dma_wait3A = arith.constant 0 : i32
      %dma_wait3A_100 = tpu.memref_slice %arg6[%add3A_14, %dma_wait3A] : memref<10240x128xf32, #tpu.memory_space<vmem_shared>> -> memref<128x128xf32, #tpu.memory_space<vmem_shared>>
      %dma_wait3A_101 = arith.constant 0 : i32
      %dma_wait3A_102 = tpu.memref_slice %arg6[%add3A_14, %dma_wait3A_101] : memref<10240x128xf32, #tpu.memory_space<vmem_shared>> -> memref<128x128xf32, #tpu.memory_space<vmem_shared>>
      tpu.wait_dma2 semaphore(%run_scoped3A : memref<!tpu.dma_semaphore, #tpu.memory_space<semaphore_mem>>) src(%arg5 : memref<128x128xf32, #tpu.memory_space<vmem>>) dst(%dma_wait3A_102 : memref<128x128xf32, #tpu.memory_space<vmem_shared>>)
      tpu.yield
    }) : () -> ()
    %mul3A_15 = arith.constant 640 : i32
    %mul3A_16 = arith.muli %arg1, %mul3A_15 : i32
    %add3A_17 = arith.constant 256 : i32
    %add3A_18 = arith.addi %mul3A_16, %add3A_17 : i32
    "tpu.region"() ({
      %run_scoped3A = tpu.sem_alloc : memref<!tpu.dma_semaphore, #tpu.memory_space<semaphore_mem>>
      %dma_start3A = arith.constant 0 : i32
      %dma_start3A_97 = tpu.memref_slice %arg6[%add3A_18, %dma_start3A] : memref<10240x128xf32, #tpu.memory_space<vmem_shared>> -> memref<128x128xf32, #tpu.memory_space<vmem_shared>>
      %dma_start3A_98 = arith.constant 0 : i32
      %dma_start3A_99 = tpu.memref_slice %arg6[%add3A_18, %dma_start3A_98] : memref<10240x128xf32, #tpu.memory_space<vmem_shared>> -> memref<128x128xf32, #tpu.memory_space<vmem_shared>>
      tpu.enqueue_dma source(%arg5 : memref<128x128xf32, #tpu.memory_space<vmem>>) target(%dma_start3A_99 : memref<128x128xf32, #tpu.memory_space<vmem_shared>>) target_semaphore(%run_scoped3A : memref<!tpu.dma_semaphore, #tpu.memory_space<semaphore_mem>>)
      %dma_wait3A = arith.constant 0 : i32
      %dma_wait3A_100 = tpu.memref_slice %arg6[%add3A_18, %dma_wait3A] : memref<10240x128xf32, #tpu.memory_space<vmem_shared>> -> memref<128x128xf32, #tpu.memory_space<vmem_shared>>
      %dma_wait3A_101 = arith.constant 0 : i32
      %dma_wait3A_102 = tpu.memref_slice %arg6[%add3A_18, %dma_wait3A_101] : memref<10240x128xf32, #tpu.memory_space<vmem_shared>> -> memref<128x128xf32, #tpu.memory_space<vmem_shared>>
      tpu.wait_dma2 semaphore(%run_scoped3A : memref<!tpu.dma_semaphore, #tpu.memory_space<semaphore_mem>>) src(%arg5 : memref<128x128xf32, #tpu.memory_space<vmem>>) dst(%dma_wait3A_102 : memref<128x128xf32, #tpu.memory_space<vmem_shared>>)
      tpu.yield
    }) : () -> ()
    %mul3A_19 = arith.constant 640 : i32
    %mul3A_20 = arith.muli %arg1, %mul3A_19 : i32
    %add3A_21 = arith.constant 384 : i32
    %add3A_22 = arith.addi %mul3A_20, %add3A_21 : i32
    "tpu.region"() ({
      %run_scoped3A = tpu.sem_alloc : memref<!tpu.dma_semaphore, #tpu.memory_space<semaphore_mem>>
      %dma_start3A = arith.constant 0 : i32
      %dma_start3A_97 = tpu.memref_slice %arg6[%add3A_22, %dma_start3A] : memref<10240x128xf32, #tpu.memory_space<vmem_shared>> -> memref<128x128xf32, #tpu.memory_space<vmem_shared>>
      %dma_start3A_98 = arith.constant 0 : i32
      %dma_start3A_99 = tpu.memref_slice %arg6[%add3A_22, %dma_start3A_98] : memref<10240x128xf32, #tpu.memory_space<vmem_shared>> -> memref<128x128xf32, #tpu.memory_space<vmem_shared>>
      tpu.enqueue_dma source(%arg5 : memref<128x128xf32, #tpu.memory_space<vmem>>) target(%dma_start3A_99 : memref<128x128xf32, #tpu.memory_space<vmem_shared>>) target_semaphore(%run_scoped3A : memref<!tpu.dma_semaphore, #tpu.memory_space<semaphore_mem>>)
      %dma_wait3A = arith.constant 0 : i32
      %dma_wait3A_100 = tpu.memref_slice %arg6[%add3A_22, %dma_wait3A] : memref<10240x128xf32, #tpu.memory_space<vmem_shared>> -> memref<128x128xf32, #tpu.memory_space<vmem_shared>>
      %dma_wait3A_101 = arith.constant 0 : i32
      %dma_wait3A_102 = tpu.memref_slice %arg6[%add3A_22, %dma_wait3A_101] : memref<10240x128xf32, #tpu.memory_space<vmem_shared>> -> memref<128x128xf32, #tpu.memory_space<vmem_shared>>
      tpu.wait_dma2 semaphore(%run_scoped3A : memref<!tpu.dma_semaphore, #tpu.memory_space<semaphore_mem>>) src(%arg5 : memref<128x128xf32, #tpu.memory_space<vmem>>) dst(%dma_wait3A_102 : memref<128x128xf32, #tpu.memory_space<vmem_shared>>)
      tpu.yield
    }) : () -> ()
    %mul3A_23 = arith.constant 640 : i32
    %mul3A_24 = arith.muli %arg1, %mul3A_23 : i32
    %add3A_25 = arith.constant 512 : i32
    %add3A_26 = arith.addi %mul3A_24, %add3A_25 : i32
    "tpu.region"() ({
      %run_scoped3A = tpu.sem_alloc : memref<!tpu.dma_semaphore, #tpu.memory_space<semaphore_mem>>
      %dma_start3A = arith.constant 0 : i32
      %dma_start3A_97 = tpu.memref_slice %arg6[%add3A_26, %dma_start3A] : memref<10240x128xf32, #tpu.memory_space<vmem_shared>> -> memref<128x128xf32, #tpu.memory_space<vmem_shared>>
      %dma_start3A_98 = arith.constant 0 : i32
      %dma_start3A_99 = tpu.memref_slice %arg6[%add3A_26, %dma_start3A_98] : memref<10240x128xf32, #tpu.memory_space<vmem_shared>> -> memref<128x128xf32, #tpu.memory_space<vmem_shared>>
      tpu.enqueue_dma source(%arg5 : memref<128x128xf32, #tpu.memory_space<vmem>>) target(%dma_start3A_99 : memref<128x128xf32, #tpu.memory_space<vmem_shared>>) target_semaphore(%run_scoped3A : memref<!tpu.dma_semaphore, #tpu.memory_space<semaphore_mem>>)
      %dma_wait3A = arith.constant 0 : i32
      %dma_wait3A_100 = tpu.memref_slice %arg6[%add3A_26, %dma_wait3A] : memref<10240x128xf32, #tpu.memory_space<vmem_shared>> -> memref<128x128xf32, #tpu.memory_space<vmem_shared>>
      %dma_wait3A_101 = arith.constant 0 : i32
      %dma_wait3A_102 = tpu.memref_slice %arg6[%add3A_26, %dma_wait3A_101] : memref<10240x128xf32, #tpu.memory_space<vmem_shared>> -> memref<128x128xf32, #tpu.memory_space<vmem_shared>>
      tpu.wait_dma2 semaphore(%run_scoped3A : memref<!tpu.dma_semaphore, #tpu.memory_space<semaphore_mem>>) src(%arg5 : memref<128x128xf32, #tpu.memory_space<vmem>>) dst(%dma_wait3A_102 : memref<128x128xf32, #tpu.memory_space<vmem_shared>>)
      tpu.yield
    }) : () -> ()
    %barrier3A = arith.constant 0 : index
    tpu.barrier barrier_id(%barrier3A)
    %broadcast_in_dim3A_27 = arith.constant 1.000000e+00 : f32
    %broadcast_in_dim3A_28 = vector.broadcast %broadcast_in_dim3A_27 : f32 to vector<16xf32>
    %scan3A_29 = arith.constant 0 : i32
    %scan3A_30 = arith.constant 0 : i32
    %scan3A_31 = arith.constant 128 : i32
    %scan3A_32 = arith.addi %scan3A_30, %scan3A_31 : i32
    %scan3A_33 = arith.constant 1 : i32
    scf.for %scan3A_97 = %scan3A_30 to %scan3A_32 step %scan3A_33  : i32 {
      %swap3A = arith.index_cast %scan3A_97 : i32 to index
      %swap3A_98 = arith.constant 0 : index
      %swap3A_99 = tpu.vector_load %arg5[%swap3A, %swap3A_98] {strides = array<i32>} : memref<128x128xf32, #tpu.memory_space<vmem>>, vector<1x16xf32>,
      %swap3A_100 = vector.shape_cast %swap3A_99 : vector<1x16xf32> to vector<16xf32>
      %swap3A_101 = vector.shape_cast %broadcast_in_dim3A_28 : vector<16xf32> to vector<1x16xf32>
      tpu.vector_store %arg5[%swap3A, %swap3A_98], %swap3A_101 {strides = array<i32>} : memref<128x128xf32, #tpu.memory_space<vmem>>, vector<1x16xf32>,
      %swap3A_102 = arith.index_cast %scan3A_97 : i32 to index
      %swap3A_103 = arith.constant 16 : index
      %swap3A_104 = tpu.vector_load %arg5[%swap3A_102, %swap3A_103] {strides = array<i32>} : memref<128x128xf32, #tpu.memory_space<vmem>>, vector<1x16xf32>,
      %swap3A_105 = vector.shape_cast %swap3A_104 : vector<1x16xf32> to vector<16xf32>
      %swap3A_106 = vector.shape_cast %broadcast_in_dim3A_28 : vector<16xf32> to vector<1x16xf32>
      tpu.vector_store %arg5[%swap3A_102, %swap3A_103], %swap3A_106 {strides = array<i32>} : memref<128x128xf32, #tpu.memory_space<vmem>>, vector<1x16xf32>,
      %swap3A_107 = arith.index_cast %scan3A_97 : i32 to index
      %swap3A_108 = arith.constant 32 : index
      %swap3A_109 = tpu.vector_load %arg5[%swap3A_107, %swap3A_108] {strides = array<i32>} : memref<128x128xf32, #tpu.memory_space<vmem>>, vector<1x16xf32>,
      %swap3A_110 = vector.shape_cast %swap3A_109 : vector<1x16xf32> to vector<16xf32>
      %swap3A_111 = vector.shape_cast %broadcast_in_dim3A_28 : vector<16xf32> to vector<1x16xf32>
      tpu.vector_store %arg5[%swap3A_107, %swap3A_108], %swap3A_111 {strides = array<i32>} : memref<128x128xf32, #tpu.memory_space<vmem>>, vector<1x16xf32>,
      %swap3A_112 = arith.index_cast %scan3A_97 : i32 to index
      %swap3A_113 = arith.constant 48 : index
      %swap3A_114 = tpu.vector_load %arg5[%swap3A_112, %swap3A_113] {strides = array<i32>} : memref<128x128xf32, #tpu.memory_space<vmem>>, vector<1x16xf32>,
      %swap3A_115 = vector.shape_cast %swap3A_114 : vector<1x16xf32> to vector<16xf32>
      %swap3A_116 = vector.shape_cast %broadcast_in_dim3A_28 : vector<16xf32> to vector<1x16xf32>
      tpu.vector_store %arg5[%swap3A_112, %swap3A_113], %swap3A_116 {strides = array<i32>} : memref<128x128xf32, #tpu.memory_space<vmem>>, vector<1x16xf32>,
      %swap3A_117 = arith.index_cast %scan3A_97 : i32 to index
      %swap3A_118 = arith.constant 64 : index
      %swap3A_119 = tpu.vector_load %arg5[%swap3A_117, %swap3A_118] {strides = array<i32>} : memref<128x128xf32, #tpu.memory_space<vmem>>, vector<1x16xf32>,
      %swap3A_120 = vector.shape_cast %swap3A_119 : vector<1x16xf32> to vector<16xf32>
      %swap3A_121 = vector.shape_cast %broadcast_in_dim3A_28 : vector<16xf32> to vector<1x16xf32>
      tpu.vector_store %arg5[%swap3A_117, %swap3A_118], %swap3A_121 {strides = array<i32>} : memref<128x128xf32, #tpu.memory_space<vmem>>, vector<1x16xf32>,
      %swap3A_122 = arith.index_cast %scan3A_97 : i32 to index
      %swap3A_123 = arith.constant 80 : index
      %swap3A_124 = tpu.vector_load %arg5[%swap3A_122, %swap3A_123] {strides = array<i32>} : memref<128x128xf32, #tpu.memory_space<vmem>>, vector<1x16xf32>,
      %swap3A_125 = vector.shape_cast %swap3A_124 : vector<1x16xf32> to vector<16xf32>
      %swap3A_126 = vector.shape_cast %broadcast_in_dim3A_28 : vector<16xf32> to vector<1x16xf32>
      tpu.vector_store %arg5[%swap3A_122, %swap3A_123], %swap3A_126 {strides = array<i32>} : memref<128x128xf32, #tpu.memory_space<vmem>>, vector<1x16xf32>,
      %swap3A_127 = arith.index_cast %scan3A_97 : i32 to index
      %swap3A_128 = arith.constant 96 : index
      %swap3A_129 = tpu.vector_load %arg5[%swap3A_127, %swap3A_128] {strides = array<i32>} : memref<128x128xf32, #tpu.memory_space<vmem>>, vector<1x16xf32>,
      %swap3A_130 = vector.shape_cast %swap3A_129 : vector<1x16xf32> to vector<16xf32>
      %swap3A_131 = vector.shape_cast %broadcast_in_dim3A_28 : vector<16xf32> to vector<1x16xf32>
      tpu.vector_store %arg5[%swap3A_127, %swap3A_128], %swap3A_131 {strides = array<i32>} : memref<128x128xf32, #tpu.memory_space<vmem>>, vector<1x16xf32>,
      %swap3A_132 = arith.index_cast %scan3A_97 : i32 to index
      %swap3A_133 = arith.constant 112 : index
      %swap3A_134 = tpu.vector_load %arg5[%swap3A_132, %swap3A_133] {strides = array<i32>} : memref<128x128xf32, #tpu.memory_space<vmem>>, vector<1x16xf32>,
      %swap3A_135 = vector.shape_cast %swap3A_134 : vector<1x16xf32> to vector<16xf32>
      %swap3A_136 = vector.shape_cast %broadcast_in_dim3A_28 : vector<16xf32> to vector<1x16xf32>
      tpu.vector_store %arg5[%swap3A_132, %swap3A_133], %swap3A_136 {strides = array<i32>} : memref<128x128xf32, #tpu.memory_space<vmem>>, vector<1x16xf32>,
    }
    %scan3A_34 = arith.constant 128 : i32
    %scan3A_35 = arith.constant 0 : i32
    %scan3A_36 = arith.constant 0 : i32
    %scan3A_37 = arith.constant 80 : i32
    %scan3A_38 = arith.addi %scan3A_36, %scan3A_37 : i32
    %scan3A_39 = arith.constant 1 : i32
    scf.for %scan3A_97 = %scan3A_36 to %scan3A_38 step %scan3A_39  : i32 {
      "tpu.region"() ({
        %run_scoped3A = tpu.sem_alloc : memref<!tpu.dma_semaphore, #tpu.memory_space<semaphore_mem>>
        %dma_start3A = arith.constant 0 : i32
        %dma_start3A_98 = tpu.memref_slice %arg4[%scan3A_97, %dma_start3A] : memref<80x128xi32, #tpu.memory_space<vmem>> -> memref<1x128xi32, #tpu.memory_space<vmem>>
        %dma_start3A_99 = tpu.memref_squeeze %dma_start3A_98 : memref<1x128xi32, #tpu.memory_space<vmem>> -> memref<128xi32, #tpu.memory_space<vmem>>
        %dma_start3A_100 = arith.constant 0 : i32
        %dma_start3A_101 = arith.constant 0 : i32
        %dma_start3A_102 = tpu.memref_slice %arg6[%dma_start3A_100, %dma_start3A_101] : memref<10240x128xf32, #tpu.memory_space<vmem_shared>> -> memref<10240x128xf32, #tpu.memory_space<vmem_shared>>
        tpu.enqueue_indirect_dma source(%arg5 : memref<128x128xf32, #tpu.memory_space<vmem>>) target(%dma_start3A_102 : memref<10240x128xf32, #tpu.memory_space<vmem_shared>>) offsets(%dma_start3A_99 : memref<128xi32, #tpu.memory_space<vmem>>) semaphore(%run_scoped3A : memref<!tpu.dma_semaphore, #tpu.memory_space<semaphore_mem>>) {add = true}
        %dma_wait3A = arith.constant 0 : i32
        %dma_wait3A_103 = tpu.memref_slice %arg4[%scan3A_97, %dma_wait3A] : memref<80x128xi32, #tpu.memory_space<vmem>> -> memref<1x128xi32, #tpu.memory_space<vmem>>
        %dma_wait3A_104 = tpu.memref_squeeze %dma_wait3A_103 : memref<1x128xi32, #tpu.memory_space<vmem>> -> memref<128xi32, #tpu.memory_space<vmem>>
        %dma_wait3A_105 = arith.constant 0 : i32
        %dma_wait3A_106 = arith.constant 0 : i32
        %dma_wait3A_107 = tpu.memref_slice %arg6[%dma_wait3A_105, %dma_wait3A_106] : memref<10240x128xf32, #tpu.memory_space<vmem_shared>> -> memref<10240x128xf32, #tpu.memory_space<vmem_shared>>
        tpu.wait_indirect_dma semaphore(%run_scoped3A : memref<!tpu.dma_semaphore, #tpu.memory_space<semaphore_mem>>) src(%arg5 : memref<128x128xf32, #tpu.memory_space<vmem>>) dst(%dma_wait3A_107 : memref<10240x128xf32, #tpu.memory_space<vmem_shared>>)
        tpu.yield
      }) : () -> ()
    }
    %scan3A_40 = arith.constant 80 : i32
    %barrier3A_41 = arith.constant 0 : index
    tpu.barrier barrier_id(%barrier3A_41)
    %mul3A_42 = arith.constant 640 : i32
    %mul3A_43 = arith.muli %arg1, %mul3A_42 : i32
    %add3A_44 = arith.constant 0 : i32
    %add3A_45 = arith.addi %mul3A_43, %add3A_44 : i32
    "tpu.region"() ({
      %run_scoped3A = tpu.sem_alloc : memref<!tpu.dma_semaphore, #tpu.memory_space<semaphore_mem>>
      %dma_start3A = arith.constant 0 : i32
      %dma_start3A_97 = tpu.memref_slice %arg6[%add3A_45, %dma_start3A] : memref<10240x128xf32, #tpu.memory_space<vmem_shared>> -> memref<128x128xf32, #tpu.memory_space<vmem_shared>>
      %dma_start3A_98 = arith.constant 0 : i32
      %dma_start3A_99 = tpu.memref_slice %arg6[%add3A_45, %dma_start3A_98] : memref<10240x128xf32, #tpu.memory_space<vmem_shared>> -> memref<128x128xf32, #tpu.memory_space<vmem_shared>>
      tpu.enqueue_dma source(%dma_start3A_99 : memref<128x128xf32, #tpu.memory_space<vmem_shared>>) target(%arg5 : memref<128x128xf32, #tpu.memory_space<vmem>>) target_semaphore(%run_scoped3A : memref<!tpu.dma_semaphore, #tpu.memory_space<semaphore_mem>>)
      %dma_wait3A = arith.constant 0 : i32
      %dma_wait3A_100 = tpu.memref_slice %arg6[%add3A_45, %dma_wait3A] : memref<10240x128xf32, #tpu.memory_space<vmem_shared>> -> memref<128x128xf32, #tpu.memory_space<vmem_shared>>
      %dma_wait3A_101 = arith.constant 0 : i32
      %dma_wait3A_102 = tpu.memref_slice %arg6[%add3A_45, %dma_wait3A_101] : memref<10240x128xf32, #tpu.memory_space<vmem_shared>> -> memref<128x128xf32, #tpu.memory_space<vmem_shared>>
      tpu.wait_dma2 semaphore(%run_scoped3A : memref<!tpu.dma_semaphore, #tpu.memory_space<semaphore_mem>>) src(%dma_wait3A_102 : memref<128x128xf32, #tpu.memory_space<vmem_shared>>) dst(%arg5 : memref<128x128xf32, #tpu.memory_space<vmem>>)
      tpu.yield
    }) : () -> ()
    %mul3A_46 = arith.constant 10240 : i32
    %mul3A_47 = arith.muli %arg0, %mul3A_46 : i32
    %mul3A_48 = arith.constant 640 : i32
    %mul3A_49 = arith.muli %arg1, %mul3A_48 : i32
    %add3A_50 = arith.addi %mul3A_47, %mul3A_49 : i32
    %add3A_51 = arith.constant 0 : i32
    %add3A_52 = arith.addi %add3A_50, %add3A_51 : i32
    "tpu.region"() ({
      %run_scoped3A = tpu.sem_alloc : memref<!tpu.dma_semaphore, #tpu.memory_space<semaphore_mem>>
      %dma_start3A = arith.constant 0 : i32
      %dma_start3A_97 = tpu.memref_slice %arg3[%add3A_52, %dma_start3A] : memref<20480x128xf32, #tpu.memory_space<hbm>> -> memref<128x128xf32, #tpu.memory_space<hbm>>
      %dma_start3A_98 = arith.constant 0 : i32
      %dma_start3A_99 = tpu.memref_slice %arg3[%add3A_52, %dma_start3A_98] : memref<20480x128xf32, #tpu.memory_space<hbm>> -> memref<128x128xf32, #tpu.memory_space<hbm>>
      tpu.enqueue_dma source(%arg5 : memref<128x128xf32, #tpu.memory_space<vmem>>) target(%dma_start3A_99 : memref<128x128xf32, #tpu.memory_space<hbm>>) target_semaphore(%run_scoped3A : memref<!tpu.dma_semaphore, #tpu.memory_space<semaphore_mem>>)
      %dma_wait3A = arith.constant 0 : i32
      %dma_wait3A_100 = tpu.memref_slice %arg3[%add3A_52, %dma_wait3A] : memref<20480x128xf32, #tpu.memory_space<hbm>> -> memref<128x128xf32, #tpu.memory_space<hbm>>
      %dma_wait3A_101 = arith.constant 0 : i32
      %dma_wait3A_102 = tpu.memref_slice %arg3[%add3A_52, %dma_wait3A_101] : memref<20480x128xf32, #tpu.memory_space<hbm>> -> memref<128x128xf32, #tpu.memory_space<hbm>>
      tpu.wait_dma2 semaphore(%run_scoped3A : memref<!tpu.dma_semaphore, #tpu.memory_space<semaphore_mem>>) src(%arg5 : memref<128x128xf32, #tpu.memory_space<vmem>>) dst(%dma_wait3A_102 : memref<128x128xf32, #tpu.memory_space<hbm>>)
      tpu.yield
    }) : () -> ()
    %mul3A_53 = arith.constant 640 : i32
    %mul3A_54 = arith.muli %arg1, %mul3A_53 : i32
    %add3A_55 = arith.constant 128 : i32
    %add3A_56 = arith.addi %mul3A_54, %add3A_55 : i32
    "tpu.region"() ({
      %run_scoped3A = tpu.sem_alloc : memref<!tpu.dma_semaphore, #tpu.memory_space<semaphore_mem>>
      %dma_start3A = arith.constant 0 : i32
      %dma_start3A_97 = tpu.memref_slice %arg6[%add3A_56, %dma_start3A] : memref<10240x128xf32, #tpu.memory_space<vmem_shared>> -> memref<128x128xf32, #tpu.memory_space<vmem_shared>>
      %dma_start3A_98 = arith.constant 0 : i32
      %dma_start3A_99 = tpu.memref_slice %arg6[%add3A_56, %dma_start3A_98] : memref<10240x128xf32, #tpu.memory_space<vmem_shared>> -> memref<128x128xf32, #tpu.memory_space<vmem_shared>>
      tpu.enqueue_dma source(%dma_start3A_99 : memref<128x128xf32, #tpu.memory_space<vmem_shared>>) target(%arg5 : memref<128x128xf32, #tpu.memory_space<vmem>>) target_semaphore(%run_scoped3A : memref<!tpu.dma_semaphore, #tpu.memory_space<semaphore_mem>>)
      %dma_wait3A = arith.constant 0 : i32
      %dma_wait3A_100 = tpu.memref_slice %arg6[%add3A_56, %dma_wait3A] : memref<10240x128xf32, #tpu.memory_space<vmem_shared>> -> memref<128x128xf32, #tpu.memory_space<vmem_shared>>
      %dma_wait3A_101 = arith.constant 0 : i32
      %dma_wait3A_102 = tpu.memref_slice %arg6[%add3A_56, %dma_wait3A_101] : memref<10240x128xf32, #tpu.memory_space<vmem_shared>> -> memref<128x128xf32, #tpu.memory_space<vmem_shared>>
      tpu.wait_dma2 semaphore(%run_scoped3A : memref<!tpu.dma_semaphore, #tpu.memory_space<semaphore_mem>>) src(%dma_wait3A_102 : memref<128x128xf32, #tpu.memory_space<vmem_shared>>) dst(%arg5 : memref<128x128xf32, #tpu.memory_space<vmem>>)
      tpu.yield
    }) : () -> ()
    %mul3A_57 = arith.constant 10240 : i32
    %mul3A_58 = arith.muli %arg0, %mul3A_57 : i32
    %mul3A_59 = arith.constant 640 : i32
    %mul3A_60 = arith.muli %arg1, %mul3A_59 : i32
    %add3A_61 = arith.addi %mul3A_58, %mul3A_60 : i32
    %add3A_62 = arith.constant 128 : i32
    %add3A_63 = arith.addi %add3A_61, %add3A_62 : i32
    "tpu.region"() ({
      %run_scoped3A = tpu.sem_alloc : memref<!tpu.dma_semaphore, #tpu.memory_space<semaphore_mem>>
      %dma_start3A = arith.constant 0 : i32
      %dma_start3A_97 = tpu.memref_slice %arg3[%add3A_63, %dma_start3A] : memref<20480x128xf32, #tpu.memory_space<hbm>> -> memref<128x128xf32, #tpu.memory_space<hbm>>
      %dma_start3A_98 = arith.constant 0 : i32
      %dma_start3A_99 = tpu.memref_slice %arg3[%add3A_63, %dma_start3A_98] : memref<20480x128xf32, #tpu.memory_space<hbm>> -> memref<128x128xf32, #tpu.memory_space<hbm>>
      tpu.enqueue_dma source(%arg5 : memref<128x128xf32, #tpu.memory_space<vmem>>) target(%dma_start3A_99 : memref<128x128xf32, #tpu.memory_space<hbm>>) target_semaphore(%run_scoped3A : memref<!tpu.dma_semaphore, #tpu.memory_space<semaphore_mem>>)
      %dma_wait3A = arith.constant 0 : i32
      %dma_wait3A_100 = tpu.memref_slice %arg3[%add3A_63, %dma_wait3A] : memref<20480x128xf32, #tpu.memory_space<hbm>> -> memref<128x128xf32, #tpu.memory_space<hbm>>
      %dma_wait3A_101 = arith.constant 0 : i32
      %dma_wait3A_102 = tpu.memref_slice %arg3[%add3A_63, %dma_wait3A_101] : memref<20480x128xf32, #tpu.memory_space<hbm>> -> memref<128x128xf32, #tpu.memory_space<hbm>>
      tpu.wait_dma2 semaphore(%run_scoped3A : memref<!tpu.dma_semaphore, #tpu.memory_space<semaphore_mem>>) src(%arg5 : memref<128x128xf32, #tpu.memory_space<vmem>>) dst(%dma_wait3A_102 : memref<128x128xf32, #tpu.memory_space<hbm>>)
      tpu.yield
    }) : () -> ()
    %mul3A_64 = arith.constant 640 : i32
    %mul3A_65 = arith.muli %arg1, %mul3A_64 : i32
    %add3A_66 = arith.constant 256 : i32
    %add3A_67 = arith.addi %mul3A_65, %add3A_66 : i32
    "tpu.region"() ({
      %run_scoped3A = tpu.sem_alloc : memref<!tpu.dma_semaphore, #tpu.memory_space<semaphore_mem>>
      %dma_start3A = arith.constant 0 : i32
      %dma_start3A_97 = tpu.memref_slice %arg6[%add3A_67, %dma_start3A] : memref<10240x128xf32, #tpu.memory_space<vmem_shared>> -> memref<128x128xf32, #tpu.memory_space<vmem_shared>>
      %dma_start3A_98 = arith.constant 0 : i32
      %dma_start3A_99 = tpu.memref_slice %arg6[%add3A_67, %dma_start3A_98] : memref<10240x128xf32, #tpu.memory_space<vmem_shared>> -> memref<128x128xf32, #tpu.memory_space<vmem_shared>>
      tpu.enqueue_dma source(%dma_start3A_99 : memref<128x128xf32, #tpu.memory_space<vmem_shared>>) target(%arg5 : memref<128x128xf32, #tpu.memory_space<vmem>>) target_semaphore(%run_scoped3A : memref<!tpu.dma_semaphore, #tpu.memory_space<semaphore_mem>>)
      %dma_wait3A = arith.constant 0 : i32
      %dma_wait3A_100 = tpu.memref_slice %arg6[%add3A_67, %dma_wait3A] : memref<10240x128xf32, #tpu.memory_space<vmem_shared>> -> memref<128x128xf32, #tpu.memory_space<vmem_shared>>
      %dma_wait3A_101 = arith.constant 0 : i32
      %dma_wait3A_102 = tpu.memref_slice %arg6[%add3A_67, %dma_wait3A_101] : memref<10240x128xf32, #tpu.memory_space<vmem_shared>> -> memref<128x128xf32, #tpu.memory_space<vmem_shared>>
      tpu.wait_dma2 semaphore(%run_scoped3A : memref<!tpu.dma_semaphore, #tpu.memory_space<semaphore_mem>>) src(%dma_wait3A_102 : memref<128x128xf32, #tpu.memory_space<vmem_shared>>) dst(%arg5 : memref<128x128xf32, #tpu.memory_space<vmem>>)
      tpu.yield
    }) : () -> ()
    %mul3A_68 = arith.constant 10240 : i32
    %mul3A_69 = arith.muli %arg0, %mul3A_68 : i32
    %mul3A_70 = arith.constant 640 : i32
    %mul3A_71 = arith.muli %arg1, %mul3A_70 : i32
    %add3A_72 = arith.addi %mul3A_69, %mul3A_71 : i32
    %add3A_73 = arith.constant 256 : i32
    %add3A_74 = arith.addi %add3A_72, %add3A_73 : i32
    "tpu.region"() ({
      %run_scoped3A = tpu.sem_alloc : memref<!tpu.dma_semaphore, #tpu.memory_space<semaphore_mem>>
      %dma_start3A = arith.constant 0 : i32
      %dma_start3A_97 = tpu.memref_slice %arg3[%add3A_74, %dma_start3A] : memref<20480x128xf32, #tpu.memory_space<hbm>> -> memref<128x128xf32, #tpu.memory_space<hbm>>
      %dma_start3A_98 = arith.constant 0 : i32
      %dma_start3A_99 = tpu.memref_slice %arg3[%add3A_74, %dma_start3A_98] : memref<20480x128xf32, #tpu.memory_space<hbm>> -> memref<128x128xf32, #tpu.memory_space<hbm>>
      tpu.enqueue_dma source(%arg5 : memref<128x128xf32, #tpu.memory_space<vmem>>) target(%dma_start3A_99 : memref<128x128xf32, #tpu.memory_space<hbm>>) target_semaphore(%run_scoped3A : memref<!tpu.dma_semaphore, #tpu.memory_space<semaphore_mem>>)
      %dma_wait3A = arith.constant 0 : i32
      %dma_wait3A_100 = tpu.memref_slice %arg3[%add3A_74, %dma_wait3A] : memref<20480x128xf32, #tpu.memory_space<hbm>> -> memref<128x128xf32, #tpu.memory_space<hbm>>
      %dma_wait3A_101 = arith.constant 0 : i32
      %dma_wait3A_102 = tpu.memref_slice %arg3[%add3A_74, %dma_wait3A_101] : memref<20480x128xf32, #tpu.memory_space<hbm>> -> memref<128x128xf32, #tpu.memory_space<hbm>>
      tpu.wait_dma2 semaphore(%run_scoped3A : memref<!tpu.dma_semaphore, #tpu.memory_space<semaphore_mem>>) src(%arg5 : memref<128x128xf32, #tpu.memory_space<vmem>>) dst(%dma_wait3A_102 : memref<128x128xf32, #tpu.memory_space<hbm>>)
      tpu.yield
    }) : () -> ()
    %mul3A_75 = arith.constant 640 : i32
    %mul3A_76 = arith.muli %arg1, %mul3A_75 : i32
    %add3A_77 = arith.constant 384 : i32
    %add3A_78 = arith.addi %mul3A_76, %add3A_77 : i32
    "tpu.region"() ({
      %run_scoped3A = tpu.sem_alloc : memref<!tpu.dma_semaphore, #tpu.memory_space<semaphore_mem>>
      %dma_start3A = arith.constant 0 : i32
      %dma_start3A_97 = tpu.memref_slice %arg6[%add3A_78, %dma_start3A] : memref<10240x128xf32, #tpu.memory_space<vmem_shared>> -> memref<128x128xf32, #tpu.memory_space<vmem_shared>>
      %dma_start3A_98 = arith.constant 0 : i32
      %dma_start3A_99 = tpu.memref_slice %arg6[%add3A_78, %dma_start3A_98] : memref<10240x128xf32, #tpu.memory_space<vmem_shared>> -> memref<128x128xf32, #tpu.memory_space<vmem_shared>>
      tpu.enqueue_dma source(%dma_start3A_99 : memref<128x128xf32, #tpu.memory_space<vmem_shared>>) target(%arg5 : memref<128x128xf32, #tpu.memory_space<vmem>>) target_semaphore(%run_scoped3A : memref<!tpu.dma_semaphore, #tpu.memory_space<semaphore_mem>>)
      %dma_wait3A = arith.constant 0 : i32
      %dma_wait3A_100 = tpu.memref_slice %arg6[%add3A_78, %dma_wait3A] : memref<10240x128xf32, #tpu.memory_space<vmem_shared>> -> memref<128x128xf32, #tpu.memory_space<vmem_shared>>
      %dma_wait3A_101 = arith.constant 0 : i32
      %dma_wait3A_102 = tpu.memref_slice %arg6[%add3A_78, %dma_wait3A_101] : memref<10240x128xf32, #tpu.memory_space<vmem_shared>> -> memref<128x128xf32, #tpu.memory_space<vmem_shared>>
      tpu.wait_dma2 semaphore(%run_scoped3A : memref<!tpu.dma_semaphore, #tpu.memory_space<semaphore_mem>>) src(%dma_wait3A_102 : memref<128x128xf32, #tpu.memory_space<vmem_shared>>) dst(%arg5 : memref<128x128xf32, #tpu.memory_space<vmem>>)
      tpu.yield
    }) : () -> ()
    %mul3A_79 = arith.constant 10240 : i32
    %mul3A_80 = arith.muli %arg0, %mul3A_79 : i32
    %mul3A_81 = arith.constant 640 : i32
    %mul3A_82 = arith.muli %arg1, %mul3A_81 : i32
    %add3A_83 = arith.addi %mul3A_80, %mul3A_82 : i32
    %add3A_84 = arith.constant 384 : i32
    %add3A_85 = arith.addi %add3A_83, %add3A_84 : i32
    "tpu.region"() ({
      %run_scoped3A = tpu.sem_alloc : memref<!tpu.dma_semaphore, #tpu.memory_space<semaphore_mem>>
      %dma_start3A = arith.constant 0 : i32
      %dma_start3A_97 = tpu.memref_slice %arg3[%add3A_85, %dma_start3A] : memref<20480x128xf32, #tpu.memory_space<hbm>> -> memref<128x128xf32, #tpu.memory_space<hbm>>
      %dma_start3A_98 = arith.constant 0 : i32
      %dma_start3A_99 = tpu.memref_slice %arg3[%add3A_85, %dma_start3A_98] : memref<20480x128xf32, #tpu.memory_space<hbm>> -> memref<128x128xf32, #tpu.memory_space<hbm>>
      tpu.enqueue_dma source(%arg5 : memref<128x128xf32, #tpu.memory_space<vmem>>) target(%dma_start3A_99 : memref<128x128xf32, #tpu.memory_space<hbm>>) target_semaphore(%run_scoped3A : memref<!tpu.dma_semaphore, #tpu.memory_space<semaphore_mem>>)
      %dma_wait3A = arith.constant 0 : i32
      %dma_wait3A_100 = tpu.memref_slice %arg3[%add3A_85, %dma_wait3A] : memref<20480x128xf32, #tpu.memory_space<hbm>> -> memref<128x128xf32, #tpu.memory_space<hbm>>
      %dma_wait3A_101 = arith.constant 0 : i32
      %dma_wait3A_102 = tpu.memref_slice %arg3[%add3A_85, %dma_wait3A_101] : memref<20480x128xf32, #tpu.memory_space<hbm>> -> memref<128x128xf32, #tpu.memory_space<hbm>>
      tpu.wait_dma2 semaphore(%run_scoped3A : memref<!tpu.dma_semaphore, #tpu.memory_space<semaphore_mem>>) src(%arg5 : memref<128x128xf32, #tpu.memory_space<vmem>>) dst(%dma_wait3A_102 : memref<128x128xf32, #tpu.memory_space<hbm>>)
      tpu.yield
    }) : () -> ()
    %mul3A_86 = arith.constant 640 : i32
    %mul3A_87 = arith.muli %arg1, %mul3A_86 : i32
    %add3A_88 = arith.constant 512 : i32
    %add3A_89 = arith.addi %mul3A_87, %add3A_88 : i32
    "tpu.region"() ({
      %run_scoped3A = tpu.sem_alloc : memref<!tpu.dma_semaphore, #tpu.memory_space<semaphore_mem>>
      %dma_start3A = arith.constant 0 : i32
      %dma_start3A_97 = tpu.memref_slice %arg6[%add3A_89, %dma_start3A] : memref<10240x128xf32, #tpu.memory_space<vmem_shared>> -> memref<128x128xf32, #tpu.memory_space<vmem_shared>>
      %dma_start3A_98 = arith.constant 0 : i32
      %dma_start3A_99 = tpu.memref_slice %arg6[%add3A_89, %dma_start3A_98] : memref<10240x128xf32, #tpu.memory_space<vmem_shared>> -> memref<128x128xf32, #tpu.memory_space<vmem_shared>>
      tpu.enqueue_dma source(%dma_start3A_99 : memref<128x128xf32, #tpu.memory_space<vmem_shared>>) target(%arg5 : memref<128x128xf32, #tpu.memory_space<vmem>>) target_semaphore(%run_scoped3A : memref<!tpu.dma_semaphore, #tpu.memory_space<semaphore_mem>>)
      %dma_wait3A = arith.constant 0 : i32
      %dma_wait3A_100 = tpu.memref_slice %arg6[%add3A_89, %dma_wait3A] : memref<10240x128xf32, #tpu.memory_space<vmem_shared>> -> memref<128x128xf32, #tpu.memory_space<vmem_shared>>
      %dma_wait3A_101 = arith.constant 0 : i32
      %dma_wait3A_102 = tpu.memref_slice %arg6[%add3A_89, %dma_wait3A_101] : memref<10240x128xf32, #tpu.memory_space<vmem_shared>> -> memref<128x128xf32, #tpu.memory_space<vmem_shared>>
      tpu.wait_dma2 semaphore(%run_scoped3A : memref<!tpu.dma_semaphore, #tpu.memory_space<semaphore_mem>>) src(%dma_wait3A_102 : memref<128x128xf32, #tpu.memory_space<vmem_shared>>) dst(%arg5 : memref<128x128xf32, #tpu.memory_space<vmem>>)
      tpu.yield
    }) : () -> ()
    %mul3A_90 = arith.constant 10240 : i32
    %mul3A_91 = arith.muli %arg0, %mul3A_90 : i32
    %mul3A_92 = arith.constant 640 : i32
    %mul3A_93 = arith.muli %arg1, %mul3A_92 : i32
    %add3A_94 = arith.addi %mul3A_91, %mul3A_93 : i32
    %add3A_95 = arith.constant 512 : i32
    %add3A_96 = arith.addi %add3A_94, %add3A_95 : i32
    "tpu.region"() ({
      %run_scoped3A = tpu.sem_alloc : memref<!tpu.dma_semaphore, #tpu.memory_space<semaphore_mem>>
      %dma_start3A = arith.constant 0 : i32
      %dma_start3A_97 = tpu.memref_slice %arg3[%add3A_96, %dma_start3A] : memref<20480x128xf32, #tpu.memory_space<hbm>> -> memref<128x128xf32, #tpu.memory_space<hbm>>
      %dma_start3A_98 = arith.constant 0 : i32
      %dma_start3A_99 = tpu.memref_slice %arg3[%add3A_96, %dma_start3A_98] : memref<20480x128xf32, #tpu.memory_space<hbm>> -> memref<128x128xf32, #tpu.memory_space<hbm>>
      tpu.enqueue_dma source(%arg5 : memref<128x128xf32, #tpu.memory_space<vmem>>) target(%dma_start3A_99 : memref<128x128xf32, #tpu.memory_space<hbm>>) target_semaphore(%run_scoped3A : memref<!tpu.dma_semaphore, #tpu.memory_space<semaphore_mem>>)
      %dma_wait3A = arith.constant 0 : i32
      %dma_wait3A_100 = tpu.memref_slice %arg3[%add3A_96, %dma_wait3A] : memref<20480x128xf32, #tpu.memory_space<hbm>> -> memref<128x128xf32, #tpu.memory_space<hbm>>
      %dma_wait3A_101 = arith.constant 0 : i32
      %dma_wait3A_102 = tpu.memref_slice %arg3[%add3A_96, %dma_wait3A_101] : memref<20480x128xf32, #tpu.memory_space<hbm>> -> memref<128x128xf32, #tpu.memory_space<hbm>>
      tpu.wait_dma2 semaphore(%run_scoped3A : memref<!tpu.dma_semaphore, #tpu.memory_space<semaphore_mem>>) src(%arg5 : memref<128x128xf32, #tpu.memory_space<vmem>>) dst(%dma_wait3A_102 : memref<128x128xf32, #tpu.memory_space<hbm>>)
      tpu.yield
    }) : () -> ()
    return
  }
}

#map = affine_map<(d0, d1) -> (0, 0)>
#map1 = affine_map<(d0, d1) -> (0, 0, 0)>
module attributes {stable_mosaic.version = 14 : i64} {
  func.func @_sc_edge_pass(%arg0: i32, %arg1: i32, %arg2: memref<10000x128xf32, #tpu.memory_space<hbm>>, %arg3: memref<16x160x128xi32, #tpu.memory_space<hbm>>, %arg4: memref<16x160x128xi32, #tpu.memory_space<hbm>>, %arg5: memref<20480x128xf32, #tpu.memory_space<hbm>>, %arg6: memref<32x128xi32, #tpu.memory_space<vmem>>, %arg7: memref<32x128xi32, #tpu.memory_space<vmem>>, %arg8: memref<128x128xf32, #tpu.memory_space<vmem>>, %arg9: memref<128x128xf32, #tpu.memory_space<vmem>>, %arg10: memref<10240x128xf32, #tpu.memory_space<vmem_shared>>, %arg11: memref<!tpu.dma_semaphore, #tpu.memory_space<semaphore_mem>>, %arg12: memref<!tpu.dma_semaphore, #tpu.memory_space<semaphore_mem>>) attributes {dimension_semantics = [#tpu.dimension_semantics<core_parallel>, #tpu.dimension_semantics<subcore_parallel>], iteration_bounds = array<i64: 2, 16>, scalar_prefetch = 0 : i64, scratch_operands = 7 : i64, tpu.core_type = #tpu.core_type<sc_vector_subcore>, window_params = [{transform_indices = #map}, {transform_indices = #map1}, {transform_indices = #map1}, {transform_indices = #map}]} {
    %eq3A = arith.constant 0 : i32
    %eq3A_0 = arith.cmpi eq, %arg0, %eq3A : i32
    %select_n3A = arith.constant 80 : i32
    %select_n3A_1 = arith.constant 0 : i32
    %select_n3A_2 = arith.select %eq3A_0, %select_n3A_1, %select_n3A : i32
    %eq3A_3 = arith.constant 0 : i32
    %eq3A_4 = arith.cmpi eq, %arg0, %eq3A_3 : i32
    %select_n3A_5 = arith.constant 80 : i32
    %select_n3A_6 = arith.constant 80 : i32
    %select_n3A_7 = arith.select %eq3A_4, %select_n3A_6, %select_n3A_5 : i32
    %broadcast_in_dim3A = arith.constant 0.000000e+00 : f32
    %broadcast_in_dim3A_8 = vector.broadcast %broadcast_in_dim3A : f32 to vector<16xf32>
    %scan3A = arith.constant 0 : i32
    %scan3A_9 = arith.constant 0 : i32
    %scan3A_10 = arith.constant 128 : i32
    %scan3A_11 = arith.addi %scan3A_9, %scan3A_10 : i32
    %scan3A_12 = arith.constant 1 : i32
    scf.for %scan3A_130 = %scan3A_9 to %scan3A_11 step %scan3A_12  : i32 {
      %swap3A = arith.index_cast %scan3A_130 : i32 to index
      %swap3A_131 = arith.constant 0 : index
      %swap3A_132 = tpu.vector_load %arg8[%swap3A, %swap3A_131] {strides = array<i32>} : memref<128x128xf32, #tpu.memory_space<vmem>>, vector<1x16xf32>,
      %swap3A_133 = vector.shape_cast %swap3A_132 : vector<1x16xf32> to vector<16xf32>
      %swap3A_134 = vector.shape_cast %broadcast_in_dim3A_8 : vector<16xf32> to vector<1x16xf32>
      tpu.vector_store %arg8[%swap3A, %swap3A_131], %swap3A_134 {strides = array<i32>} : memref<128x128xf32, #tpu.memory_space<vmem>>, vector<1x16xf32>,
      %swap3A_135 = arith.index_cast %scan3A_130 : i32 to index
      %swap3A_136 = arith.constant 16 : index
      %swap3A_137 = tpu.vector_load %arg8[%swap3A_135, %swap3A_136] {strides = array<i32>} : memref<128x128xf32, #tpu.memory_space<vmem>>, vector<1x16xf32>,
      %swap3A_138 = vector.shape_cast %swap3A_137 : vector<1x16xf32> to vector<16xf32>
      %swap3A_139 = vector.shape_cast %broadcast_in_dim3A_8 : vector<16xf32> to vector<1x16xf32>
      tpu.vector_store %arg8[%swap3A_135, %swap3A_136], %swap3A_139 {strides = array<i32>} : memref<128x128xf32, #tpu.memory_space<vmem>>, vector<1x16xf32>,
      %swap3A_140 = arith.index_cast %scan3A_130 : i32 to index
      %swap3A_141 = arith.constant 32 : index
      %swap3A_142 = tpu.vector_load %arg8[%swap3A_140, %swap3A_141] {strides = array<i32>} : memref<128x128xf32, #tpu.memory_space<vmem>>, vector<1x16xf32>,
      %swap3A_143 = vector.shape_cast %swap3A_142 : vector<1x16xf32> to vector<16xf32>
      %swap3A_144 = vector.shape_cast %broadcast_in_dim3A_8 : vector<16xf32> to vector<1x16xf32>
      tpu.vector_store %arg8[%swap3A_140, %swap3A_141], %swap3A_144 {strides = array<i32>} : memref<128x128xf32, #tpu.memory_space<vmem>>, vector<1x16xf32>,
      %swap3A_145 = arith.index_cast %scan3A_130 : i32 to index
      %swap3A_146 = arith.constant 48 : index
      %swap3A_147 = tpu.vector_load %arg8[%swap3A_145, %swap3A_146] {strides = array<i32>} : memref<128x128xf32, #tpu.memory_space<vmem>>, vector<1x16xf32>,
      %swap3A_148 = vector.shape_cast %swap3A_147 : vector<1x16xf32> to vector<16xf32>
      %swap3A_149 = vector.shape_cast %broadcast_in_dim3A_8 : vector<16xf32> to vector<1x16xf32>
      tpu.vector_store %arg8[%swap3A_145, %swap3A_146], %swap3A_149 {strides = array<i32>} : memref<128x128xf32, #tpu.memory_space<vmem>>, vector<1x16xf32>,
      %swap3A_150 = arith.index_cast %scan3A_130 : i32 to index
      %swap3A_151 = arith.constant 64 : index
      %swap3A_152 = tpu.vector_load %arg8[%swap3A_150, %swap3A_151] {strides = array<i32>} : memref<128x128xf32, #tpu.memory_space<vmem>>, vector<1x16xf32>,
      %swap3A_153 = vector.shape_cast %swap3A_152 : vector<1x16xf32> to vector<16xf32>
      %swap3A_154 = vector.shape_cast %broadcast_in_dim3A_8 : vector<16xf32> to vector<1x16xf32>
      tpu.vector_store %arg8[%swap3A_150, %swap3A_151], %swap3A_154 {strides = array<i32>} : memref<128x128xf32, #tpu.memory_space<vmem>>, vector<1x16xf32>,
      %swap3A_155 = arith.index_cast %scan3A_130 : i32 to index
      %swap3A_156 = arith.constant 80 : index
      %swap3A_157 = tpu.vector_load %arg8[%swap3A_155, %swap3A_156] {strides = array<i32>} : memref<128x128xf32, #tpu.memory_space<vmem>>, vector<1x16xf32>,
      %swap3A_158 = vector.shape_cast %swap3A_157 : vector<1x16xf32> to vector<16xf32>
      %swap3A_159 = vector.shape_cast %broadcast_in_dim3A_8 : vector<16xf32> to vector<1x16xf32>
      tpu.vector_store %arg8[%swap3A_155, %swap3A_156], %swap3A_159 {strides = array<i32>} : memref<128x128xf32, #tpu.memory_space<vmem>>, vector<1x16xf32>,
      %swap3A_160 = arith.index_cast %scan3A_130 : i32 to index
      %swap3A_161 = arith.constant 96 : index
      %swap3A_162 = tpu.vector_load %arg8[%swap3A_160, %swap3A_161] {strides = array<i32>} : memref<128x128xf32, #tpu.memory_space<vmem>>, vector<1x16xf32>,
      %swap3A_163 = vector.shape_cast %swap3A_162 : vector<1x16xf32> to vector<16xf32>
      %swap3A_164 = vector.shape_cast %broadcast_in_dim3A_8 : vector<16xf32> to vector<1x16xf32>
      tpu.vector_store %arg8[%swap3A_160, %swap3A_161], %swap3A_164 {strides = array<i32>} : memref<128x128xf32, #tpu.memory_space<vmem>>, vector<1x16xf32>,
      %swap3A_165 = arith.index_cast %scan3A_130 : i32 to index
      %swap3A_166 = arith.constant 112 : index
      %swap3A_167 = tpu.vector_load %arg8[%swap3A_165, %swap3A_166] {strides = array<i32>} : memref<128x128xf32, #tpu.memory_space<vmem>>, vector<1x16xf32>,
      %swap3A_168 = vector.shape_cast %swap3A_167 : vector<1x16xf32> to vector<16xf32>
      %swap3A_169 = vector.shape_cast %broadcast_in_dim3A_8 : vector<16xf32> to vector<1x16xf32>
      tpu.vector_store %arg8[%swap3A_165, %swap3A_166], %swap3A_169 {strides = array<i32>} : memref<128x128xf32, #tpu.memory_space<vmem>>, vector<1x16xf32>,
    }
    %scan3A_13 = arith.constant 128 : i32
    %mul3A = arith.constant 640 : i32
    %mul3A_14 = arith.muli %arg1, %mul3A : i32
    %add3A = arith.constant 0 : i32
    %add3A_15 = arith.addi %mul3A_14, %add3A : i32
    "tpu.region"() ({
      %run_scoped3A = tpu.sem_alloc : memref<!tpu.dma_semaphore, #tpu.memory_space<semaphore_mem>>
      %dma_start3A_130 = arith.constant 0 : i32
      %dma_start3A_131 = tpu.memref_slice %arg10[%add3A_15, %dma_start3A_130] : memref<10240x128xf32, #tpu.memory_space<vmem_shared>> -> memref<128x128xf32, #tpu.memory_space<vmem_shared>>
      %dma_start3A_132 = arith.constant 0 : i32
      %dma_start3A_133 = tpu.memref_slice %arg10[%add3A_15, %dma_start3A_132] : memref<10240x128xf32, #tpu.memory_space<vmem_shared>> -> memref<128x128xf32, #tpu.memory_space<vmem_shared>>
      tpu.enqueue_dma source(%arg8 : memref<128x128xf32, #tpu.memory_space<vmem>>) target(%dma_start3A_133 : memref<128x128xf32, #tpu.memory_space<vmem_shared>>) target_semaphore(%run_scoped3A : memref<!tpu.dma_semaphore, #tpu.memory_space<semaphore_mem>>)
      %dma_wait3A_134 = arith.constant 0 : i32
      %dma_wait3A_135 = tpu.memref_slice %arg10[%add3A_15, %dma_wait3A_134] : memref<10240x128xf32, #tpu.memory_space<vmem_shared>> -> memref<128x128xf32, #tpu.memory_space<vmem_shared>>
      %dma_wait3A_136 = arith.constant 0 : i32
      %dma_wait3A_137 = tpu.memref_slice %arg10[%add3A_15, %dma_wait3A_136] : memref<10240x128xf32, #tpu.memory_space<vmem_shared>> -> memref<128x128xf32, #tpu.memory_space<vmem_shared>>
      tpu.wait_dma2 semaphore(%run_scoped3A : memref<!tpu.dma_semaphore, #tpu.memory_space<semaphore_mem>>) src(%arg8 : memref<128x128xf32, #tpu.memory_space<vmem>>) dst(%dma_wait3A_137 : memref<128x128xf32, #tpu.memory_space<vmem_shared>>)
      tpu.yield
    }) : () -> ()
    %mul3A_16 = arith.constant 640 : i32
    %mul3A_17 = arith.muli %arg1, %mul3A_16 : i32
    %add3A_18 = arith.constant 128 : i32
    %add3A_19 = arith.addi %mul3A_17, %add3A_18 : i32
    "tpu.region"() ({
      %run_scoped3A = tpu.sem_alloc : memref<!tpu.dma_semaphore, #tpu.memory_space<semaphore_mem>>
      %dma_start3A_130 = arith.constant 0 : i32
      %dma_start3A_131 = tpu.memref_slice %arg10[%add3A_19, %dma_start3A_130] : memref<10240x128xf32, #tpu.memory_space<vmem_shared>> -> memref<128x128xf32, #tpu.memory_space<vmem_shared>>
      %dma_start3A_132 = arith.constant 0 : i32
      %dma_start3A_133 = tpu.memref_slice %arg10[%add3A_19, %dma_start3A_132] : memref<10240x128xf32, #tpu.memory_space<vmem_shared>> -> memref<128x128xf32, #tpu.memory_space<vmem_shared>>
      tpu.enqueue_dma source(%arg8 : memref<128x128xf32, #tpu.memory_space<vmem>>) target(%dma_start3A_133 : memref<128x128xf32, #tpu.memory_space<vmem_shared>>) target_semaphore(%run_scoped3A : memref<!tpu.dma_semaphore, #tpu.memory_space<semaphore_mem>>)
      %dma_wait3A_134 = arith.constant 0 : i32
      %dma_wait3A_135 = tpu.memref_slice %arg10[%add3A_19, %dma_wait3A_134] : memref<10240x128xf32, #tpu.memory_space<vmem_shared>> -> memref<128x128xf32, #tpu.memory_space<vmem_shared>>
      %dma_wait3A_136 = arith.constant 0 : i32
      %dma_wait3A_137 = tpu.memref_slice %arg10[%add3A_19, %dma_wait3A_136] : memref<10240x128xf32, #tpu.memory_space<vmem_shared>> -> memref<128x128xf32, #tpu.memory_space<vmem_shared>>
      tpu.wait_dma2 semaphore(%run_scoped3A : memref<!tpu.dma_semaphore, #tpu.memory_space<semaphore_mem>>) src(%arg8 : memref<128x128xf32, #tpu.memory_space<vmem>>) dst(%dma_wait3A_137 : memref<128x128xf32, #tpu.memory_space<vmem_shared>>)
      tpu.yield
    }) : () -> ()
    %mul3A_20 = arith.constant 640 : i32
    %mul3A_21 = arith.muli %arg1, %mul3A_20 : i32
    %add3A_22 = arith.constant 256 : i32
    %add3A_23 = arith.addi %mul3A_21, %add3A_22 : i32
    "tpu.region"() ({
      %run_scoped3A = tpu.sem_alloc : memref<!tpu.dma_semaphore, #tpu.memory_space<semaphore_mem>>
      %dma_start3A_130 = arith.constant 0 : i32
      %dma_start3A_131 = tpu.memref_slice %arg10[%add3A_23, %dma_start3A_130] : memref<10240x128xf32, #tpu.memory_space<vmem_shared>> -> memref<128x128xf32, #tpu.memory_space<vmem_shared>>
      %dma_start3A_132 = arith.constant 0 : i32
      %dma_start3A_133 = tpu.memref_slice %arg10[%add3A_23, %dma_start3A_132] : memref<10240x128xf32, #tpu.memory_space<vmem_shared>> -> memref<128x128xf32, #tpu.memory_space<vmem_shared>>
      tpu.enqueue_dma source(%arg8 : memref<128x128xf32, #tpu.memory_space<vmem>>) target(%dma_start3A_133 : memref<128x128xf32, #tpu.memory_space<vmem_shared>>) target_semaphore(%run_scoped3A : memref<!tpu.dma_semaphore, #tpu.memory_space<semaphore_mem>>)
      %dma_wait3A_134 = arith.constant 0 : i32
      %dma_wait3A_135 = tpu.memref_slice %arg10[%add3A_23, %dma_wait3A_134] : memref<10240x128xf32, #tpu.memory_space<vmem_shared>> -> memref<128x128xf32, #tpu.memory_space<vmem_shared>>
      %dma_wait3A_136 = arith.constant 0 : i32
      %dma_wait3A_137 = tpu.memref_slice %arg10[%add3A_23, %dma_wait3A_136] : memref<10240x128xf32, #tpu.memory_space<vmem_shared>> -> memref<128x128xf32, #tpu.memory_space<vmem_shared>>
      tpu.wait_dma2 semaphore(%run_scoped3A : memref<!tpu.dma_semaphore, #tpu.memory_space<semaphore_mem>>) src(%arg8 : memref<128x128xf32, #tpu.memory_space<vmem>>) dst(%dma_wait3A_137 : memref<128x128xf32, #tpu.memory_space<vmem_shared>>)
      tpu.yield
    }) : () -> ()
    %mul3A_24 = arith.constant 640 : i32
    %mul3A_25 = arith.muli %arg1, %mul3A_24 : i32
    %add3A_26 = arith.constant 384 : i32
    %add3A_27 = arith.addi %mul3A_25, %add3A_26 : i32
    "tpu.region"() ({
      %run_scoped3A = tpu.sem_alloc : memref<!tpu.dma_semaphore, #tpu.memory_space<semaphore_mem>>
      %dma_start3A_130 = arith.constant 0 : i32
      %dma_start3A_131 = tpu.memref_slice %arg10[%add3A_27, %dma_start3A_130] : memref<10240x128xf32, #tpu.memory_space<vmem_shared>> -> memref<128x128xf32, #tpu.memory_space<vmem_shared>>
      %dma_start3A_132 = arith.constant 0 : i32
      %dma_start3A_133 = tpu.memref_slice %arg10[%add3A_27, %dma_start3A_132] : memref<10240x128xf32, #tpu.memory_space<vmem_shared>> -> memref<128x128xf32, #tpu.memory_space<vmem_shared>>
      tpu.enqueue_dma source(%arg8 : memref<128x128xf32, #tpu.memory_space<vmem>>) target(%dma_start3A_133 : memref<128x128xf32, #tpu.memory_space<vmem_shared>>) target_semaphore(%run_scoped3A : memref<!tpu.dma_semaphore, #tpu.memory_space<semaphore_mem>>)
      %dma_wait3A_134 = arith.constant 0 : i32
      %dma_wait3A_135 = tpu.memref_slice %arg10[%add3A_27, %dma_wait3A_134] : memref<10240x128xf32, #tpu.memory_space<vmem_shared>> -> memref<128x128xf32, #tpu.memory_space<vmem_shared>>
      %dma_wait3A_136 = arith.constant 0 : i32
      %dma_wait3A_137 = tpu.memref_slice %arg10[%add3A_27, %dma_wait3A_136] : memref<10240x128xf32, #tpu.memory_space<vmem_shared>> -> memref<128x128xf32, #tpu.memory_space<vmem_shared>>
      tpu.wait_dma2 semaphore(%run_scoped3A : memref<!tpu.dma_semaphore, #tpu.memory_space<semaphore_mem>>) src(%arg8 : memref<128x128xf32, #tpu.memory_space<vmem>>) dst(%dma_wait3A_137 : memref<128x128xf32, #tpu.memory_space<vmem_shared>>)
      tpu.yield
    }) : () -> ()
    %mul3A_28 = arith.constant 640 : i32
    %mul3A_29 = arith.muli %arg1, %mul3A_28 : i32
    %add3A_30 = arith.constant 512 : i32
    %add3A_31 = arith.addi %mul3A_29, %add3A_30 : i32
    "tpu.region"() ({
      %run_scoped3A = tpu.sem_alloc : memref<!tpu.dma_semaphore, #tpu.memory_space<semaphore_mem>>
      %dma_start3A_130 = arith.constant 0 : i32
      %dma_start3A_131 = tpu.memref_slice %arg10[%add3A_31, %dma_start3A_130] : memref<10240x128xf32, #tpu.memory_space<vmem_shared>> -> memref<128x128xf32, #tpu.memory_space<vmem_shared>>
      %dma_start3A_132 = arith.constant 0 : i32
      %dma_start3A_133 = tpu.memref_slice %arg10[%add3A_31, %dma_start3A_132] : memref<10240x128xf32, #tpu.memory_space<vmem_shared>> -> memref<128x128xf32, #tpu.memory_space<vmem_shared>>
      tpu.enqueue_dma source(%arg8 : memref<128x128xf32, #tpu.memory_space<vmem>>) target(%dma_start3A_133 : memref<128x128xf32, #tpu.memory_space<vmem_shared>>) target_semaphore(%run_scoped3A : memref<!tpu.dma_semaphore, #tpu.memory_space<semaphore_mem>>)
      %dma_wait3A_134 = arith.constant 0 : i32
      %dma_wait3A_135 = tpu.memref_slice %arg10[%add3A_31, %dma_wait3A_134] : memref<10240x128xf32, #tpu.memory_space<vmem_shared>> -> memref<128x128xf32, #tpu.memory_space<vmem_shared>>
      %dma_wait3A_136 = arith.constant 0 : i32
      %dma_wait3A_137 = tpu.memref_slice %arg10[%add3A_31, %dma_wait3A_136] : memref<10240x128xf32, #tpu.memory_space<vmem_shared>> -> memref<128x128xf32, #tpu.memory_space<vmem_shared>>
      tpu.wait_dma2 semaphore(%run_scoped3A : memref<!tpu.dma_semaphore, #tpu.memory_space<semaphore_mem>>) src(%arg8 : memref<128x128xf32, #tpu.memory_space<vmem>>) dst(%dma_wait3A_137 : memref<128x128xf32, #tpu.memory_space<vmem_shared>>)
      tpu.yield
    }) : () -> ()
    %barrier3A = arith.constant 0 : index
    tpu.barrier barrier_id(%barrier3A)
    %add3A_32 = arith.constant 0 : i32
    %add3A_33 = arith.addi %select_n3A_2, %add3A_32 : i32
    "tpu.region"() ({
      %run_scoped3A = tpu.sem_alloc : memref<!tpu.dma_semaphore, #tpu.memory_space<semaphore_mem>>
      %dma_start3A_130 = arith.constant 0 : i32
      %dma_start3A_131 = arith.constant 0 : i32
      %dma_start3A_132 = tpu.memref_slice %arg6[%dma_start3A_130, %dma_start3A_131] : memref<32x128xi32, #tpu.memory_space<vmem>> -> memref<16x128xi32, #tpu.memory_space<vmem>>
      %dma_start3A_133 = arith.constant 0 : i32
      %dma_start3A_134 = tpu.memref_slice %arg3[%arg1, %add3A_33, %dma_start3A_133] : memref<16x160x128xi32, #tpu.memory_space<hbm>> -> memref<1x16x128xi32, #tpu.memory_space<hbm>>
      %dma_start3A_135 = tpu.memref_squeeze %dma_start3A_134 : memref<1x16x128xi32, #tpu.memory_space<hbm>> -> memref<16x128xi32, #tpu.memory_space<hbm>>
      %dma_start3A_136 = arith.constant 0 : i32
      %dma_start3A_137 = arith.constant 0 : i32
      %dma_start3A_138 = tpu.memref_slice %arg6[%dma_start3A_136, %dma_start3A_137] : memref<32x128xi32, #tpu.memory_space<vmem>> -> memref<16x128xi32, #tpu.memory_space<vmem>>
      %dma_start3A_139 = arith.constant 0 : i32
      %dma_start3A_140 = tpu.memref_slice %arg3[%arg1, %add3A_33, %dma_start3A_139] : memref<16x160x128xi32, #tpu.memory_space<hbm>> -> memref<1x16x128xi32, #tpu.memory_space<hbm>>
      %dma_start3A_141 = tpu.memref_squeeze %dma_start3A_140 : memref<1x16x128xi32, #tpu.memory_space<hbm>> -> memref<16x128xi32, #tpu.memory_space<hbm>>
      tpu.enqueue_dma source(%dma_start3A_141 : memref<16x128xi32, #tpu.memory_space<hbm>>) target(%dma_start3A_138 : memref<16x128xi32, #tpu.memory_space<vmem>>) target_semaphore(%run_scoped3A : memref<!tpu.dma_semaphore, #tpu.memory_space<semaphore_mem>>)
      %dma_wait3A_142 = arith.constant 0 : i32
      %dma_wait3A_143 = arith.constant 0 : i32
      %dma_wait3A_144 = tpu.memref_slice %arg6[%dma_wait3A_142, %dma_wait3A_143] : memref<32x128xi32, #tpu.memory_space<vmem>> -> memref<16x128xi32, #tpu.memory_space<vmem>>
      %dma_wait3A_145 = arith.constant 0 : i32
      %dma_wait3A_146 = tpu.memref_slice %arg3[%arg1, %add3A_33, %dma_wait3A_145] : memref<16x160x128xi32, #tpu.memory_space<hbm>> -> memref<1x16x128xi32, #tpu.memory_space<hbm>>
      %dma_wait3A_147 = tpu.memref_squeeze %dma_wait3A_146 : memref<1x16x128xi32, #tpu.memory_space<hbm>> -> memref<16x128xi32, #tpu.memory_space<hbm>>
      %dma_wait3A_148 = arith.constant 0 : i32
      %dma_wait3A_149 = arith.constant 0 : i32
      %dma_wait3A_150 = tpu.memref_slice %arg6[%dma_wait3A_148, %dma_wait3A_149] : memref<32x128xi32, #tpu.memory_space<vmem>> -> memref<16x128xi32, #tpu.memory_space<vmem>>
      %dma_wait3A_151 = arith.constant 0 : i32
      %dma_wait3A_152 = tpu.memref_slice %arg3[%arg1, %add3A_33, %dma_wait3A_151] : memref<16x160x128xi32, #tpu.memory_space<hbm>> -> memref<1x16x128xi32, #tpu.memory_space<hbm>>
      %dma_wait3A_153 = tpu.memref_squeeze %dma_wait3A_152 : memref<1x16x128xi32, #tpu.memory_space<hbm>> -> memref<16x128xi32, #tpu.memory_space<hbm>>
      tpu.wait_dma2 semaphore(%run_scoped3A : memref<!tpu.dma_semaphore, #tpu.memory_space<semaphore_mem>>) src(%dma_wait3A_153 : memref<16x128xi32, #tpu.memory_space<hbm>>) dst(%dma_wait3A_150 : memref<16x128xi32, #tpu.memory_space<vmem>>)
      tpu.yield
    }) : () -> ()
    %add3A_34 = arith.constant 0 : i32
    %add3A_35 = arith.addi %select_n3A_2, %add3A_34 : i32
    "tpu.region"() ({
      %run_scoped3A = tpu.sem_alloc : memref<!tpu.dma_semaphore, #tpu.memory_space<semaphore_mem>>
      %dma_start3A_130 = arith.constant 0 : i32
      %dma_start3A_131 = arith.constant 0 : i32
      %dma_start3A_132 = tpu.memref_slice %arg7[%dma_start3A_130, %dma_start3A_131] : memref<32x128xi32, #tpu.memory_space<vmem>> -> memref<16x128xi32, #tpu.memory_space<vmem>>
      %dma_start3A_133 = arith.constant 0 : i32
      %dma_start3A_134 = tpu.memref_slice %arg4[%arg1, %add3A_35, %dma_start3A_133] : memref<16x160x128xi32, #tpu.memory_space<hbm>> -> memref<1x16x128xi32, #tpu.memory_space<hbm>>
      %dma_start3A_135 = tpu.memref_squeeze %dma_start3A_134 : memref<1x16x128xi32, #tpu.memory_space<hbm>> -> memref<16x128xi32, #tpu.memory_space<hbm>>
      %dma_start3A_136 = arith.constant 0 : i32
      %dma_start3A_137 = arith.constant 0 : i32
      %dma_start3A_138 = tpu.memref_slice %arg7[%dma_start3A_136, %dma_start3A_137] : memref<32x128xi32, #tpu.memory_space<vmem>> -> memref<16x128xi32, #tpu.memory_space<vmem>>
      %dma_start3A_139 = arith.constant 0 : i32
      %dma_start3A_140 = tpu.memref_slice %arg4[%arg1, %add3A_35, %dma_start3A_139] : memref<16x160x128xi32, #tpu.memory_space<hbm>> -> memref<1x16x128xi32, #tpu.memory_space<hbm>>
      %dma_start3A_141 = tpu.memref_squeeze %dma_start3A_140 : memref<1x16x128xi32, #tpu.memory_space<hbm>> -> memref<16x128xi32, #tpu.memory_space<hbm>>
      tpu.enqueue_dma source(%dma_start3A_141 : memref<16x128xi32, #tpu.memory_space<hbm>>) target(%dma_start3A_138 : memref<16x128xi32, #tpu.memory_space<vmem>>) target_semaphore(%run_scoped3A : memref<!tpu.dma_semaphore, #tpu.memory_space<semaphore_mem>>)
      %dma_wait3A_142 = arith.constant 0 : i32
      %dma_wait3A_143 = arith.constant 0 : i32
      %dma_wait3A_144 = tpu.memref_slice %arg7[%dma_wait3A_142, %dma_wait3A_143] : memref<32x128xi32, #tpu.memory_space<vmem>> -> memref<16x128xi32, #tpu.memory_space<vmem>>
      %dma_wait3A_145 = arith.constant 0 : i32
      %dma_wait3A_146 = tpu.memref_slice %arg4[%arg1, %add3A_35, %dma_wait3A_145] : memref<16x160x128xi32, #tpu.memory_space<hbm>> -> memref<1x16x128xi32, #tpu.memory_space<hbm>>
      %dma_wait3A_147 = tpu.memref_squeeze %dma_wait3A_146 : memref<1x16x128xi32, #tpu.memory_space<hbm>> -> memref<16x128xi32, #tpu.memory_space<hbm>>
      %dma_wait3A_148 = arith.constant 0 : i32
      %dma_wait3A_149 = arith.constant 0 : i32
      %dma_wait3A_150 = tpu.memref_slice %arg7[%dma_wait3A_148, %dma_wait3A_149] : memref<32x128xi32, #tpu.memory_space<vmem>> -> memref<16x128xi32, #tpu.memory_space<vmem>>
      %dma_wait3A_151 = arith.constant 0 : i32
      %dma_wait3A_152 = tpu.memref_slice %arg4[%arg1, %add3A_35, %dma_wait3A_151] : memref<16x160x128xi32, #tpu.memory_space<hbm>> -> memref<1x16x128xi32, #tpu.memory_space<hbm>>
      %dma_wait3A_153 = tpu.memref_squeeze %dma_wait3A_152 : memref<1x16x128xi32, #tpu.memory_space<hbm>> -> memref<16x128xi32, #tpu.memory_space<hbm>>
      tpu.wait_dma2 semaphore(%run_scoped3A : memref<!tpu.dma_semaphore, #tpu.memory_space<semaphore_mem>>) src(%dma_wait3A_153 : memref<16x128xi32, #tpu.memory_space<hbm>>) dst(%dma_wait3A_150 : memref<16x128xi32, #tpu.memory_space<vmem>>)
      tpu.yield
    }) : () -> ()
    %dma_start3A = arith.constant 0 : i32
    %dma_start3A_36 = arith.constant 0 : i32
    %dma_start3A_37 = tpu.memref_slice %arg6[%dma_start3A, %dma_start3A_36] : memref<32x128xi32, #tpu.memory_space<vmem>> -> memref<1x128xi32, #tpu.memory_space<vmem>>
    %dma_start3A_38 = tpu.memref_squeeze %dma_start3A_37 : memref<1x128xi32, #tpu.memory_space<vmem>> -> memref<128xi32, #tpu.memory_space<vmem>>
    %dma_start3A_39 = arith.constant 0 : i32
    %dma_start3A_40 = arith.constant 0 : i32
    %dma_start3A_41 = tpu.memref_slice %arg2[%dma_start3A_39, %dma_start3A_40] : memref<10000x128xf32, #tpu.memory_space<hbm>> -> memref<10000x128xf32, #tpu.memory_space<hbm>>
    tpu.enqueue_indirect_dma source(%dma_start3A_41 : memref<10000x128xf32, #tpu.memory_space<hbm>>) target(%arg8 : memref<128x128xf32, #tpu.memory_space<vmem>>) offsets(%dma_start3A_38 : memref<128xi32, #tpu.memory_space<vmem>>) semaphore(%arg11 : memref<!tpu.dma_semaphore, #tpu.memory_space<semaphore_mem>>)
    %jit3A = arith.constant 2 : i32
    %div3A = arith.divsi %select_n3A_7, %jit3A : i32
    %sign3A = arith.constant 0 : i32
    %sign3A_42 = arith.cmpi sgt, %select_n3A_7, %sign3A : i32
    %sign3A_43 = arith.extui %sign3A_42 : i1 to i32
    %sign3A_44 = arith.constant 0 : i32
    %sign3A_45 = arith.cmpi slt, %select_n3A_7, %sign3A_44 : i32
    %sign3A_46 = arith.extui %sign3A_45 : i1 to i32
    %sign3A_47 = arith.subi %sign3A_43, %sign3A_46 : i32
    %sign3A_48 = arith.constant 0 : i32
    %sign3A_49 = arith.cmpi sgt, %jit3A, %sign3A_48 : i32
    %sign3A_50 = arith.extui %sign3A_49 : i1 to i32
    %sign3A_51 = arith.constant 0 : i32
    %sign3A_52 = arith.cmpi slt, %jit3A, %sign3A_51 : i32
    %sign3A_53 = arith.extui %sign3A_52 : i1 to i32
    %sign3A_54 = arith.subi %sign3A_50, %sign3A_53 : i32
    %ne3A = arith.cmpi ne, %sign3A_47, %sign3A_54 : i32
    %rem3A = arith.remsi %select_n3A_7, %jit3A : i32
    %ne3A_55 = arith.constant 0 : i32
    %ne3A_56 = arith.cmpi ne, %rem3A, %ne3A_55 : i32
    %and3A = arith.andi %ne3A, %ne3A_56 : i1
    %sub3A = arith.constant 1 : i32
    %sub3A_57 = arith.subi %div3A, %sub3A : i32
    %select_n3A_58 = arith.select %and3A, %sub3A_57, %div3A : i32
    %while3A = arith.constant 0 : i32
    %while3A_59 = arith.constant 0 : i32
    %while3A_60 = arith.subi %select_n3A_58, %while3A_59 : i32
    %while3A_61 = arith.addi %while3A_59, %while3A_60 : i32
    %while3A_62 = arith.constant 1 : i32
    %while3A_63 = arith.divsi %while3A_60, %while3A_62 : i32
    %while3A_64 = arith.muli %while3A_63, %while3A_62 : i32
    %while3A_65 = arith.addi %while3A_59, %while3A_64 : i32
    %while3A_66 = arith.constant 1 : i32
    scf.for %while3A_130 = %while3A_59 to %while3A_65 step %while3A_66  : i32 {
      %mul3A_131 = arith.constant 2 : i32
      %mul3A_132 = arith.muli %mul3A_131, %while3A_130 : i32
      %jit3A_133 = arith.constant 16 : i32
      %div3A_134 = arith.divsi %mul3A_132, %jit3A_133 : i32
      %sign3A_135 = arith.constant 0 : i32
      %sign3A_136 = arith.cmpi sgt, %mul3A_132, %sign3A_135 : i32
      %sign3A_137 = arith.extui %sign3A_136 : i1 to i32
      %sign3A_138 = arith.constant 0 : i32
      %sign3A_139 = arith.cmpi slt, %mul3A_132, %sign3A_138 : i32
      %sign3A_140 = arith.extui %sign3A_139 : i1 to i32
      %sign3A_141 = arith.subi %sign3A_137, %sign3A_140 : i32
      %sign3A_142 = arith.constant 0 : i32
      %sign3A_143 = arith.cmpi sgt, %jit3A_133, %sign3A_142 : i32
      %sign3A_144 = arith.extui %sign3A_143 : i1 to i32
      %sign3A_145 = arith.constant 0 : i32
      %sign3A_146 = arith.cmpi slt, %jit3A_133, %sign3A_145 : i32
      %sign3A_147 = arith.extui %sign3A_146 : i1 to i32
      %sign3A_148 = arith.subi %sign3A_144, %sign3A_147 : i32
      %ne3A_149 = arith.cmpi ne, %sign3A_141, %sign3A_148 : i32
      %rem3A_150 = arith.remsi %mul3A_132, %jit3A_133 : i32
      %ne3A_151 = arith.constant 0 : i32
      %ne3A_152 = arith.cmpi ne, %rem3A_150, %ne3A_151 : i32
      %and3A_153 = arith.andi %ne3A_149, %ne3A_152 : i1
      %sub3A_154 = arith.constant 1 : i32
      %sub3A_155 = arith.subi %div3A_134, %sub3A_154 : i32
      %select_n3A_156 = arith.select %and3A_153, %sub3A_155, %div3A_134 : i32
      %add3A_157 = arith.constant 1 : i32
      %add3A_158 = arith.addi %select_n3A_156, %add3A_157 : i32
      %rem3A_159 = arith.constant 8 : i32
      %rem3A_160 = arith.remsi %while3A_130, %rem3A_159 : i32
      %eq3A_161 = arith.constant 0 : i32
      %eq3A_162 = arith.cmpi eq, %rem3A_160, %eq3A_161 : i32
      %jit3A_163 = arith.constant 16 : i32
      %div3A_164 = arith.divsi %select_n3A_7, %jit3A_163 : i32
      %sign3A_165 = arith.constant 0 : i32
      %sign3A_166 = arith.cmpi sgt, %select_n3A_7, %sign3A_165 : i32
      %sign3A_167 = arith.extui %sign3A_166 : i1 to i32
      %sign3A_168 = arith.constant 0 : i32
      %sign3A_169 = arith.cmpi slt, %select_n3A_7, %sign3A_168 : i32
      %sign3A_170 = arith.extui %sign3A_169 : i1 to i32
      %sign3A_171 = arith.subi %sign3A_167, %sign3A_170 : i32
      %sign3A_172 = arith.constant 0 : i32
      %sign3A_173 = arith.cmpi sgt, %jit3A_163, %sign3A_172 : i32
      %sign3A_174 = arith.extui %sign3A_173 : i1 to i32
      %sign3A_175 = arith.constant 0 : i32
      %sign3A_176 = arith.cmpi slt, %jit3A_163, %sign3A_175 : i32
      %sign3A_177 = arith.extui %sign3A_176 : i1 to i32
      %sign3A_178 = arith.subi %sign3A_174, %sign3A_177 : i32
      %ne3A_179 = arith.cmpi ne, %sign3A_171, %sign3A_178 : i32
      %rem3A_180 = arith.remsi %select_n3A_7, %jit3A_163 : i32
      %ne3A_181 = arith.constant 0 : i32
      %ne3A_182 = arith.cmpi ne, %rem3A_180, %ne3A_181 : i32
      %and3A_183 = arith.andi %ne3A_179, %ne3A_182 : i1
      %sub3A_184 = arith.constant 1 : i32
      %sub3A_185 = arith.subi %div3A_164, %sub3A_184 : i32
      %select_n3A_186 = arith.select %and3A_183, %sub3A_185, %div3A_164 : i32
      %lt3A = arith.cmpi slt, %add3A_158, %select_n3A_186 : i32
      %and3A_187 = arith.andi %eq3A_162, %lt3A : i1
      %convert_element_type3A = arith.extui %and3A_187 : i1 to i32
      %cond3A = arith.constant 0 : i32
      %cond3A_188 = arith.cmpi ne, %convert_element_type3A, %cond3A : i32
      scf.if %cond3A_188 {
        %rem3A_229 = arith.constant 2 : i32
        %rem3A_230 = arith.remsi %add3A_158, %rem3A_229 : i32
        %mul3A_231 = arith.constant 16 : i32
        %mul3A_232 = arith.muli %add3A_158, %mul3A_231 : i32
        %add3A_233 = arith.addi %select_n3A_2, %mul3A_232 : i32
        %mul3A_234 = arith.constant 16 : i32
        %mul3A_235 = arith.muli %rem3A_230, %mul3A_234 : i32
        "tpu.region"() ({
          %run_scoped3A = tpu.sem_alloc : memref<!tpu.dma_semaphore, #tpu.memory_space<semaphore_mem>>
          %dma_start3A_241 = arith.constant 0 : i32
          %dma_start3A_242 = tpu.memref_slice %arg6[%mul3A_235, %dma_start3A_241] : memref<32x128xi32, #tpu.memory_space<vmem>> -> memref<16x128xi32, #tpu.memory_space<vmem>>
          %dma_start3A_243 = arith.constant 0 : i32
          %dma_start3A_244 = tpu.memref_slice %arg3[%arg1, %add3A_233, %dma_start3A_243] : memref<16x160x128xi32, #tpu.memory_space<hbm>> -> memref<1x16x128xi32, #tpu.memory_space<hbm>>
          %dma_start3A_245 = tpu.memref_squeeze %dma_start3A_244 : memref<1x16x128xi32, #tpu.memory_space<hbm>> -> memref<16x128xi32, #tpu.memory_space<hbm>>
          %dma_start3A_246 = arith.constant 0 : i32
          %dma_start3A_247 = tpu.memref_slice %arg6[%mul3A_235, %dma_start3A_246] : memref<32x128xi32, #tpu.memory_space<vmem>> -> memref<16x128xi32, #tpu.memory_space<vmem>>
          %dma_start3A_248 = arith.constant 0 : i32
          %dma_start3A_249 = tpu.memref_slice %arg3[%arg1, %add3A_233, %dma_start3A_248] : memref<16x160x128xi32, #tpu.memory_space<hbm>> -> memref<1x16x128xi32, #tpu.memory_space<hbm>>
          %dma_start3A_250 = tpu.memref_squeeze %dma_start3A_249 : memref<1x16x128xi32, #tpu.memory_space<hbm>> -> memref<16x128xi32, #tpu.memory_space<hbm>>
          tpu.enqueue_dma source(%dma_start3A_250 : memref<16x128xi32, #tpu.memory_space<hbm>>) target(%dma_start3A_247 : memref<16x128xi32, #tpu.memory_space<vmem>>) target_semaphore(%run_scoped3A : memref<!tpu.dma_semaphore, #tpu.memory_space<semaphore_mem>>)
          %dma_wait3A_251 = arith.constant 0 : i32
          %dma_wait3A_252 = tpu.memref_slice %arg6[%mul3A_235, %dma_wait3A_251] : memref<32x128xi32, #tpu.memory_space<vmem>> -> memref<16x128xi32, #tpu.memory_space<vmem>>
          %dma_wait3A_253 = arith.constant 0 : i32
          %dma_wait3A_254 = tpu.memref_slice %arg3[%arg1, %add3A_233, %dma_wait3A_253] : memref<16x160x128xi32, #tpu.memory_space<hbm>> -> memref<1x16x128xi32, #tpu.memory_space<hbm>>
          %dma_wait3A_255 = tpu.memref_squeeze %dma_wait3A_254 : memref<1x16x128xi32, #tpu.memory_space<hbm>> -> memref<16x128xi32, #tpu.memory_space<hbm>>
          %dma_wait3A_256 = arith.constant 0 : i32
          %dma_wait3A_257 = tpu.memref_slice %arg6[%mul3A_235, %dma_wait3A_256] : memref<32x128xi32, #tpu.memory_space<vmem>> -> memref<16x128xi32, #tpu.memory_space<vmem>>
          %dma_wait3A_258 = arith.constant 0 : i32
          %dma_wait3A_259 = tpu.memref_slice %arg3[%arg1, %add3A_233, %dma_wait3A_258] : memref<16x160x128xi32, #tpu.memory_space<hbm>> -> memref<1x16x128xi32, #tpu.memory_space<hbm>>
          %dma_wait3A_260 = tpu.memref_squeeze %dma_wait3A_259 : memref<1x16x128xi32, #tpu.memory_space<hbm>> -> memref<16x128xi32, #tpu.memory_space<hbm>>
          tpu.wait_dma2 semaphore(%run_scoped3A : memref<!tpu.dma_semaphore, #tpu.memory_space<semaphore_mem>>) src(%dma_wait3A_260 : memref<16x128xi32, #tpu.memory_space<hbm>>) dst(%dma_wait3A_257 : memref<16x128xi32, #tpu.memory_space<vmem>>)
          tpu.yield
        }) : () -> ()
        %mul3A_236 = arith.constant 16 : i32
        %mul3A_237 = arith.muli %add3A_158, %mul3A_236 : i32
        %add3A_238 = arith.addi %select_n3A_2, %mul3A_237 : i32
        %mul3A_239 = arith.constant 16 : i32
        %mul3A_240 = arith.muli %rem3A_230, %mul3A_239 : i32
        "tpu.region"() ({
          %run_scoped3A = tpu.sem_alloc : memref<!tpu.dma_semaphore, #tpu.memory_space<semaphore_mem>>
          %dma_start3A_241 = arith.constant 0 : i32
          %dma_start3A_242 = tpu.memref_slice %arg7[%mul3A_240, %dma_start3A_241] : memref<32x128xi32, #tpu.memory_space<vmem>> -> memref<16x128xi32, #tpu.memory_space<vmem>>
          %dma_start3A_243 = arith.constant 0 : i32
          %dma_start3A_244 = tpu.memref_slice %arg4[%arg1, %add3A_238, %dma_start3A_243] : memref<16x160x128xi32, #tpu.memory_space<hbm>> -> memref<1x16x128xi32, #tpu.memory_space<hbm>>
          %dma_start3A_245 = tpu.memref_squeeze %dma_start3A_244 : memref<1x16x128xi32, #tpu.memory_space<hbm>> -> memref<16x128xi32, #tpu.memory_space<hbm>>
          %dma_start3A_246 = arith.constant 0 : i32
          %dma_start3A_247 = tpu.memref_slice %arg7[%mul3A_240, %dma_start3A_246] : memref<32x128xi32, #tpu.memory_space<vmem>> -> memref<16x128xi32, #tpu.memory_space<vmem>>
          %dma_start3A_248 = arith.constant 0 : i32
          %dma_start3A_249 = tpu.memref_slice %arg4[%arg1, %add3A_238, %dma_start3A_248] : memref<16x160x128xi32, #tpu.memory_space<hbm>> -> memref<1x16x128xi32, #tpu.memory_space<hbm>>
          %dma_start3A_250 = tpu.memref_squeeze %dma_start3A_249 : memref<1x16x128xi32, #tpu.memory_space<hbm>> -> memref<16x128xi32, #tpu.memory_space<hbm>>
          tpu.enqueue_dma source(%dma_start3A_250 : memref<16x128xi32, #tpu.memory_space<hbm>>) target(%dma_start3A_247 : memref<16x128xi32, #tpu.memory_space<vmem>>) target_semaphore(%run_scoped3A : memref<!tpu.dma_semaphore, #tpu.memory_space<semaphore_mem>>)
          %dma_wait3A_251 = arith.constant 0 : i32
          %dma_wait3A_252 = tpu.memref_slice %arg7[%mul3A_240, %dma_wait3A_251] : memref<32x128xi32, #tpu.memory_space<vmem>> -> memref<16x128xi32, #tpu.memory_space<vmem>>
          %dma_wait3A_253 = arith.constant 0 : i32
          %dma_wait3A_254 = tpu.memref_slice %arg4[%arg1, %add3A_238, %dma_wait3A_253] : memref<16x160x128xi32, #tpu.memory_space<hbm>> -> memref<1x16x128xi32, #tpu.memory_space<hbm>>
          %dma_wait3A_255 = tpu.memref_squeeze %dma_wait3A_254 : memref<1x16x128xi32, #tpu.memory_space<hbm>> -> memref<16x128xi32, #tpu.memory_space<hbm>>
          %dma_wait3A_256 = arith.constant 0 : i32
          %dma_wait3A_257 = tpu.memref_slice %arg7[%mul3A_240, %dma_wait3A_256] : memref<32x128xi32, #tpu.memory_space<vmem>> -> memref<16x128xi32, #tpu.memory_space<vmem>>
          %dma_wait3A_258 = arith.constant 0 : i32
          %dma_wait3A_259 = tpu.memref_slice %arg4[%arg1, %add3A_238, %dma_wait3A_258] : memref<16x160x128xi32, #tpu.memory_space<hbm>> -> memref<1x16x128xi32, #tpu.memory_space<hbm>>
          %dma_wait3A_260 = tpu.memref_squeeze %dma_wait3A_259 : memref<1x16x128xi32, #tpu.memory_space<hbm>> -> memref<16x128xi32, #tpu.memory_space<hbm>>
          tpu.wait_dma2 semaphore(%run_scoped3A : memref<!tpu.dma_semaphore, #tpu.memory_space<semaphore_mem>>) src(%dma_wait3A_260 : memref<16x128xi32, #tpu.memory_space<hbm>>) dst(%dma_wait3A_257 : memref<16x128xi32, #tpu.memory_space<vmem>>)
          tpu.yield
        }) : () -> ()
      } else {
      }
      %dma_wait3A_189 = arith.constant 0 : i32
      %dma_wait3A_190 = arith.constant 0 : i32
      %dma_wait3A_191 = tpu.memref_slice %arg6[%dma_wait3A_189, %dma_wait3A_190] : memref<32x128xi32, #tpu.memory_space<vmem>> -> memref<1x128xi32, #tpu.memory_space<vmem>>
      %dma_wait3A_192 = tpu.memref_squeeze %dma_wait3A_191 : memref<1x128xi32, #tpu.memory_space<vmem>> -> memref<128xi32, #tpu.memory_space<vmem>>
      %dma_wait3A_193 = arith.constant 0 : i32
      %dma_wait3A_194 = arith.constant 0 : i32
      %dma_wait3A_195 = tpu.memref_slice %arg2[%dma_wait3A_193, %dma_wait3A_194] : memref<10000x128xf32, #tpu.memory_space<hbm>> -> memref<10000x128xf32, #tpu.memory_space<hbm>>
      tpu.wait_indirect_dma semaphore(%arg11 : memref<!tpu.dma_semaphore, #tpu.memory_space<semaphore_mem>>) src(%dma_wait3A_195 : memref<10000x128xf32, #tpu.memory_space<hbm>>) dst(%arg8 : memref<128x128xf32, #tpu.memory_space<vmem>>)
      %add3A_196 = arith.constant 1 : i32
      %add3A_197 = arith.addi %mul3A_132, %add3A_196 : i32
      %rem3A_198 = arith.constant 32 : i32
      %rem3A_199 = arith.remsi %add3A_197, %rem3A_198 : i32
      %dma_start3A_200 = arith.constant 0 : i32
      %dma_start3A_201 = tpu.memref_slice %arg6[%rem3A_199, %dma_start3A_200] : memref<32x128xi32, #tpu.memory_space<vmem>> -> memref<1x128xi32, #tpu.memory_space<vmem>>
      %dma_start3A_202 = tpu.memref_squeeze %dma_start3A_201 : memref<1x128xi32, #tpu.memory_space<vmem>> -> memref<128xi32, #tpu.memory_space<vmem>>
      %dma_start3A_203 = arith.constant 0 : i32
      %dma_start3A_204 = arith.constant 0 : i32
      %dma_start3A_205 = tpu.memref_slice %arg2[%dma_start3A_203, %dma_start3A_204] : memref<10000x128xf32, #tpu.memory_space<hbm>> -> memref<10000x128xf32, #tpu.memory_space<hbm>>
      tpu.enqueue_indirect_dma source(%dma_start3A_205 : memref<10000x128xf32, #tpu.memory_space<hbm>>) target(%arg9 : memref<128x128xf32, #tpu.memory_space<vmem>>) offsets(%dma_start3A_202 : memref<128xi32, #tpu.memory_space<vmem>>) semaphore(%arg12 : memref<!tpu.dma_semaphore, #tpu.memory_space<semaphore_mem>>)
      %rem3A_206 = arith.constant 32 : i32
      %rem3A_207 = arith.remsi %mul3A_132, %rem3A_206 : i32
      "tpu.region"() ({
        %run_scoped3A = tpu.sem_alloc : memref<!tpu.dma_semaphore, #tpu.memory_space<semaphore_mem>>
        %dma_start3A_229 = arith.constant 0 : i32
        %dma_start3A_230 = tpu.memref_slice %arg7[%rem3A_207, %dma_start3A_229] : memref<32x128xi32, #tpu.memory_space<vmem>> -> memref<1x128xi32, #tpu.memory_space<vmem>>
        %dma_start3A_231 = tpu.memref_squeeze %dma_start3A_230 : memref<1x128xi32, #tpu.memory_space<vmem>> -> memref<128xi32, #tpu.memory_space<vmem>>
        %dma_start3A_232 = arith.constant 0 : i32
        %dma_start3A_233 = arith.constant 0 : i32
        %dma_start3A_234 = tpu.memref_slice %arg10[%dma_start3A_232, %dma_start3A_233] : memref<10240x128xf32, #tpu.memory_space<vmem_shared>> -> memref<10240x128xf32, #tpu.memory_space<vmem_shared>>
        tpu.enqueue_indirect_dma source(%arg8 : memref<128x128xf32, #tpu.memory_space<vmem>>) target(%dma_start3A_234 : memref<10240x128xf32, #tpu.memory_space<vmem_shared>>) offsets(%dma_start3A_231 : memref<128xi32, #tpu.memory_space<vmem>>) semaphore(%run_scoped3A : memref<!tpu.dma_semaphore, #tpu.memory_space<semaphore_mem>>) {add = true}
        %dma_wait3A_235 = arith.constant 0 : i32
        %dma_wait3A_236 = tpu.memref_slice %arg7[%rem3A_207, %dma_wait3A_235] : memref<32x128xi32, #tpu.memory_space<vmem>> -> memref<1x128xi32, #tpu.memory_space<vmem>>
        %dma_wait3A_237 = tpu.memref_squeeze %dma_wait3A_236 : memref<1x128xi32, #tpu.memory_space<vmem>> -> memref<128xi32, #tpu.memory_space<vmem>>
        %dma_wait3A_238 = arith.constant 0 : i32
        %dma_wait3A_239 = arith.constant 0 : i32
        %dma_wait3A_240 = tpu.memref_slice %arg10[%dma_wait3A_238, %dma_wait3A_239] : memref<10240x128xf32, #tpu.memory_space<vmem_shared>> -> memref<10240x128xf32, #tpu.memory_space<vmem_shared>>
        tpu.wait_indirect_dma semaphore(%run_scoped3A : memref<!tpu.dma_semaphore, #tpu.memory_space<semaphore_mem>>) src(%arg8 : memref<128x128xf32, #tpu.memory_space<vmem>>) dst(%dma_wait3A_240 : memref<10240x128xf32, #tpu.memory_space<vmem_shared>>)
        tpu.yield
      }) : () -> ()
      %dma_wait3A_208 = arith.constant 0 : i32
      %dma_wait3A_209 = arith.constant 0 : i32
      %dma_wait3A_210 = tpu.memref_slice %arg6[%dma_wait3A_208, %dma_wait3A_209] : memref<32x128xi32, #tpu.memory_space<vmem>> -> memref<1x128xi32, #tpu.memory_space<vmem>>
      %dma_wait3A_211 = tpu.memref_squeeze %dma_wait3A_210 : memref<1x128xi32, #tpu.memory_space<vmem>> -> memref<128xi32, #tpu.memory_space<vmem>>
      %dma_wait3A_212 = arith.constant 0 : i32
      %dma_wait3A_213 = arith.constant 0 : i32
      %dma_wait3A_214 = tpu.memref_slice %arg2[%dma_wait3A_212, %dma_wait3A_213] : memref<10000x128xf32, #tpu.memory_space<hbm>> -> memref<10000x128xf32, #tpu.memory_space<hbm>>
      tpu.wait_indirect_dma semaphore(%arg12 : memref<!tpu.dma_semaphore, #tpu.memory_space<semaphore_mem>>) src(%dma_wait3A_214 : memref<10000x128xf32, #tpu.memory_space<hbm>>) dst(%arg9 : memref<128x128xf32, #tpu.memory_space<vmem>>)
      %add3A_215 = arith.constant 2 : i32
      %add3A_216 = arith.addi %mul3A_132, %add3A_215 : i32
      %rem3A_217 = arith.constant 32 : i32
      %rem3A_218 = arith.remsi %add3A_216, %rem3A_217 : i32
      %dma_start3A_219 = arith.constant 0 : i32
      %dma_start3A_220 = tpu.memref_slice %arg6[%rem3A_218, %dma_start3A_219] : memref<32x128xi32, #tpu.memory_space<vmem>> -> memref<1x128xi32, #tpu.memory_space<vmem>>
      %dma_start3A_221 = tpu.memref_squeeze %dma_start3A_220 : memref<1x128xi32, #tpu.memory_space<vmem>> -> memref<128xi32, #tpu.memory_space<vmem>>
      %dma_start3A_222 = arith.constant 0 : i32
      %dma_start3A_223 = arith.constant 0 : i32
      %dma_start3A_224 = tpu.memref_slice %arg2[%dma_start3A_222, %dma_start3A_223] : memref<10000x128xf32, #tpu.memory_space<hbm>> -> memref<10000x128xf32, #tpu.memory_space<hbm>>
      tpu.enqueue_indirect_dma source(%dma_start3A_224 : memref<10000x128xf32, #tpu.memory_space<hbm>>) target(%arg8 : memref<128x128xf32, #tpu.memory_space<vmem>>) offsets(%dma_start3A_221 : memref<128xi32, #tpu.memory_space<vmem>>) semaphore(%arg11 : memref<!tpu.dma_semaphore, #tpu.memory_space<semaphore_mem>>)
      %add3A_225 = arith.constant 1 : i32
      %add3A_226 = arith.addi %mul3A_132, %add3A_225 : i32
      %rem3A_227 = arith.constant 32 : i32
      %rem3A_228 = arith.remsi %add3A_226, %rem3A_227 : i32
      "tpu.region"() ({
        %run_scoped3A = tpu.sem_alloc : memref<!tpu.dma_semaphore, #tpu.memory_space<semaphore_mem>>
        %dma_start3A_229 = arith.constant 0 : i32
        %dma_start3A_230 = tpu.memref_slice %arg7[%rem3A_228, %dma_start3A_229] : memref<32x128xi32, #tpu.memory_space<vmem>> -> memref<1x128xi32, #tpu.memory_space<vmem>>
        %dma_start3A_231 = tpu.memref_squeeze %dma_start3A_230 : memref<1x128xi32, #tpu.memory_space<vmem>> -> memref<128xi32, #tpu.memory_space<vmem>>
        %dma_start3A_232 = arith.constant 0 : i32
        %dma_start3A_233 = arith.constant 0 : i32
        %dma_start3A_234 = tpu.memref_slice %arg10[%dma_start3A_232, %dma_start3A_233] : memref<10240x128xf32, #tpu.memory_space<vmem_shared>> -> memref<10240x128xf32, #tpu.memory_space<vmem_shared>>
        tpu.enqueue_indirect_dma source(%arg9 : memref<128x128xf32, #tpu.memory_space<vmem>>) target(%dma_start3A_234 : memref<10240x128xf32, #tpu.memory_space<vmem_shared>>) offsets(%dma_start3A_231 : memref<128xi32, #tpu.memory_space<vmem>>) semaphore(%run_scoped3A : memref<!tpu.dma_semaphore, #tpu.memory_space<semaphore_mem>>) {add = true}
        %dma_wait3A_235 = arith.constant 0 : i32
        %dma_wait3A_236 = tpu.memref_slice %arg7[%rem3A_228, %dma_wait3A_235] : memref<32x128xi32, #tpu.memory_space<vmem>> -> memref<1x128xi32, #tpu.memory_space<vmem>>
        %dma_wait3A_237 = tpu.memref_squeeze %dma_wait3A_236 : memref<1x128xi32, #tpu.memory_space<vmem>> -> memref<128xi32, #tpu.memory_space<vmem>>
        %dma_wait3A_238 = arith.constant 0 : i32
        %dma_wait3A_239 = arith.constant 0 : i32
        %dma_wait3A_240 = tpu.memref_slice %arg10[%dma_wait3A_238, %dma_wait3A_239] : memref<10240x128xf32, #tpu.memory_space<vmem_shared>> -> memref<10240x128xf32, #tpu.memory_space<vmem_shared>>
        tpu.wait_indirect_dma semaphore(%run_scoped3A : memref<!tpu.dma_semaphore, #tpu.memory_space<semaphore_mem>>) src(%arg9 : memref<128x128xf32, #tpu.memory_space<vmem>>) dst(%dma_wait3A_240 : memref<10240x128xf32, #tpu.memory_space<vmem_shared>>)
        tpu.yield
      }) : () -> ()
    }
    %while3A_67 = arith.constant 1 : i32
    scf.for %while3A_130 = %while3A_65 to %while3A_61 step %while3A_67  : i32 {
      %mul3A_131 = arith.constant 2 : i32
      %mul3A_132 = arith.muli %mul3A_131, %while3A_130 : i32
      %jit3A_133 = arith.constant 16 : i32
      %div3A_134 = arith.divsi %mul3A_132, %jit3A_133 : i32
      %sign3A_135 = arith.constant 0 : i32
      %sign3A_136 = arith.cmpi sgt, %mul3A_132, %sign3A_135 : i32
      %sign3A_137 = arith.extui %sign3A_136 : i1 to i32
      %sign3A_138 = arith.constant 0 : i32
      %sign3A_139 = arith.cmpi slt, %mul3A_132, %sign3A_138 : i32
      %sign3A_140 = arith.extui %sign3A_139 : i1 to i32
      %sign3A_141 = arith.subi %sign3A_137, %sign3A_140 : i32
      %sign3A_142 = arith.constant 0 : i32
      %sign3A_143 = arith.cmpi sgt, %jit3A_133, %sign3A_142 : i32
      %sign3A_144 = arith.extui %sign3A_143 : i1 to i32
      %sign3A_145 = arith.constant 0 : i32
      %sign3A_146 = arith.cmpi slt, %jit3A_133, %sign3A_145 : i32
      %sign3A_147 = arith.extui %sign3A_146 : i1 to i32
      %sign3A_148 = arith.subi %sign3A_144, %sign3A_147 : i32
      %ne3A_149 = arith.cmpi ne, %sign3A_141, %sign3A_148 : i32
      %rem3A_150 = arith.remsi %mul3A_132, %jit3A_133 : i32
      %ne3A_151 = arith.constant 0 : i32
      %ne3A_152 = arith.cmpi ne, %rem3A_150, %ne3A_151 : i32
      %and3A_153 = arith.andi %ne3A_149, %ne3A_152 : i1
      %sub3A_154 = arith.constant 1 : i32
      %sub3A_155 = arith.subi %div3A_134, %sub3A_154 : i32
      %select_n3A_156 = arith.select %and3A_153, %sub3A_155, %div3A_134 : i32
      %add3A_157 = arith.constant 1 : i32
      %add3A_158 = arith.addi %select_n3A_156, %add3A_157 : i32
      %rem3A_159 = arith.constant 8 : i32
      %rem3A_160 = arith.remsi %while3A_130, %rem3A_159 : i32
      %eq3A_161 = arith.constant 0 : i32
      %eq3A_162 = arith.cmpi eq, %rem3A_160, %eq3A_161 : i32
      %jit3A_163 = arith.constant 16 : i32
      %div3A_164 = arith.divsi %select_n3A_7, %jit3A_163 : i32
      %sign3A_165 = arith.constant 0 : i32
      %sign3A_166 = arith.cmpi sgt, %select_n3A_7, %sign3A_165 : i32
      %sign3A_167 = arith.extui %sign3A_166 : i1 to i32
      %sign3A_168 = arith.constant 0 : i32
      %sign3A_169 = arith.cmpi slt, %select_n3A_7, %sign3A_168 : i32
      %sign3A_170 = arith.extui %sign3A_169 : i1 to i32
      %sign3A_171 = arith.subi %sign3A_167, %sign3A_170 : i32
      %sign3A_172 = arith.constant 0 : i32
      %sign3A_173 = arith.cmpi sgt, %jit3A_163, %sign3A_172 : i32
      %sign3A_174 = arith.extui %sign3A_173 : i1 to i32
      %sign3A_175 = arith.constant 0 : i32
      %sign3A_176 = arith.cmpi slt, %jit3A_163, %sign3A_175 : i32
      %sign3A_177 = arith.extui %sign3A_176 : i1 to i32
      %sign3A_178 = arith.subi %sign3A_174, %sign3A_177 : i32
      %ne3A_179 = arith.cmpi ne, %sign3A_171, %sign3A_178 : i32
      %rem3A_180 = arith.remsi %select_n3A_7, %jit3A_163 : i32
      %ne3A_181 = arith.constant 0 : i32
      %ne3A_182 = arith.cmpi ne, %rem3A_180, %ne3A_181 : i32
      %and3A_183 = arith.andi %ne3A_179, %ne3A_182 : i1
      %sub3A_184 = arith.constant 1 : i32
      %sub3A_185 = arith.subi %div3A_164, %sub3A_184 : i32
      %select_n3A_186 = arith.select %and3A_183, %sub3A_185, %div3A_164 : i32
      %lt3A = arith.cmpi slt, %add3A_158, %select_n3A_186 : i32
      %and3A_187 = arith.andi %eq3A_162, %lt3A : i1
      %convert_element_type3A = arith.extui %and3A_187 : i1 to i32
      %cond3A = arith.constant 0 : i32
      %cond3A_188 = arith.cmpi ne, %convert_element_type3A, %cond3A : i32
      scf.if %cond3A_188 {
        %rem3A_229 = arith.constant 2 : i32
        %rem3A_230 = arith.remsi %add3A_158, %rem3A_229 : i32
        %mul3A_231 = arith.constant 16 : i32
        %mul3A_232 = arith.muli %add3A_158, %mul3A_231 : i32
        %add3A_233 = arith.addi %select_n3A_2, %mul3A_232 : i32
        %mul3A_234 = arith.constant 16 : i32
        %mul3A_235 = arith.muli %rem3A_230, %mul3A_234 : i32
        "tpu.region"() ({
          %run_scoped3A = tpu.sem_alloc : memref<!tpu.dma_semaphore, #tpu.memory_space<semaphore_mem>>
          %dma_start3A_241 = arith.constant 0 : i32
          %dma_start3A_242 = tpu.memref_slice %arg6[%mul3A_235, %dma_start3A_241] : memref<32x128xi32, #tpu.memory_space<vmem>> -> memref<16x128xi32, #tpu.memory_space<vmem>>
          %dma_start3A_243 = arith.constant 0 : i32
          %dma_start3A_244 = tpu.memref_slice %arg3[%arg1, %add3A_233, %dma_start3A_243] : memref<16x160x128xi32, #tpu.memory_space<hbm>> -> memref<1x16x128xi32, #tpu.memory_space<hbm>>
          %dma_start3A_245 = tpu.memref_squeeze %dma_start3A_244 : memref<1x16x128xi32, #tpu.memory_space<hbm>> -> memref<16x128xi32, #tpu.memory_space<hbm>>
          %dma_start3A_246 = arith.constant 0 : i32
          %dma_start3A_247 = tpu.memref_slice %arg6[%mul3A_235, %dma_start3A_246] : memref<32x128xi32, #tpu.memory_space<vmem>> -> memref<16x128xi32, #tpu.memory_space<vmem>>
          %dma_start3A_248 = arith.constant 0 : i32
          %dma_start3A_249 = tpu.memref_slice %arg3[%arg1, %add3A_233, %dma_start3A_248] : memref<16x160x128xi32, #tpu.memory_space<hbm>> -> memref<1x16x128xi32, #tpu.memory_space<hbm>>
          %dma_start3A_250 = tpu.memref_squeeze %dma_start3A_249 : memref<1x16x128xi32, #tpu.memory_space<hbm>> -> memref<16x128xi32, #tpu.memory_space<hbm>>
          tpu.enqueue_dma source(%dma_start3A_250 : memref<16x128xi32, #tpu.memory_space<hbm>>) target(%dma_start3A_247 : memref<16x128xi32, #tpu.memory_space<vmem>>) target_semaphore(%run_scoped3A : memref<!tpu.dma_semaphore, #tpu.memory_space<semaphore_mem>>)
          %dma_wait3A_251 = arith.constant 0 : i32
          %dma_wait3A_252 = tpu.memref_slice %arg6[%mul3A_235, %dma_wait3A_251] : memref<32x128xi32, #tpu.memory_space<vmem>> -> memref<16x128xi32, #tpu.memory_space<vmem>>
          %dma_wait3A_253 = arith.constant 0 : i32
          %dma_wait3A_254 = tpu.memref_slice %arg3[%arg1, %add3A_233, %dma_wait3A_253] : memref<16x160x128xi32, #tpu.memory_space<hbm>> -> memref<1x16x128xi32, #tpu.memory_space<hbm>>
          %dma_wait3A_255 = tpu.memref_squeeze %dma_wait3A_254 : memref<1x16x128xi32, #tpu.memory_space<hbm>> -> memref<16x128xi32, #tpu.memory_space<hbm>>
          %dma_wait3A_256 = arith.constant 0 : i32
          %dma_wait3A_257 = tpu.memref_slice %arg6[%mul3A_235, %dma_wait3A_256] : memref<32x128xi32, #tpu.memory_space<vmem>> -> memref<16x128xi32, #tpu.memory_space<vmem>>
          %dma_wait3A_258 = arith.constant 0 : i32
          %dma_wait3A_259 = tpu.memref_slice %arg3[%arg1, %add3A_233, %dma_wait3A_258] : memref<16x160x128xi32, #tpu.memory_space<hbm>> -> memref<1x16x128xi32, #tpu.memory_space<hbm>>
          %dma_wait3A_260 = tpu.memref_squeeze %dma_wait3A_259 : memref<1x16x128xi32, #tpu.memory_space<hbm>> -> memref<16x128xi32, #tpu.memory_space<hbm>>
          tpu.wait_dma2 semaphore(%run_scoped3A : memref<!tpu.dma_semaphore, #tpu.memory_space<semaphore_mem>>) src(%dma_wait3A_260 : memref<16x128xi32, #tpu.memory_space<hbm>>) dst(%dma_wait3A_257 : memref<16x128xi32, #tpu.memory_space<vmem>>)
          tpu.yield
        }) : () -> ()
        %mul3A_236 = arith.constant 16 : i32
        %mul3A_237 = arith.muli %add3A_158, %mul3A_236 : i32
        %add3A_238 = arith.addi %select_n3A_2, %mul3A_237 : i32
        %mul3A_239 = arith.constant 16 : i32
        %mul3A_240 = arith.muli %rem3A_230, %mul3A_239 : i32
        "tpu.region"() ({
          %run_scoped3A = tpu.sem_alloc : memref<!tpu.dma_semaphore, #tpu.memory_space<semaphore_mem>>
          %dma_start3A_241 = arith.constant 0 : i32
          %dma_start3A_242 = tpu.memref_slice %arg7[%mul3A_240, %dma_start3A_241] : memref<32x128xi32, #tpu.memory_space<vmem>> -> memref<16x128xi32, #tpu.memory_space<vmem>>
          %dma_start3A_243 = arith.constant 0 : i32
          %dma_start3A_244 = tpu.memref_slice %arg4[%arg1, %add3A_238, %dma_start3A_243] : memref<16x160x128xi32, #tpu.memory_space<hbm>> -> memref<1x16x128xi32, #tpu.memory_space<hbm>>
          %dma_start3A_245 = tpu.memref_squeeze %dma_start3A_244 : memref<1x16x128xi32, #tpu.memory_space<hbm>> -> memref<16x128xi32, #tpu.memory_space<hbm>>
          %dma_start3A_246 = arith.constant 0 : i32
          %dma_start3A_247 = tpu.memref_slice %arg7[%mul3A_240, %dma_start3A_246] : memref<32x128xi32, #tpu.memory_space<vmem>> -> memref<16x128xi32, #tpu.memory_space<vmem>>
          %dma_start3A_248 = arith.constant 0 : i32
          %dma_start3A_249 = tpu.memref_slice %arg4[%arg1, %add3A_238, %dma_start3A_248] : memref<16x160x128xi32, #tpu.memory_space<hbm>> -> memref<1x16x128xi32, #tpu.memory_space<hbm>>
          %dma_start3A_250 = tpu.memref_squeeze %dma_start3A_249 : memref<1x16x128xi32, #tpu.memory_space<hbm>> -> memref<16x128xi32, #tpu.memory_space<hbm>>
          tpu.enqueue_dma source(%dma_start3A_250 : memref<16x128xi32, #tpu.memory_space<hbm>>) target(%dma_start3A_247 : memref<16x128xi32, #tpu.memory_space<vmem>>) target_semaphore(%run_scoped3A : memref<!tpu.dma_semaphore, #tpu.memory_space<semaphore_mem>>)
          %dma_wait3A_251 = arith.constant 0 : i32
          %dma_wait3A_252 = tpu.memref_slice %arg7[%mul3A_240, %dma_wait3A_251] : memref<32x128xi32, #tpu.memory_space<vmem>> -> memref<16x128xi32, #tpu.memory_space<vmem>>
          %dma_wait3A_253 = arith.constant 0 : i32
          %dma_wait3A_254 = tpu.memref_slice %arg4[%arg1, %add3A_238, %dma_wait3A_253] : memref<16x160x128xi32, #tpu.memory_space<hbm>> -> memref<1x16x128xi32, #tpu.memory_space<hbm>>
          %dma_wait3A_255 = tpu.memref_squeeze %dma_wait3A_254 : memref<1x16x128xi32, #tpu.memory_space<hbm>> -> memref<16x128xi32, #tpu.memory_space<hbm>>
          %dma_wait3A_256 = arith.constant 0 : i32
          %dma_wait3A_257 = tpu.memref_slice %arg7[%mul3A_240, %dma_wait3A_256] : memref<32x128xi32, #tpu.memory_space<vmem>> -> memref<16x128xi32, #tpu.memory_space<vmem>>
          %dma_wait3A_258 = arith.constant 0 : i32
          %dma_wait3A_259 = tpu.memref_slice %arg4[%arg1, %add3A_238, %dma_wait3A_258] : memref<16x160x128xi32, #tpu.memory_space<hbm>> -> memref<1x16x128xi32, #tpu.memory_space<hbm>>
          %dma_wait3A_260 = tpu.memref_squeeze %dma_wait3A_259 : memref<1x16x128xi32, #tpu.memory_space<hbm>> -> memref<16x128xi32, #tpu.memory_space<hbm>>
          tpu.wait_dma2 semaphore(%run_scoped3A : memref<!tpu.dma_semaphore, #tpu.memory_space<semaphore_mem>>) src(%dma_wait3A_260 : memref<16x128xi32, #tpu.memory_space<hbm>>) dst(%dma_wait3A_257 : memref<16x128xi32, #tpu.memory_space<vmem>>)
          tpu.yield
        }) : () -> ()
      } else {
      }
      %dma_wait3A_189 = arith.constant 0 : i32
      %dma_wait3A_190 = arith.constant 0 : i32
      %dma_wait3A_191 = tpu.memref_slice %arg6[%dma_wait3A_189, %dma_wait3A_190] : memref<32x128xi32, #tpu.memory_space<vmem>> -> memref<1x128xi32, #tpu.memory_space<vmem>>
      %dma_wait3A_192 = tpu.memref_squeeze %dma_wait3A_191 : memref<1x128xi32, #tpu.memory_space<vmem>> -> memref<128xi32, #tpu.memory_space<vmem>>
      %dma_wait3A_193 = arith.constant 0 : i32
      %dma_wait3A_194 = arith.constant 0 : i32
      %dma_wait3A_195 = tpu.memref_slice %arg2[%dma_wait3A_193, %dma_wait3A_194] : memref<10000x128xf32, #tpu.memory_space<hbm>> -> memref<10000x128xf32, #tpu.memory_space<hbm>>
      tpu.wait_indirect_dma semaphore(%arg11 : memref<!tpu.dma_semaphore, #tpu.memory_space<semaphore_mem>>) src(%dma_wait3A_195 : memref<10000x128xf32, #tpu.memory_space<hbm>>) dst(%arg8 : memref<128x128xf32, #tpu.memory_space<vmem>>)
      %add3A_196 = arith.constant 1 : i32
      %add3A_197 = arith.addi %mul3A_132, %add3A_196 : i32
      %rem3A_198 = arith.constant 32 : i32
      %rem3A_199 = arith.remsi %add3A_197, %rem3A_198 : i32
      %dma_start3A_200 = arith.constant 0 : i32
      %dma_start3A_201 = tpu.memref_slice %arg6[%rem3A_199, %dma_start3A_200] : memref<32x128xi32, #tpu.memory_space<vmem>> -> memref<1x128xi32, #tpu.memory_space<vmem>>
      %dma_start3A_202 = tpu.memref_squeeze %dma_start3A_201 : memref<1x128xi32, #tpu.memory_space<vmem>> -> memref<128xi32, #tpu.memory_space<vmem>>
      %dma_start3A_203 = arith.constant 0 : i32
      %dma_start3A_204 = arith.constant 0 : i32
      %dma_start3A_205 = tpu.memref_slice %arg2[%dma_start3A_203, %dma_start3A_204] : memref<10000x128xf32, #tpu.memory_space<hbm>> -> memref<10000x128xf32, #tpu.memory_space<hbm>>
      tpu.enqueue_indirect_dma source(%dma_start3A_205 : memref<10000x128xf32, #tpu.memory_space<hbm>>) target(%arg9 : memref<128x128xf32, #tpu.memory_space<vmem>>) offsets(%dma_start3A_202 : memref<128xi32, #tpu.memory_space<vmem>>) semaphore(%arg12 : memref<!tpu.dma_semaphore, #tpu.memory_space<semaphore_mem>>)
      %rem3A_206 = arith.constant 32 : i32
      %rem3A_207 = arith.remsi %mul3A_132, %rem3A_206 : i32
      "tpu.region"() ({
        %run_scoped3A = tpu.sem_alloc : memref<!tpu.dma_semaphore, #tpu.memory_space<semaphore_mem>>
        %dma_start3A_229 = arith.constant 0 : i32
        %dma_start3A_230 = tpu.memref_slice %arg7[%rem3A_207, %dma_start3A_229] : memref<32x128xi32, #tpu.memory_space<vmem>> -> memref<1x128xi32, #tpu.memory_space<vmem>>
        %dma_start3A_231 = tpu.memref_squeeze %dma_start3A_230 : memref<1x128xi32, #tpu.memory_space<vmem>> -> memref<128xi32, #tpu.memory_space<vmem>>
        %dma_start3A_232 = arith.constant 0 : i32
        %dma_start3A_233 = arith.constant 0 : i32
        %dma_start3A_234 = tpu.memref_slice %arg10[%dma_start3A_232, %dma_start3A_233] : memref<10240x128xf32, #tpu.memory_space<vmem_shared>> -> memref<10240x128xf32, #tpu.memory_space<vmem_shared>>
        tpu.enqueue_indirect_dma source(%arg8 : memref<128x128xf32, #tpu.memory_space<vmem>>) target(%dma_start3A_234 : memref<10240x128xf32, #tpu.memory_space<vmem_shared>>) offsets(%dma_start3A_231 : memref<128xi32, #tpu.memory_space<vmem>>) semaphore(%run_scoped3A : memref<!tpu.dma_semaphore, #tpu.memory_space<semaphore_mem>>) {add = true}
        %dma_wait3A_235 = arith.constant 0 : i32
        %dma_wait3A_236 = tpu.memref_slice %arg7[%rem3A_207, %dma_wait3A_235] : memref<32x128xi32, #tpu.memory_space<vmem>> -> memref<1x128xi32, #tpu.memory_space<vmem>>
        %dma_wait3A_237 = tpu.memref_squeeze %dma_wait3A_236 : memref<1x128xi32, #tpu.memory_space<vmem>> -> memref<128xi32, #tpu.memory_space<vmem>>
        %dma_wait3A_238 = arith.constant 0 : i32
        %dma_wait3A_239 = arith.constant 0 : i32
        %dma_wait3A_240 = tpu.memref_slice %arg10[%dma_wait3A_238, %dma_wait3A_239] : memref<10240x128xf32, #tpu.memory_space<vmem_shared>> -> memref<10240x128xf32, #tpu.memory_space<vmem_shared>>
        tpu.wait_indirect_dma semaphore(%run_scoped3A : memref<!tpu.dma_semaphore, #tpu.memory_space<semaphore_mem>>) src(%arg8 : memref<128x128xf32, #tpu.memory_space<vmem>>) dst(%dma_wait3A_240 : memref<10240x128xf32, #tpu.memory_space<vmem_shared>>)
        tpu.yield
      }) : () -> ()
      %dma_wait3A_208 = arith.constant 0 : i32
      %dma_wait3A_209 = arith.constant 0 : i32
      %dma_wait3A_210 = tpu.memref_slice %arg6[%dma_wait3A_208, %dma_wait3A_209] : memref<32x128xi32, #tpu.memory_space<vmem>> -> memref<1x128xi32, #tpu.memory_space<vmem>>
      %dma_wait3A_211 = tpu.memref_squeeze %dma_wait3A_210 : memref<1x128xi32, #tpu.memory_space<vmem>> -> memref<128xi32, #tpu.memory_space<vmem>>
      %dma_wait3A_212 = arith.constant 0 : i32
      %dma_wait3A_213 = arith.constant 0 : i32
      %dma_wait3A_214 = tpu.memref_slice %arg2[%dma_wait3A_212, %dma_wait3A_213] : memref<10000x128xf32, #tpu.memory_space<hbm>> -> memref<10000x128xf32, #tpu.memory_space<hbm>>
      tpu.wait_indirect_dma semaphore(%arg12 : memref<!tpu.dma_semaphore, #tpu.memory_space<semaphore_mem>>) src(%dma_wait3A_214 : memref<10000x128xf32, #tpu.memory_space<hbm>>) dst(%arg9 : memref<128x128xf32, #tpu.memory_space<vmem>>)
      %add3A_215 = arith.constant 2 : i32
      %add3A_216 = arith.addi %mul3A_132, %add3A_215 : i32
      %rem3A_217 = arith.constant 32 : i32
      %rem3A_218 = arith.remsi %add3A_216, %rem3A_217 : i32
      %dma_start3A_219 = arith.constant 0 : i32
      %dma_start3A_220 = tpu.memref_slice %arg6[%rem3A_218, %dma_start3A_219] : memref<32x128xi32, #tpu.memory_space<vmem>> -> memref<1x128xi32, #tpu.memory_space<vmem>>
      %dma_start3A_221 = tpu.memref_squeeze %dma_start3A_220 : memref<1x128xi32, #tpu.memory_space<vmem>> -> memref<128xi32, #tpu.memory_space<vmem>>
      %dma_start3A_222 = arith.constant 0 : i32
      %dma_start3A_223 = arith.constant 0 : i32
      %dma_start3A_224 = tpu.memref_slice %arg2[%dma_start3A_222, %dma_start3A_223] : memref<10000x128xf32, #tpu.memory_space<hbm>> -> memref<10000x128xf32, #tpu.memory_space<hbm>>
      tpu.enqueue_indirect_dma source(%dma_start3A_224 : memref<10000x128xf32, #tpu.memory_space<hbm>>) target(%arg8 : memref<128x128xf32, #tpu.memory_space<vmem>>) offsets(%dma_start3A_221 : memref<128xi32, #tpu.memory_space<vmem>>) semaphore(%arg11 : memref<!tpu.dma_semaphore, #tpu.memory_space<semaphore_mem>>)
      %add3A_225 = arith.constant 1 : i32
      %add3A_226 = arith.addi %mul3A_132, %add3A_225 : i32
      %rem3A_227 = arith.constant 32 : i32
      %rem3A_228 = arith.remsi %add3A_226, %rem3A_227 : i32
      "tpu.region"() ({
        %run_scoped3A = tpu.sem_alloc : memref<!tpu.dma_semaphore, #tpu.memory_space<semaphore_mem>>
        %dma_start3A_229 = arith.constant 0 : i32
        %dma_start3A_230 = tpu.memref_slice %arg7[%rem3A_228, %dma_start3A_229] : memref<32x128xi32, #tpu.memory_space<vmem>> -> memref<1x128xi32, #tpu.memory_space<vmem>>
        %dma_start3A_231 = tpu.memref_squeeze %dma_start3A_230 : memref<1x128xi32, #tpu.memory_space<vmem>> -> memref<128xi32, #tpu.memory_space<vmem>>
        %dma_start3A_232 = arith.constant 0 : i32
        %dma_start3A_233 = arith.constant 0 : i32
        %dma_start3A_234 = tpu.memref_slice %arg10[%dma_start3A_232, %dma_start3A_233] : memref<10240x128xf32, #tpu.memory_space<vmem_shared>> -> memref<10240x128xf32, #tpu.memory_space<vmem_shared>>
        tpu.enqueue_indirect_dma source(%arg9 : memref<128x128xf32, #tpu.memory_space<vmem>>) target(%dma_start3A_234 : memref<10240x128xf32, #tpu.memory_space<vmem_shared>>) offsets(%dma_start3A_231 : memref<128xi32, #tpu.memory_space<vmem>>) semaphore(%run_scoped3A : memref<!tpu.dma_semaphore, #tpu.memory_space<semaphore_mem>>) {add = true}
        %dma_wait3A_235 = arith.constant 0 : i32
        %dma_wait3A_236 = tpu.memref_slice %arg7[%rem3A_228, %dma_wait3A_235] : memref<32x128xi32, #tpu.memory_space<vmem>> -> memref<1x128xi32, #tpu.memory_space<vmem>>
        %dma_wait3A_237 = tpu.memref_squeeze %dma_wait3A_236 : memref<1x128xi32, #tpu.memory_space<vmem>> -> memref<128xi32, #tpu.memory_space<vmem>>
        %dma_wait3A_238 = arith.constant 0 : i32
        %dma_wait3A_239 = arith.constant 0 : i32
        %dma_wait3A_240 = tpu.memref_slice %arg10[%dma_wait3A_238, %dma_wait3A_239] : memref<10240x128xf32, #tpu.memory_space<vmem_shared>> -> memref<10240x128xf32, #tpu.memory_space<vmem_shared>>
        tpu.wait_indirect_dma semaphore(%run_scoped3A : memref<!tpu.dma_semaphore, #tpu.memory_space<semaphore_mem>>) src(%arg9 : memref<128x128xf32, #tpu.memory_space<vmem>>) dst(%dma_wait3A_240 : memref<10240x128xf32, #tpu.memory_space<vmem_shared>>)
        tpu.yield
      }) : () -> ()
    }
    %dma_wait3A = arith.constant 0 : i32
    %dma_wait3A_68 = arith.constant 0 : i32
    %dma_wait3A_69 = tpu.memref_slice %arg6[%dma_wait3A, %dma_wait3A_68] : memref<32x128xi32, #tpu.memory_space<vmem>> -> memref<1x128xi32, #tpu.memory_space<vmem>>
    %dma_wait3A_70 = tpu.memref_squeeze %dma_wait3A_69 : memref<1x128xi32, #tpu.memory_space<vmem>> -> memref<128xi32, #tpu.memory_space<vmem>>
    %dma_wait3A_71 = arith.constant 0 : i32
    %dma_wait3A_72 = arith.constant 0 : i32
    %dma_wait3A_73 = tpu.memref_slice %arg2[%dma_wait3A_71, %dma_wait3A_72] : memref<10000x128xf32, #tpu.memory_space<hbm>> -> memref<10000x128xf32, #tpu.memory_space<hbm>>
    tpu.wait_indirect_dma semaphore(%arg11 : memref<!tpu.dma_semaphore, #tpu.memory_space<semaphore_mem>>) src(%dma_wait3A_73 : memref<10000x128xf32, #tpu.memory_space<hbm>>) dst(%arg8 : memref<128x128xf32, #tpu.memory_space<vmem>>)
    %barrier3A_74 = arith.constant 0 : index
    tpu.barrier barrier_id(%barrier3A_74)
    %mul3A_75 = arith.constant 640 : i32
    %mul3A_76 = arith.muli %arg1, %mul3A_75 : i32
    %add3A_77 = arith.constant 0 : i32
    %add3A_78 = arith.addi %mul3A_76, %add3A_77 : i32
    "tpu.region"() ({
      %run_scoped3A = tpu.sem_alloc : memref<!tpu.dma_semaphore, #tpu.memory_space<semaphore_mem>>
      %dma_start3A_130 = arith.constant 0 : i32
      %dma_start3A_131 = tpu.memref_slice %arg10[%add3A_78, %dma_start3A_130] : memref<10240x128xf32, #tpu.memory_space<vmem_shared>> -> memref<128x128xf32, #tpu.memory_space<vmem_shared>>
      %dma_start3A_132 = arith.constant 0 : i32
      %dma_start3A_133 = tpu.memref_slice %arg10[%add3A_78, %dma_start3A_132] : memref<10240x128xf32, #tpu.memory_space<vmem_shared>> -> memref<128x128xf32, #tpu.memory_space<vmem_shared>>
      tpu.enqueue_dma source(%dma_start3A_133 : memref<128x128xf32, #tpu.memory_space<vmem_shared>>) target(%arg8 : memref<128x128xf32, #tpu.memory_space<vmem>>) target_semaphore(%run_scoped3A : memref<!tpu.dma_semaphore, #tpu.memory_space<semaphore_mem>>)
      %dma_wait3A_134 = arith.constant 0 : i32
      %dma_wait3A_135 = tpu.memref_slice %arg10[%add3A_78, %dma_wait3A_134] : memref<10240x128xf32, #tpu.memory_space<vmem_shared>> -> memref<128x128xf32, #tpu.memory_space<vmem_shared>>
      %dma_wait3A_136 = arith.constant 0 : i32
      %dma_wait3A_137 = tpu.memref_slice %arg10[%add3A_78, %dma_wait3A_136] : memref<10240x128xf32, #tpu.memory_space<vmem_shared>> -> memref<128x128xf32, #tpu.memory_space<vmem_shared>>
      tpu.wait_dma2 semaphore(%run_scoped3A : memref<!tpu.dma_semaphore, #tpu.memory_space<semaphore_mem>>) src(%dma_wait3A_137 : memref<128x128xf32, #tpu.memory_space<vmem_shared>>) dst(%arg8 : memref<128x128xf32, #tpu.memory_space<vmem>>)
      tpu.yield
    }) : () -> ()
    %mul3A_79 = arith.constant 10240 : i32
    %mul3A_80 = arith.muli %arg0, %mul3A_79 : i32
    %mul3A_81 = arith.constant 640 : i32
    %mul3A_82 = arith.muli %arg1, %mul3A_81 : i32
    %add3A_83 = arith.addi %mul3A_80, %mul3A_82 : i32
    %add3A_84 = arith.constant 0 : i32
    %add3A_85 = arith.addi %add3A_83, %add3A_84 : i32
    "tpu.region"() ({
      %run_scoped3A = tpu.sem_alloc : memref<!tpu.dma_semaphore, #tpu.memory_space<semaphore_mem>>
      %dma_start3A_130 = arith.constant 0 : i32
      %dma_start3A_131 = tpu.memref_slice %arg5[%add3A_85, %dma_start3A_130] : memref<20480x128xf32, #tpu.memory_space<hbm>> -> memref<128x128xf32, #tpu.memory_space<hbm>>
      %dma_start3A_132 = arith.constant 0 : i32
      %dma_start3A_133 = tpu.memref_slice %arg5[%add3A_85, %dma_start3A_132] : memref<20480x128xf32, #tpu.memory_space<hbm>> -> memref<128x128xf32, #tpu.memory_space<hbm>>
      tpu.enqueue_dma source(%arg8 : memref<128x128xf32, #tpu.memory_space<vmem>>) target(%dma_start3A_133 : memref<128x128xf32, #tpu.memory_space<hbm>>) target_semaphore(%run_scoped3A : memref<!tpu.dma_semaphore, #tpu.memory_space<semaphore_mem>>)
      %dma_wait3A_134 = arith.constant 0 : i32
      %dma_wait3A_135 = tpu.memref_slice %arg5[%add3A_85, %dma_wait3A_134] : memref<20480x128xf32, #tpu.memory_space<hbm>> -> memref<128x128xf32, #tpu.memory_space<hbm>>
      %dma_wait3A_136 = arith.constant 0 : i32
      %dma_wait3A_137 = tpu.memref_slice %arg5[%add3A_85, %dma_wait3A_136] : memref<20480x128xf32, #tpu.memory_space<hbm>> -> memref<128x128xf32, #tpu.memory_space<hbm>>
      tpu.wait_dma2 semaphore(%run_scoped3A : memref<!tpu.dma_semaphore, #tpu.memory_space<semaphore_mem>>) src(%arg8 : memref<128x128xf32, #tpu.memory_space<vmem>>) dst(%dma_wait3A_137 : memref<128x128xf32, #tpu.memory_space<hbm>>)
      tpu.yield
    }) : () -> ()
    %mul3A_86 = arith.constant 640 : i32
    %mul3A_87 = arith.muli %arg1, %mul3A_86 : i32
    %add3A_88 = arith.constant 128 : i32
    %add3A_89 = arith.addi %mul3A_87, %add3A_88 : i32
    "tpu.region"() ({
      %run_scoped3A = tpu.sem_alloc : memref<!tpu.dma_semaphore, #tpu.memory_space<semaphore_mem>>
      %dma_start3A_130 = arith.constant 0 : i32
      %dma_start3A_131 = tpu.memref_slice %arg10[%add3A_89, %dma_start3A_130] : memref<10240x128xf32, #tpu.memory_space<vmem_shared>> -> memref<128x128xf32, #tpu.memory_space<vmem_shared>>
      %dma_start3A_132 = arith.constant 0 : i32
      %dma_start3A_133 = tpu.memref_slice %arg10[%add3A_89, %dma_start3A_132] : memref<10240x128xf32, #tpu.memory_space<vmem_shared>> -> memref<128x128xf32, #tpu.memory_space<vmem_shared>>
      tpu.enqueue_dma source(%dma_start3A_133 : memref<128x128xf32, #tpu.memory_space<vmem_shared>>) target(%arg8 : memref<128x128xf32, #tpu.memory_space<vmem>>) target_semaphore(%run_scoped3A : memref<!tpu.dma_semaphore, #tpu.memory_space<semaphore_mem>>)
      %dma_wait3A_134 = arith.constant 0 : i32
      %dma_wait3A_135 = tpu.memref_slice %arg10[%add3A_89, %dma_wait3A_134] : memref<10240x128xf32, #tpu.memory_space<vmem_shared>> -> memref<128x128xf32, #tpu.memory_space<vmem_shared>>
      %dma_wait3A_136 = arith.constant 0 : i32
      %dma_wait3A_137 = tpu.memref_slice %arg10[%add3A_89, %dma_wait3A_136] : memref<10240x128xf32, #tpu.memory_space<vmem_shared>> -> memref<128x128xf32, #tpu.memory_space<vmem_shared>>
      tpu.wait_dma2 semaphore(%run_scoped3A : memref<!tpu.dma_semaphore, #tpu.memory_space<semaphore_mem>>) src(%dma_wait3A_137 : memref<128x128xf32, #tpu.memory_space<vmem_shared>>) dst(%arg8 : memref<128x128xf32, #tpu.memory_space<vmem>>)
      tpu.yield
    }) : () -> ()
    %mul3A_90 = arith.constant 10240 : i32
    %mul3A_91 = arith.muli %arg0, %mul3A_90 : i32
    %mul3A_92 = arith.constant 640 : i32
    %mul3A_93 = arith.muli %arg1, %mul3A_92 : i32
    %add3A_94 = arith.addi %mul3A_91, %mul3A_93 : i32
    %add3A_95 = arith.constant 128 : i32
    %add3A_96 = arith.addi %add3A_94, %add3A_95 : i32
    "tpu.region"() ({
      %run_scoped3A = tpu.sem_alloc : memref<!tpu.dma_semaphore, #tpu.memory_space<semaphore_mem>>
      %dma_start3A_130 = arith.constant 0 : i32
      %dma_start3A_131 = tpu.memref_slice %arg5[%add3A_96, %dma_start3A_130] : memref<20480x128xf32, #tpu.memory_space<hbm>> -> memref<128x128xf32, #tpu.memory_space<hbm>>
      %dma_start3A_132 = arith.constant 0 : i32
      %dma_start3A_133 = tpu.memref_slice %arg5[%add3A_96, %dma_start3A_132] : memref<20480x128xf32, #tpu.memory_space<hbm>> -> memref<128x128xf32, #tpu.memory_space<hbm>>
      tpu.enqueue_dma source(%arg8 : memref<128x128xf32, #tpu.memory_space<vmem>>) target(%dma_start3A_133 : memref<128x128xf32, #tpu.memory_space<hbm>>) target_semaphore(%run_scoped3A : memref<!tpu.dma_semaphore, #tpu.memory_space<semaphore_mem>>)
      %dma_wait3A_134 = arith.constant 0 : i32
      %dma_wait3A_135 = tpu.memref_slice %arg5[%add3A_96, %dma_wait3A_134] : memref<20480x128xf32, #tpu.memory_space<hbm>> -> memref<128x128xf32, #tpu.memory_space<hbm>>
      %dma_wait3A_136 = arith.constant 0 : i32
      %dma_wait3A_137 = tpu.memref_slice %arg5[%add3A_96, %dma_wait3A_136] : memref<20480x128xf32, #tpu.memory_space<hbm>> -> memref<128x128xf32, #tpu.memory_space<hbm>>
      tpu.wait_dma2 semaphore(%run_scoped3A : memref<!tpu.dma_semaphore, #tpu.memory_space<semaphore_mem>>) src(%arg8 : memref<128x128xf32, #tpu.memory_space<vmem>>) dst(%dma_wait3A_137 : memref<128x128xf32, #tpu.memory_space<hbm>>)
      tpu.yield
    }) : () -> ()
    %mul3A_97 = arith.constant 640 : i32
    %mul3A_98 = arith.muli %arg1, %mul3A_97 : i32
    %add3A_99 = arith.constant 256 : i32
    %add3A_100 = arith.addi %mul3A_98, %add3A_99 : i32
    "tpu.region"() ({
      %run_scoped3A = tpu.sem_alloc : memref<!tpu.dma_semaphore, #tpu.memory_space<semaphore_mem>>
      %dma_start3A_130 = arith.constant 0 : i32
      %dma_start3A_131 = tpu.memref_slice %arg10[%add3A_100, %dma_start3A_130] : memref<10240x128xf32, #tpu.memory_space<vmem_shared>> -> memref<128x128xf32, #tpu.memory_space<vmem_shared>>
      %dma_start3A_132 = arith.constant 0 : i32
      %dma_start3A_133 = tpu.memref_slice %arg10[%add3A_100, %dma_start3A_132] : memref<10240x128xf32, #tpu.memory_space<vmem_shared>> -> memref<128x128xf32, #tpu.memory_space<vmem_shared>>
      tpu.enqueue_dma source(%dma_start3A_133 : memref<128x128xf32, #tpu.memory_space<vmem_shared>>) target(%arg8 : memref<128x128xf32, #tpu.memory_space<vmem>>) target_semaphore(%run_scoped3A : memref<!tpu.dma_semaphore, #tpu.memory_space<semaphore_mem>>)
      %dma_wait3A_134 = arith.constant 0 : i32
      %dma_wait3A_135 = tpu.memref_slice %arg10[%add3A_100, %dma_wait3A_134] : memref<10240x128xf32, #tpu.memory_space<vmem_shared>> -> memref<128x128xf32, #tpu.memory_space<vmem_shared>>
      %dma_wait3A_136 = arith.constant 0 : i32
      %dma_wait3A_137 = tpu.memref_slice %arg10[%add3A_100, %dma_wait3A_136] : memref<10240x128xf32, #tpu.memory_space<vmem_shared>> -> memref<128x128xf32, #tpu.memory_space<vmem_shared>>
      tpu.wait_dma2 semaphore(%run_scoped3A : memref<!tpu.dma_semaphore, #tpu.memory_space<semaphore_mem>>) src(%dma_wait3A_137 : memref<128x128xf32, #tpu.memory_space<vmem_shared>>) dst(%arg8 : memref<128x128xf32, #tpu.memory_space<vmem>>)
      tpu.yield
    }) : () -> ()
    %mul3A_101 = arith.constant 10240 : i32
    %mul3A_102 = arith.muli %arg0, %mul3A_101 : i32
    %mul3A_103 = arith.constant 640 : i32
    %mul3A_104 = arith.muli %arg1, %mul3A_103 : i32
    %add3A_105 = arith.addi %mul3A_102, %mul3A_104 : i32
    %add3A_106 = arith.constant 256 : i32
    %add3A_107 = arith.addi %add3A_105, %add3A_106 : i32
    "tpu.region"() ({
      %run_scoped3A = tpu.sem_alloc : memref<!tpu.dma_semaphore, #tpu.memory_space<semaphore_mem>>
      %dma_start3A_130 = arith.constant 0 : i32
      %dma_start3A_131 = tpu.memref_slice %arg5[%add3A_107, %dma_start3A_130] : memref<20480x128xf32, #tpu.memory_space<hbm>> -> memref<128x128xf32, #tpu.memory_space<hbm>>
      %dma_start3A_132 = arith.constant 0 : i32
      %dma_start3A_133 = tpu.memref_slice %arg5[%add3A_107, %dma_start3A_132] : memref<20480x128xf32, #tpu.memory_space<hbm>> -> memref<128x128xf32, #tpu.memory_space<hbm>>
      tpu.enqueue_dma source(%arg8 : memref<128x128xf32, #tpu.memory_space<vmem>>) target(%dma_start3A_133 : memref<128x128xf32, #tpu.memory_space<hbm>>) target_semaphore(%run_scoped3A : memref<!tpu.dma_semaphore, #tpu.memory_space<semaphore_mem>>)
      %dma_wait3A_134 = arith.constant 0 : i32
      %dma_wait3A_135 = tpu.memref_slice %arg5[%add3A_107, %dma_wait3A_134] : memref<20480x128xf32, #tpu.memory_space<hbm>> -> memref<128x128xf32, #tpu.memory_space<hbm>>
      %dma_wait3A_136 = arith.constant 0 : i32
      %dma_wait3A_137 = tpu.memref_slice %arg5[%add3A_107, %dma_wait3A_136] : memref<20480x128xf32, #tpu.memory_space<hbm>> -> memref<128x128xf32, #tpu.memory_space<hbm>>
      tpu.wait_dma2 semaphore(%run_scoped3A : memref<!tpu.dma_semaphore, #tpu.memory_space<semaphore_mem>>) src(%arg8 : memref<128x128xf32, #tpu.memory_space<vmem>>) dst(%dma_wait3A_137 : memref<128x128xf32, #tpu.memory_space<hbm>>)
      tpu.yield
    }) : () -> ()
    %mul3A_108 = arith.constant 640 : i32
    %mul3A_109 = arith.muli %arg1, %mul3A_108 : i32
    %add3A_110 = arith.constant 384 : i32
    %add3A_111 = arith.addi %mul3A_109, %add3A_110 : i32
    "tpu.region"() ({
      %run_scoped3A = tpu.sem_alloc : memref<!tpu.dma_semaphore, #tpu.memory_space<semaphore_mem>>
      %dma_start3A_130 = arith.constant 0 : i32
      %dma_start3A_131 = tpu.memref_slice %arg10[%add3A_111, %dma_start3A_130] : memref<10240x128xf32, #tpu.memory_space<vmem_shared>> -> memref<128x128xf32, #tpu.memory_space<vmem_shared>>
      %dma_start3A_132 = arith.constant 0 : i32
      %dma_start3A_133 = tpu.memref_slice %arg10[%add3A_111, %dma_start3A_132] : memref<10240x128xf32, #tpu.memory_space<vmem_shared>> -> memref<128x128xf32, #tpu.memory_space<vmem_shared>>
      tpu.enqueue_dma source(%dma_start3A_133 : memref<128x128xf32, #tpu.memory_space<vmem_shared>>) target(%arg8 : memref<128x128xf32, #tpu.memory_space<vmem>>) target_semaphore(%run_scoped3A : memref<!tpu.dma_semaphore, #tpu.memory_space<semaphore_mem>>)
      %dma_wait3A_134 = arith.constant 0 : i32
      %dma_wait3A_135 = tpu.memref_slice %arg10[%add3A_111, %dma_wait3A_134] : memref<10240x128xf32, #tpu.memory_space<vmem_shared>> -> memref<128x128xf32, #tpu.memory_space<vmem_shared>>
      %dma_wait3A_136 = arith.constant 0 : i32
      %dma_wait3A_137 = tpu.memref_slice %arg10[%add3A_111, %dma_wait3A_136] : memref<10240x128xf32, #tpu.memory_space<vmem_shared>> -> memref<128x128xf32, #tpu.memory_space<vmem_shared>>
      tpu.wait_dma2 semaphore(%run_scoped3A : memref<!tpu.dma_semaphore, #tpu.memory_space<semaphore_mem>>) src(%dma_wait3A_137 : memref<128x128xf32, #tpu.memory_space<vmem_shared>>) dst(%arg8 : memref<128x128xf32, #tpu.memory_space<vmem>>)
      tpu.yield
    }) : () -> ()
    %mul3A_112 = arith.constant 10240 : i32
    %mul3A_113 = arith.muli %arg0, %mul3A_112 : i32
    %mul3A_114 = arith.constant 640 : i32
    %mul3A_115 = arith.muli %arg1, %mul3A_114 : i32
    %add3A_116 = arith.addi %mul3A_113, %mul3A_115 : i32
    %add3A_117 = arith.constant 384 : i32
    %add3A_118 = arith.addi %add3A_116, %add3A_117 : i32
    "tpu.region"() ({
      %run_scoped3A = tpu.sem_alloc : memref<!tpu.dma_semaphore, #tpu.memory_space<semaphore_mem>>
      %dma_start3A_130 = arith.constant 0 : i32
      %dma_start3A_131 = tpu.memref_slice %arg5[%add3A_118, %dma_start3A_130] : memref<20480x128xf32, #tpu.memory_space<hbm>> -> memref<128x128xf32, #tpu.memory_space<hbm>>
      %dma_start3A_132 = arith.constant 0 : i32
      %dma_start3A_133 = tpu.memref_slice %arg5[%add3A_118, %dma_start3A_132] : memref<20480x128xf32, #tpu.memory_space<hbm>> -> memref<128x128xf32, #tpu.memory_space<hbm>>
      tpu.enqueue_dma source(%arg8 : memref<128x128xf32, #tpu.memory_space<vmem>>) target(%dma_start3A_133 : memref<128x128xf32, #tpu.memory_space<hbm>>) target_semaphore(%run_scoped3A : memref<!tpu.dma_semaphore, #tpu.memory_space<semaphore_mem>>)
      %dma_wait3A_134 = arith.constant 0 : i32
      %dma_wait3A_135 = tpu.memref_slice %arg5[%add3A_118, %dma_wait3A_134] : memref<20480x128xf32, #tpu.memory_space<hbm>> -> memref<128x128xf32, #tpu.memory_space<hbm>>
      %dma_wait3A_136 = arith.constant 0 : i32
      %dma_wait3A_137 = tpu.memref_slice %arg5[%add3A_118, %dma_wait3A_136] : memref<20480x128xf32, #tpu.memory_space<hbm>> -> memref<128x128xf32, #tpu.memory_space<hbm>>
      tpu.wait_dma2 semaphore(%run_scoped3A : memref<!tpu.dma_semaphore, #tpu.memory_space<semaphore_mem>>) src(%arg8 : memref<128x128xf32, #tpu.memory_space<vmem>>) dst(%dma_wait3A_137 : memref<128x128xf32, #tpu.memory_space<hbm>>)
      tpu.yield
    }) : () -> ()
    %mul3A_119 = arith.constant 640 : i32
    %mul3A_120 = arith.muli %arg1, %mul3A_119 : i32
    %add3A_121 = arith.constant 512 : i32
    %add3A_122 = arith.addi %mul3A_120, %add3A_121 : i32
    "tpu.region"() ({
      %run_scoped3A = tpu.sem_alloc : memref<!tpu.dma_semaphore, #tpu.memory_space<semaphore_mem>>
      %dma_start3A_130 = arith.constant 0 : i32
      %dma_start3A_131 = tpu.memref_slice %arg10[%add3A_122, %dma_start3A_130] : memref<10240x128xf32, #tpu.memory_space<vmem_shared>> -> memref<128x128xf32, #tpu.memory_space<vmem_shared>>
      %dma_start3A_132 = arith.constant 0 : i32
      %dma_start3A_133 = tpu.memref_slice %arg10[%add3A_122, %dma_start3A_132] : memref<10240x128xf32, #tpu.memory_space<vmem_shared>> -> memref<128x128xf32, #tpu.memory_space<vmem_shared>>
      tpu.enqueue_dma source(%dma_start3A_133 : memref<128x128xf32, #tpu.memory_space<vmem_shared>>) target(%arg8 : memref<128x128xf32, #tpu.memory_space<vmem>>) target_semaphore(%run_scoped3A : memref<!tpu.dma_semaphore, #tpu.memory_space<semaphore_mem>>)
      %dma_wait3A_134 = arith.constant 0 : i32
      %dma_wait3A_135 = tpu.memref_slice %arg10[%add3A_122, %dma_wait3A_134] : memref<10240x128xf32, #tpu.memory_space<vmem_shared>> -> memref<128x128xf32, #tpu.memory_space<vmem_shared>>
      %dma_wait3A_136 = arith.constant 0 : i32
      %dma_wait3A_137 = tpu.memref_slice %arg10[%add3A_122, %dma_wait3A_136] : memref<10240x128xf32, #tpu.memory_space<vmem_shared>> -> memref<128x128xf32, #tpu.memory_space<vmem_shared>>
      tpu.wait_dma2 semaphore(%run_scoped3A : memref<!tpu.dma_semaphore, #tpu.memory_space<semaphore_mem>>) src(%dma_wait3A_137 : memref<128x128xf32, #tpu.memory_space<vmem_shared>>) dst(%arg8 : memref<128x128xf32, #tpu.memory_space<vmem>>)
      tpu.yield
    }) : () -> ()
    %mul3A_123 = arith.constant 10240 : i32
    %mul3A_124 = arith.muli %arg0, %mul3A_123 : i32
    %mul3A_125 = arith.constant 640 : i32
    %mul3A_126 = arith.muli %arg1, %mul3A_125 : i32
    %add3A_127 = arith.addi %mul3A_124, %mul3A_126 : i32
    %add3A_128 = arith.constant 512 : i32
    %add3A_129 = arith.addi %add3A_127, %add3A_128 : i32
    "tpu.region"() ({
      %run_scoped3A = tpu.sem_alloc : memref<!tpu.dma_semaphore, #tpu.memory_space<semaphore_mem>>
      %dma_start3A_130 = arith.constant 0 : i32
      %dma_start3A_131 = tpu.memref_slice %arg5[%add3A_129, %dma_start3A_130] : memref<20480x128xf32, #tpu.memory_space<hbm>> -> memref<128x128xf32, #tpu.memory_space<hbm>>
      %dma_start3A_132 = arith.constant 0 : i32
      %dma_start3A_133 = tpu.memref_slice %arg5[%add3A_129, %dma_start3A_132] : memref<20480x128xf32, #tpu.memory_space<hbm>> -> memref<128x128xf32, #tpu.memory_space<hbm>>
      tpu.enqueue_dma source(%arg8 : memref<128x128xf32, #tpu.memory_space<vmem>>) target(%dma_start3A_133 : memref<128x128xf32, #tpu.memory_space<hbm>>) target_semaphore(%run_scoped3A : memref<!tpu.dma_semaphore, #tpu.memory_space<semaphore_mem>>)
      %dma_wait3A_134 = arith.constant 0 : i32
      %dma_wait3A_135 = tpu.memref_slice %arg5[%add3A_129, %dma_wait3A_134] : memref<20480x128xf32, #tpu.memory_space<hbm>> -> memref<128x128xf32, #tpu.memory_space<hbm>>
      %dma_wait3A_136 = arith.constant 0 : i32
      %dma_wait3A_137 = tpu.memref_slice %arg5[%add3A_129, %dma_wait3A_136] : memref<20480x128xf32, #tpu.memory_space<hbm>> -> memref<128x128xf32, #tpu.memory_space<hbm>>
      tpu.wait_dma2 semaphore(%run_scoped3A : memref<!tpu.dma_semaphore, #tpu.memory_space<semaphore_mem>>) src(%arg8 : memref<128x128xf32, #tpu.memory_space<vmem>>) dst(%dma_wait3A_137 : memref<128x128xf32, #tpu.memory_space<hbm>>)
      tpu.yield
    }) : () -> ()
    return
  }
}

module attributes {stable_mosaic.version = 14 : i64} {
  func.func @_tc_dinv_m1_body(%arg0: i32, %arg1: memref<2x1000x128xf32, #tpu.memory_space<vmem>>, %arg2: memref<1000x128xf32, #tpu.memory_space<vmem>>, %arg3: memref<1000x1xf32, #tpu.memory_space<vmem>>, %arg4: memref<1000x128xf32, #tpu.memory_space<vmem>>) attributes {dimension_semantics = [#tpu.dimension_semantics<arbitrary>], iteration_bounds = array<i64: 10>, scalar_prefetch = 0 : i64, scratch_operands = 0 : i64, tpu.core_type = #tpu.core_type<tc>, window_params = [{transform_indices = @transform_0, window_bounds = array<i64: 2, 1000, 128>}, {transform_indices = @transform_1, window_bounds = array<i64: 1000, 128>}, {transform_indices = @transform_2, window_bounds = array<i64: 1000, 1>}, {transform_indices = @transform_3, window_bounds = array<i64: 1000, 128>}]} {
    %get3A = arith.constant 0 : index
    %get3A_0 = arith.constant 0 : index
    %get3A_1 = arith.constant 0 : index
    %get3A_2 = vector.load %arg1[%get3A, %get3A_0, %get3A_1] : memref<2x1000x128xf32, #tpu.memory_space<vmem>>, vector<1x1000x1xf32>
    %get3A_3 = vector.shape_cast %get3A_2 : vector<1x1000x1xf32> to vector<1000x1xf32>
    %get3A_4 = arith.constant 1 : index
    %get3A_5 = arith.constant 0 : index
    %get3A_6 = arith.constant 0 : index
    %get3A_7 = vector.load %arg1[%get3A_4, %get3A_5, %get3A_6] : memref<2x1000x128xf32, #tpu.memory_space<vmem>>, vector<1x1000x1xf32>
    %get3A_8 = vector.shape_cast %get3A_7 : vector<1x1000x1xf32> to vector<1000x1xf32>
    %add3A = arith.addf %get3A_3, %get3A_8 : vector<1000x1xf32>
    %max3A = arith.constant 1.000000e+00 : f32
    %max3A_9 = vector.broadcast %max3A : f32 to vector<1000x1xf32>
    %max3A_10 = arith.maximumf %add3A, %max3A_9 : vector<1000x1xf32>
    %rsqrt3A = math.rsqrt %max3A_10 : vector<1000x1xf32>
    %swap3A = arith.constant 0 : index
    %swap3A_11 = arith.constant 0 : index
    %swap3A_12 = vector.load %arg3[%swap3A, %swap3A_11] : memref<1000x1xf32, #tpu.memory_space<vmem>>, vector<1000x1xf32>
    tpu.vector_store %arg3[%swap3A, %swap3A_11], %rsqrt3A {strides = array<i32>} : memref<1000x1xf32, #tpu.memory_space<vmem>>, vector<1000x1xf32>,
    %get3A_13 = arith.constant 0 : index
    %get3A_14 = arith.constant 0 : index
    %get3A_15 = vector.load %arg2[%get3A_13, %get3A_14] : memref<1000x128xf32, #tpu.memory_space<vmem>>, vector<1000x128xf32>
    %mul3A = vector.broadcast %rsqrt3A : vector<1000x1xf32> to vector<1000x128xf32>
    %mul3A_16 = arith.mulf %get3A_15, %mul3A : vector<1000x128xf32>
    %swap3A_17 = arith.constant 0 : index
    %swap3A_18 = arith.constant 0 : index
    %swap3A_19 = vector.load %arg4[%swap3A_17, %swap3A_18] : memref<1000x128xf32, #tpu.memory_space<vmem>>, vector<1000x128xf32>
    tpu.vector_store %arg4[%swap3A_17, %swap3A_18], %mul3A_16 {strides = array<i32>} : memref<1000x128xf32, #tpu.memory_space<vmem>>, vector<1000x128xf32>,
    return
  }
  func.func @transform_0(%arg0: i32) -> (i32, i32, i32) {
    %c0_i32 = arith.constant 0 : i32
    %c0_i32_0 = arith.constant 0 : i32
    %c0_i32_1 = arith.constant 0 : i32
    return %c0_i32, %arg0, %c0_i32_0 : i32, i32, i32
  }
  func.func @transform_1(%arg0: i32) -> (i32, i32) {
    %c0_i32 = arith.constant 0 : i32
    %c0_i32_0 = arith.constant 0 : i32
    return %arg0, %c0_i32 : i32, i32
  }
  func.func @transform_2(%arg0: i32) -> (i32, i32) {
    %c0_i32 = arith.constant 0 : i32
    %c0_i32_0 = arith.constant 0 : i32
    return %arg0, %c0_i32 : i32, i32
  }
  func.func @transform_3(%arg0: i32) -> (i32, i32) {
    %c0_i32 = arith.constant 0 : i32
    %c0_i32_0 = arith.constant 0 : i32
    return %arg0, %c0_i32 : i32, i32
  }
}

module attributes {stable_mosaic.version = 14 : i64} {
  func.func @_tc_f1_m2_body(%arg0: i32, %arg1: memref<1000x128xf32, #tpu.memory_space<vmem>>, %arg2: memref<1000x1xf32, #tpu.memory_space<vmem>>, %arg3: memref<2x1000x128xf32, #tpu.memory_space<vmem>>, %arg4: memref<3x128xf32, #tpu.memory_space<vmem>>, %arg5: memref<1000x128xf32, #tpu.memory_space<vmem>>, %arg6: memref<1000x128xf32, #tpu.memory_space<vmem>>) attributes {dimension_semantics = [#tpu.dimension_semantics<arbitrary>], iteration_bounds = array<i64: 10>, scalar_prefetch = 0 : i64, scratch_operands = 0 : i64, tpu.core_type = #tpu.core_type<tc>, window_params = [{transform_indices = @transform_0, window_bounds = array<i64: 1000, 128>}, {transform_indices = @transform_1, window_bounds = array<i64: 1000, 1>}, {transform_indices = @transform_2, window_bounds = array<i64: 2, 1000, 128>}, {pipeline_mode = #tpu.pipeline_mode<synchronous>, transform_indices = @transform_3, window_bounds = array<i64: 3, 128>}, {transform_indices = @transform_4, window_bounds = array<i64: 1000, 128>}, {transform_indices = @transform_5, window_bounds = array<i64: 1000, 128>}]} {
    %get3A = arith.constant 0 : index
    %get3A_0 = arith.constant 0 : index
    %get3A_1 = arith.constant 0 : index
    %get3A_2 = vector.load %arg3[%get3A, %get3A_0, %get3A_1] : memref<2x1000x128xf32, #tpu.memory_space<vmem>>, vector<1x1000x128xf32>
    %get3A_3 = vector.shape_cast %get3A_2 : vector<1x1000x128xf32> to vector<1000x128xf32>
    %get3A_4 = arith.constant 1 : index
    %get3A_5 = arith.constant 0 : index
    %get3A_6 = arith.constant 0 : index
    %get3A_7 = vector.load %arg3[%get3A_4, %get3A_5, %get3A_6] : memref<2x1000x128xf32, #tpu.memory_space<vmem>>, vector<1x1000x128xf32>
    %get3A_8 = vector.shape_cast %get3A_7 : vector<1x1000x128xf32> to vector<1000x128xf32>
    %add3A = arith.addf %get3A_3, %get3A_8 : vector<1000x128xf32>
    %get3A_9 = arith.constant 0 : index
    %get3A_10 = arith.constant 0 : index
    %get3A_11 = vector.load %arg2[%get3A_9, %get3A_10] : memref<1000x1xf32, #tpu.memory_space<vmem>>, vector<1000x1xf32>
    %get3A_12 = arith.constant 0 : index
    %get3A_13 = arith.constant 0 : index
    %get3A_14 = vector.load %arg1[%get3A_12, %get3A_13] : memref<1000x128xf32, #tpu.memory_space<vmem>>, vector<1000x128xf32>
    %mul3A = vector.broadcast %get3A_11 : vector<1000x1xf32> to vector<1000x128xf32>
    %mul3A_15 = arith.mulf %add3A, %mul3A : vector<1000x128xf32>
    %get3A_16 = arith.constant 1 : index
    %get3A_17 = arith.constant 0 : index
    %get3A_18 = vector.load %arg4[%get3A_16, %get3A_17] : memref<3x128xf32, #tpu.memory_space<vmem>>, vector<1x128xf32>
    %mul3A_19 = vector.broadcast %get3A_18 : vector<1x128xf32> to vector<1000x128xf32>
    %mul3A_20 = arith.mulf %mul3A_15, %mul3A_19 : vector<1000x128xf32>
    %sub3A = arith.subf %get3A_14, %mul3A_20 : vector<1000x128xf32>
    %swap3A = arith.constant 0 : index
    %swap3A_21 = arith.constant 0 : index
    %swap3A_22 = vector.load %arg5[%swap3A, %swap3A_21] : memref<1000x128xf32, #tpu.memory_space<vmem>>, vector<1000x128xf32>
    tpu.vector_store %arg5[%swap3A, %swap3A_21], %sub3A {strides = array<i32>} : memref<1000x128xf32, #tpu.memory_space<vmem>>, vector<1000x128xf32>,
    %mul3A_23 = vector.broadcast %get3A_11 : vector<1000x1xf32> to vector<1000x128xf32>
    %mul3A_24 = arith.mulf %sub3A, %mul3A_23 : vector<1000x128xf32>
    %swap3A_25 = arith.constant 0 : index
    %swap3A_26 = arith.constant 0 : index
    %swap3A_27 = vector.load %arg6[%swap3A_25, %swap3A_26] : memref<1000x128xf32, #tpu.memory_space<vmem>>, vector<1000x128xf32>
    tpu.vector_store %arg6[%swap3A_25, %swap3A_26], %mul3A_24 {strides = array<i32>} : memref<1000x128xf32, #tpu.memory_space<vmem>>, vector<1000x128xf32>,
    return
  }
  func.func @transform_0(%arg0: i32) -> (i32, i32) {
    %c0_i32 = arith.constant 0 : i32
    %c0_i32_0 = arith.constant 0 : i32
    return %arg0, %c0_i32 : i32, i32
  }
  func.func @transform_1(%arg0: i32) -> (i32, i32) {
    %c0_i32 = arith.constant 0 : i32
    %c0_i32_0 = arith.constant 0 : i32
    return %arg0, %c0_i32 : i32, i32
  }
  func.func @transform_2(%arg0: i32) -> (i32, i32, i32) {
    %c0_i32 = arith.constant 0 : i32
    %c0_i32_0 = arith.constant 0 : i32
    %c0_i32_1 = arith.constant 0 : i32
    return %c0_i32, %arg0, %c0_i32_0 : i32, i32, i32
  }
  func.func @transform_3(%arg0: i32) -> (i32, i32) {
    %c0_i32 = arith.constant 0 : i32
    %c0_i32_0 = arith.constant 0 : i32
    %c0_i32_1 = arith.constant 0 : i32
    return %c0_i32, %c0_i32_0 : i32, i32
  }
  func.func @transform_4(%arg0: i32) -> (i32, i32) {
    %c0_i32 = arith.constant 0 : i32
    %c0_i32_0 = arith.constant 0 : i32
    return %arg0, %c0_i32 : i32, i32
  }
  func.func @transform_5(%arg0: i32) -> (i32, i32) {
    %c0_i32 = arith.constant 0 : i32
    %c0_i32_0 = arith.constant 0 : i32
    return %arg0, %c0_i32 : i32, i32
  }
}

module attributes {stable_mosaic.version = 14 : i64} {
  func.func @_tc_final_body(%arg0: i32, %arg1: memref<1000x128xf32, #tpu.memory_space<vmem>>, %arg2: memref<1000x1xf32, #tpu.memory_space<vmem>>, %arg3: memref<1000x128xf32, #tpu.memory_space<vmem>>, %arg4: memref<2x1000x128xf32, #tpu.memory_space<vmem>>, %arg5: memref<3x128xf32, #tpu.memory_space<vmem>>, %arg6: memref<128x128xf32, #tpu.memory_space<vmem>>, %arg7: memref<1x128xf32, #tpu.memory_space<vmem>>, %arg8: memref<1000x128xf32, #tpu.memory_space<vmem>>) attributes {dimension_semantics = [#tpu.dimension_semantics<arbitrary>], iteration_bounds = array<i64: 10>, scalar_prefetch = 0 : i64, scratch_operands = 0 : i64, tpu.core_type = #tpu.core_type<tc>, window_params = [{transform_indices = @transform_0, window_bounds = array<i64: 1000, 128>}, {transform_indices = @transform_1, window_bounds = array<i64: 1000, 1>}, {transform_indices = @transform_2, window_bounds = array<i64: 1000, 128>}, {transform_indices = @transform_3, window_bounds = array<i64: 2, 1000, 128>}, {pipeline_mode = #tpu.pipeline_mode<synchronous>, transform_indices = @transform_4, window_bounds = array<i64: 3, 128>}, {pipeline_mode = #tpu.pipeline_mode<synchronous>, transform_indices = @transform_5, window_bounds = array<i64: 128, 128>}, {pipeline_mode = #tpu.pipeline_mode<synchronous>, transform_indices = @transform_6, window_bounds = array<i64: 1, 128>}, {transform_indices = @transform_7, window_bounds = array<i64: 1000, 128>}]} {
    %get3A = arith.constant 0 : index
    %get3A_0 = arith.constant 0 : index
    %get3A_1 = arith.constant 0 : index
    %get3A_2 = vector.load %arg4[%get3A, %get3A_0, %get3A_1] : memref<2x1000x128xf32, #tpu.memory_space<vmem>>, vector<1x1000x128xf32>
    %get3A_3 = vector.shape_cast %get3A_2 : vector<1x1000x128xf32> to vector<1000x128xf32>
    %get3A_4 = arith.constant 1 : index
    %get3A_5 = arith.constant 0 : index
    %get3A_6 = arith.constant 0 : index
    %get3A_7 = vector.load %arg4[%get3A_4, %get3A_5, %get3A_6] : memref<2x1000x128xf32, #tpu.memory_space<vmem>>, vector<1x1000x128xf32>
    %get3A_8 = vector.shape_cast %get3A_7 : vector<1x1000x128xf32> to vector<1000x128xf32>
    %add3A = arith.addf %get3A_3, %get3A_8 : vector<1000x128xf32>
    %get3A_9 = arith.constant 0 : index
    %get3A_10 = arith.constant 0 : index
    %get3A_11 = vector.load %arg2[%get3A_9, %get3A_10] : memref<1000x1xf32, #tpu.memory_space<vmem>>, vector<1000x1xf32>
    %get3A_12 = arith.constant 0 : index
    %get3A_13 = arith.constant 0 : index
    %get3A_14 = vector.load %arg3[%get3A_12, %get3A_13] : memref<1000x128xf32, #tpu.memory_space<vmem>>, vector<1000x128xf32>
    %mul3A = vector.broadcast %get3A_11 : vector<1000x1xf32> to vector<1000x128xf32>
    %mul3A_15 = arith.mulf %add3A, %mul3A : vector<1000x128xf32>
    %get3A_16 = arith.constant 2 : index
    %get3A_17 = arith.constant 0 : index
    %get3A_18 = vector.load %arg5[%get3A_16, %get3A_17] : memref<3x128xf32, #tpu.memory_space<vmem>>, vector<1x128xf32>
    %mul3A_19 = vector.broadcast %get3A_18 : vector<1x128xf32> to vector<1000x128xf32>
    %mul3A_20 = arith.mulf %mul3A_15, %mul3A_19 : vector<1000x128xf32>
    %sub3A = arith.subf %get3A_14, %mul3A_20 : vector<1000x128xf32>
    %get3A_21 = arith.constant 0 : index
    %get3A_22 = arith.constant 0 : index
    %get3A_23 = vector.load %arg1[%get3A_21, %get3A_22] : memref<1000x128xf32, #tpu.memory_space<vmem>>, vector<1000x128xf32>
    %mul3A_24 = arith.constant 5.000000e-01 : f32
    %mul3A_25 = vector.broadcast %mul3A_24 : f32 to vector<1000x128xf32>
    %mul3A_26 = arith.mulf %mul3A_25, %get3A_23 : vector<1000x128xf32>
    %get3A_27 = arith.constant 0 : index
    %get3A_28 = arith.constant 0 : index
    %get3A_29 = vector.load %arg5[%get3A_27, %get3A_28] : memref<3x128xf32, #tpu.memory_space<vmem>>, vector<1x128xf32>
    %mul3A_30 = vector.broadcast %get3A_29 : vector<1x128xf32> to vector<1000x128xf32>
    %mul3A_31 = arith.mulf %mul3A_26, %mul3A_30 : vector<1000x128xf32>
    %get3A_32 = arith.constant 0 : index
    %get3A_33 = arith.constant 0 : index
    %get3A_34 = vector.load %arg6[%get3A_32, %get3A_33] : memref<128x128xf32, #tpu.memory_space<vmem>>, vector<128x128xf32>
    %dot_general3A = arith.constant dense<0.000000e+00> : vector<1000x128xf32>
    %dot_general3A_35 = tpu.matmul %mul3A_31, %get3A_34, %dot_general3A {dimension_numbers = #tpu.dot_dimension_numbers<[1], [1], [0], [0], [0, 0, 1, 0], [], []>, precision = #tpu.contract_precision<fp32>, transpose_lhs_hint = false} : vector<1000x128xf32>, vector<128x128xf32>, vector<1000x128xf32> -> vector<1000x128xf32>
    %get3A_36 = arith.constant 0 : index
    %get3A_37 = arith.constant 0 : index
    %get3A_38 = vector.load %arg7[%get3A_36, %get3A_37] : memref<1x128xf32, #tpu.memory_space<vmem>>, vector<1x128xf32>
    %add3A_39 = vector.broadcast %get3A_38 : vector<1x128xf32> to vector<1000x128xf32>
    %add3A_40 = arith.addf %dot_general3A_35, %add3A_39 : vector<1000x128xf32>
    %mul3A_41 = arith.constant 5.000000e-01 : f32
    %mul3A_42 = vector.broadcast %mul3A_41 : f32 to vector<1000x128xf32>
    %mul3A_43 = arith.mulf %mul3A_42, %get3A_14 : vector<1000x128xf32>
    %add3A_44 = arith.addf %add3A_40, %mul3A_43 : vector<1000x128xf32>
    %mul3A_45 = arith.constant 5.000000e-01 : f32
    %mul3A_46 = vector.broadcast %mul3A_45 : f32 to vector<1000x128xf32>
    %mul3A_47 = arith.mulf %mul3A_46, %sub3A : vector<1000x128xf32>
    %add3A_48 = arith.addf %add3A_44, %mul3A_47 : vector<1000x128xf32>
    %swap3A = arith.constant 0 : index
    %swap3A_49 = arith.constant 0 : index
    %swap3A_50 = vector.load %arg8[%swap3A, %swap3A_49] : memref<1000x128xf32, #tpu.memory_space<vmem>>, vector<1000x128xf32>
    tpu.vector_store %arg8[%swap3A, %swap3A_49], %add3A_48 {strides = array<i32>} : memref<1000x128xf32, #tpu.memory_space<vmem>>, vector<1000x128xf32>,
    return
  }
  func.func @transform_0(%arg0: i32) -> (i32, i32) {
    %c0_i32 = arith.constant 0 : i32
    %c0_i32_0 = arith.constant 0 : i32
    return %arg0, %c0_i32 : i32, i32
  }
  func.func @transform_1(%arg0: i32) -> (i32, i32) {
    %c0_i32 = arith.constant 0 : i32
    %c0_i32_0 = arith.constant 0 : i32
    return %arg0, %c0_i32 : i32, i32
  }
  func.func @transform_2(%arg0: i32) -> (i32, i32) {
    %c0_i32 = arith.constant 0 : i32
    %c0_i32_0 = arith.constant 0 : i32
    return %arg0, %c0_i32 : i32, i32
  }
  func.func @transform_3(%arg0: i32) -> (i32, i32, i32) {
    %c0_i32 = arith.constant 0 : i32
    %c0_i32_0 = arith.constant 0 : i32
    %c0_i32_1 = arith.constant 0 : i32
    return %c0_i32, %arg0, %c0_i32_0 : i32, i32, i32
  }
  func.func @transform_4(%arg0: i32) -> (i32, i32) {
    %c0_i32 = arith.constant 0 : i32
    %c0_i32_0 = arith.constant 0 : i32
    %c0_i32_1 = arith.constant 0 : i32
    return %c0_i32, %c0_i32_0 : i32, i32
  }
  func.func @transform_5(%arg0: i32) -> (i32, i32) {
    %c0_i32 = arith.constant 0 : i32
    %c0_i32_0 = arith.constant 0 : i32
    %c0_i32_1 = arith.constant 0 : i32
    return %c0_i32, %c0_i32_0 : i32, i32
  }
  func.func @transform_6(%arg0: i32) -> (i32, i32) {
    %c0_i32 = arith.constant 0 : i32
    %c0_i32_0 = arith.constant 0 : i32
    %c0_i32_1 = arith.constant 0 : i32
    return %c0_i32, %c0_i32_0 : i32, i32
  }
  func.func @transform_7(%arg0: i32) -> (i32, i32) {
    %c0_i32 = arith.constant 0 : i32
    %c0_i32_0 = arith.constant 0 : i32
    return %arg0, %c0_i32 : i32, i32
  }
}

</mosaic_0001>

<sc_bundles>
// kernel: kernel.11.cloned.1.call-start
scs
__scs_entry_jumppad:
0x0: {  	(pc) =	sbr.rel $0x88, $3  }
0x1: {  	(tag) =	ssettag $0x0;
	lr =	simm.s32 $0x1  }
0x2: {  	[smem:$0x3F9C] =	sst lr;
	_ =	strace $0xD0000000  }
0x3: {  	_ = 	snop  }
0x4: {  	_ = 	snop  }
0x5: {  	_ = 	snop  }
0x6: {  	_ = 	snop  }
0x7: {  	_ = 	snop  }
__scs_overlays_trampoline_lowered:
0x8: {  	[smem:$0x3FAB] =	sst s0  }
0x9: {  	[smem:$0x3FAC] =	sst s1  }
0xa: {  	[smem:$0x3FAD] =	sst s2  }
0xb: {  	[smem:$0x3FAE] =	sst s3  }
0xc: {  	[smem:$0x3FAF] =	sst s4  }
0xd: {  	[smem:$0x3FB0] =	sst s5  }
0xe: {  	[smem:$0x3FB1] =	sst s6  }
0xf: {  	[smem:$0x3FB2] =	sst s7  }
0x10: {  	[smem:$0x3FB3] =	sst s8  }
0x11: {  	[smem:$0x3FB4] =	sst s9;
	s0 =	simm.s32 @!p0 $0x0  }
0x12: {  	s1 =	sld [smem:$0x3F9A];
	s0 =	simm.s32 @p0 $0x1  }
0x13: {  	[smem:$0x3FB5] =	sst s0;
	s0 =	simm.s32 @!p1 $0x0  }
0x14: {  	s2 =	sld [smem:$0x3F99];
	s0 =	simm.s32 @p1 $0x1  }
0x15: {  	[smem:$0x3FB6] =	sst s0;
	s0 =	simm.s32 @!p2 $0x0  }
0x16: {  	s3 =	sld [smem:$0x3FDB];
	s0 =	simm.s32 @p2 $0x1  }
0x17: {  	s4 =	simm.s32 $0x1BF5;
	[smem:$0x3FB8] =	sst s0  }
0x18: {  	s0 =	sld [smem:$0x3F9B];
	_ =	swait.ge [sflag:s4], $0x0  }
0x19: {  	s7 =	sld [smem:$0x3F9C]  }
0x1a: {  	s8 =	sadd.s32 $0xFFFFE003, lr  }
0x1b: {  	s9 =	sadd.s32 $0xFFFFFEF7, lr;
	s5 =	simm.s32 $0xFFFFFFFF;
	p2 =	slt.u32 s8, $0xFFFFF086  }
0x1c: {  	p1 =	slt.u32 s9, $0xF7A;
	s5 =	simm.s32 @!p2 $0x0  }
0x1d: {  	s5 =	simm.s32 @p1 $0x1;
	p0 =	seq.s32 s7, s2  }
0x1e: {  	s7 =	smul.u32 @!p0 $0xF7A, s2;
	p2 =	seq.s32 @!p0 s5, $0x0  }
0x1f: {  	s9 =	smul.u32 $0xF7A, s1;
	s8 =	simm.s32 @!p0 $0x1BF5;
	p2 =	por !p2, p0  }
0x20: {  	[sflag:s8] =	ssyncset.s32 @!p0 $0xFFFFF086;
	s6 =	sadd.s32 @!p0 s3, s7;
	s7 =	simm.s32 @!p0 $0x108  }
0x21: {  	s3 =	sadd.s32 s3, s9;
	s6 =	sadd.s32 @!p0 $0x88, s6;
	s7 =	simm.s32 @p2 $0x1082  }
0x22: {  	[simem:s7], [sflag:s8] =	dma.local @!p0 [hbm:s6], $0xF7A  }
0x23: {  	s9 =	sor.u32 $0xD0000000, s2;
	s6 =	simm.s32 $0x108;
	_ =	swait.ge @!p0 [sflag:s8], $0x0  }
0x24: {  	s3 =	sadd.s32 $0x88, s3;
	s6 =	simm.s32 @!p1 $0x1082;
	[sflag:s4] =	ssyncset.s32 $0xFFFFF086  }
0x25: {  	[simem:s6], [sflag:s4] =	dma.local [hbm:s3], $0xF7A  }
0x26: {  	[smem:$0x3F9C] =	sst s1;
	(tag) =	ssettag s2;
	_ =	strace s9  }
0x27: {  	s1 =	sld [smem:$0x3FAC]  }
0x28: {  	s2 =	sld [smem:$0x3FAD]  }
0x29: {  	s4 =	sld [smem:$0x3FAF]  }
0x2a: {  	p0 =	seq.s32 s5, $0x0;
	s5 =	sld [smem:$0x3FB0]  }
0x2b: {  	s6 =	sld [smem:$0x3FB1]  }
0x2c: {  	s7 =	sld [smem:$0x3FB2]  }
0x2d: {  	s3 =	simm.s32 $0x108;
	s8 =	sld [smem:$0x3FB3]  }
0x2e: {  	s3 =	simm.s32 @!p0 $0x1082;
	s9 =	sld [smem:$0x3FB4]  }
0x2f: {  	lr =	sadd.s32 s0, s3;
	s0 =	sld [smem:$0x3FAB]  }
0x30: {  	s3 =	sld [smem:$0x3FAE]  }
0x31: {  	[smem:$0x3FB7] =	sst s10  }
0x32: {  	s10 =	sld [smem:$0x3FB5];
	_ =	sdelay $0x3  }
0x33: {  	p0 =	seq.s32 s10, $0x1;
	s10 =	sld [smem:$0x3FB7];
	_ =	sdelay $0x3  }
0x34: {  	[smem:$0x3FB7] =	sst s10  }
0x35: {  	s10 =	sld [smem:$0x3FB6];
	_ =	sdelay $0x3  }
0x36: {  	p1 =	seq.s32 s10, $0x1;
	s10 =	sld [smem:$0x3FB7];
	_ =	sdelay $0x3  }
0x37: {  	[smem:$0x3FB7] =	sst s10  }
0x38: {  	s10 =	sld [smem:$0x3FB8]  }
0x39: {  	_ = 	snop;
	(pc) =	sbr.ind lr, $3  }
0x3a: {  	_ = 	snop  }
0x3b: {  	_ = 	snop  }
0x3c: {  	p2 =	seq.s32 s10, $0x1;
	s10 =	sld [smem:$0x3FB7]  }
0x3d: {  	_ =	shalt  }
0x3e: {  	_ =	shalt  }
0x3f: {  	_ =	shalt  }
0x40: {  	_ =	shalt  }
0x41: {  	_ =	shalt  }
0x42: {  	_ =	shalt  }
0x43: {  	_ =	shalt  }
0x44: {  	_ =	shalt  }
0x45: {  	_ =	shalt  }
0x46: {  	_ =	shalt  }
0x47: {  	_ =	shalt  }
0x48: {  	_ =	shalt  }
0x49: {  	_ =	shalt  }
0x4a: {  	_ =	shalt  }
0x4b: {  	_ =	shalt  }
0x4c: {  	_ =	shalt  }
0x4d: {  	_ =	shalt  }
0x4e: {  	_ =	shalt  }
0x4f: {  	_ =	shalt  }
0x50: {  	_ =	shalt  }
0x51: {  	_ =	shalt  }
0x52: {  	_ =	shalt  }
0x53: {  	_ =	shalt  }
0x54: {  	_ =	shalt  }
0x55: {  	_ =	shalt  }
0x56: {  	_ =	shalt  }
0x57: {  	_ =	shalt  }
0x58: {  	_ =	shalt  }
0x59: {  	_ =	shalt  }
0x5a: {  	_ =	shalt  }
0x5b: {  	_ =	shalt  }
0x5c: {  	_ =	shalt  }
0x5d: {  	_ =	shalt  }
0x5e: {  	_ =	shalt  }
0x5f: {  	_ =	shalt  }
0x60: {  	_ =	shalt  }
0x61: {  	_ =	shalt  }
0x62: {  	_ =	shalt  }
0x63: {  	_ =	shalt  }
0x64: {  	_ =	shalt  }
0x65: {  	_ =	shalt  }
0x66: {  	_ =	shalt  }
0x67: {  	_ =	shalt  }
0x68: {  	_ =	shalt  }
0x69: {  	_ =	shalt  }
0x6a: {  	_ =	shalt  }
0x6b: {  	_ =	shalt  }
0x6c: {  	_ =	shalt  }
0x6d: {  	_ =	shalt  }
0x6e: {  	_ =	shalt  }
0x6f: {  	_ =	shalt  }
0x70: {  	_ =	shalt  }
0x71: {  	_ =	shalt  }
0x72: {  	_ =	shalt  }
0x73: {  	_ =	shalt  }
0x74: {  	_ =	shalt  }
0x75: {  	_ =	shalt  }
0x76: {  	_ =	shalt  }
0x77: {  	_ =	shalt  }
0x78: {  	_ =	shalt  }
0x79: {  	_ =	shalt  }
0x7a: {  	_ =	shalt  }
0x7b: {  	_ =	shalt  }
0x7c: {  	_ =	shalt  }
0x7d: {  	_ =	shalt  }
0x7e: {  	_ =	shalt  }
0x7f: {  	_ =	shalt  }
0x80: {  	_ =	shalt  }
0x81: {  	_ =	shalt  }
0x82: {  	_ =	shalt  }
0x83: {  	_ =	shalt  }
0x84: {  	_ =	shalt  }
0x85: {  	_ =	shalt  }
0x86: {  	_ =	shalt  }
0x87: {  	_ =	shalt  }
.Lfunc_end0:
.L_simem_size_0:
called_computation.1_lowered:
.L_overlay_start_0:
0x88: {  	s2 =	sld [smem:$0x3FD9]  }
0x89: {  	s3 =	sld [smem:$0x3FFE];
	_ =	sdelay $0x1  }
0x8a: {  	s1 =	srdreg.scid  }
0x8b: {  	s0 =	sand.u32 $0x1, s1  }
0x8c: {  	s17 =	sshll.u32 s0, $0xA;
	s2 =	sadd.s32 s3, s2  }
0x8d: {  	s2 =	sadd.s32 s2, s17  }
0x8e: {  	[smem:$0x3FC3] =	sst s2  }
0x8f: {  	_ = 	snop  }
0x90: {  	s2 =	sld [smem:$0x3FD0];
	(tm) =	ssettm $0x1  }
0x91: {  	s18 =	sld [smem:$0x3FFB];
	_ =	sdelay $0x3  }
0x92: {  	_ =	strace s18  }
0x93: {  	s3 =	sld [smem:$0x3FFC];
	_ =	sdelay $0x3  }
0x94: {  	_ =	strace s3  }
0x95: {  	s3 =	sld [smem:$0x3FFD];
	_ =	sdelay $0x3  }
0x96: {  	_ =	strace s3  }
0x97: {  	_ =	strace $0x8FFFFFFF  }
0x98: {  	s19 =	sld [smem:$0x3FDB];
	_ =	sdelay $0x1  }
0x99: {  	s4 =	simm.s32 $_scs_section_size  }
0x9a: {  	s5 =	simm.s32 $_size__tile_overlayer_lowered;
	s6 =	simm.s32 $_tile_overlayer_lowered  }
0x9b: {  	s22 =	simm.s32 $0x1BFF;
	s21 =	sshll.u32 s6, $0x1;
	s3 =	sadd.s32 s4, s19  }
0x9c: {  	s7 =	simm.s32 $0x0;
	s20 =	sshll.u32 s5, $0x1;
	s5 =	sadd.s32 s21, s3  }
0x9d: {  	[timem:s7], [sflag:s22] =	dma.local [hbm:s5], s20  }
0x9e: {  	_ =	swait.ge [sflag:s22], s20  }
0x9f: {  	s4 =	ssub.s32 $0x0, s20;
	[sflag:s22] =	ssyncset.done $0x0  }
0xa0: {  	[sflag:s22] =	ssyncadd.s32 s4;
	_ =	sdelay $0x1  }
0xa1: {  	s23 =	simm.s32 $0x1B8B  }
0xa2: {  	_ =	swait.ge [sflag:s23], $0x1  }
0xa3: {  	[sflag:s23] =	ssyncset.done $0x0  }
0xa4: {  	s25 =	simm.s32 $0x1B8E;
	s24 =	sld [smem:$0x3FFE];
	[sflag:s23] =	ssyncadd.s32 $0xFFFFFFFF  }
0xa5: {  	s26 =	simm.s32 $execute0_lowered;
	[smem:$0x3FD2] =	sst s25  }
0xa6: {  	s5 =	sshll.u32 s26, $0x1;
	_ =	strace $0x80000049;
	[dreg:$0x1] =	wrdreg $0xFFFFFFFF  }
0xa7: {  	s28 =	simm.s32 $_size_execute0_lowered;
	s3 =	sadd.s32 s3, s5;
	[dreg:$0x0] =	wrdreg $0x0  }
0xa8: {  	s5 =	sshll.u32 s28, $0x1;
	[dreg:$0x2] =	wrdreg s3  }
0xa9: {  	[dreg:$0x3] =	wrdreg s5  }
0xaa: {  	[dreg:$0x4] =	wrdreg $0xC0  }
0xab: {  	_ =	task [dreg:s7], $0x5FFFF  }
0xac: {  	[dreg:$0x1] =	wrdreg $0xFFFFFFFF  }
0xad: {  	[dreg:$0x0] =	wrdreg $0x60  }
0xae: {  	[dreg:$0x2] =	wrdreg s2  }
0xaf: {  	[dreg:$0x3] =	wrdreg s24  }
0xb0: {  	[dreg:$0x4] =	wrdreg $0xA0000  }
0xb1: {  	[dreg:$0x5] =	wrdreg $0x9  }
0xb2: {  	_ =	task.clear_ibuf [dreg:s7], $0x6FFFF;
	_ =	strace $0x90000049  }
0xb3: {  	s29 =	simm.s32 $0x9;
	_ =	strace $0x8000004B  }
0xb4: {  	_ =	swait.ge [sflag:s29], $0x1  }
0xb5: {  	[sflag:s29] =	ssyncadd.s32 $0xFFFFFFFF  }
0xb6: {  	_ =	strace $0x9000004B  }
0xb7: {  	_ =	sfence  }
0xb8: {  	s30 =	sld [smem:$0x0];
	_ =	sdelay $0x2  }
0xb9: {  	s31 =	sshll.u32 s1, $0xD;
	s1 =	sshrl.u32 s1, $0x2  }
0xba: {  	s3 =	sand.u32 $0x4000, s31;
	s1 =	sadd.s32 s1, s30  }
0xbb: {  	s0 =	sor.u32 s3, s0;
	s1 =	sshll.u32 s1, $0x11  }
0xbc: {  	s0 =	sor.u32 s1, s0  }
0xbd: {  	s0 =	sadd.s32 $0x8F2B, s0  }
0xbe: {  	[sflag:s0] =	ssyncadd.remote.s32 $0x1  }
0xbf: {  	_ =	sfence.sel $0xFFFF  }
0xc0: {  	[dreg:$0x0] =	wrdreg $0xFFFFFFFF;
	(pc) =	sbr.abs _section_cstart, $3  }
0xc1: {  	[dreg:$0x1] =	wrdreg $0xFFFFFFFF  }
0xc2: {  	_ =	task.clear_ibuf [dreg:s7], $0x2FFFF;
	_ =	strace $0x9FFFFFFF  }
0xc3: {  	(tm) =	ssettm $0x7FFFFFFF  }
tec
execute0_lowered:
.L_overlay_start_1:
0x0: {  	(tag) =	ssettag $0x1  }
0x1: {  	s1 =	rddreg [dreg:$0x0]  }
0x2: {  	s0 =	rddreg [dreg:$0x1];
	s2 =	srdreg.scid  }
0x3: {  	s7 =	stileid.u32;
	s3 =	rddreg [dreg:$0x2]  }
0x4: {  	s4 =	simm.s32 $0x0;
	s21 =	simm.s32 $0x3;
	s23 =	simm.s32 $0x80  }
0x5: {  	s24 =	simm.s32 $0x1;
	s25 =	simm.s32 $0x6000;
	s28 =	simm.s32 $0x0  }
0x6: {  	s2 =	sand.u32 $0x1, s2;
	s5 =	smul.u32 $0x280, s7;
	[smem:$0x7FF] =	sst s4  }
0x7: {  	s19 =	sadd.s32 $0x5BA00, s0;
	s26 =	smul.u32 $0x50000, s7;
	s18 =	sadd.s32 $0x1A00, s0  }
0x8: {  	s6 =	smul.u32 $0x2800, s2;
	s29 =	ssub.s32 $0x0, s2;
	s2 =	ssub.s32 $0x2, s2  }
0x9: {  	s7 =	smul.u32 $0x5000, s7;
	_ =	strace $0x8000004A;
	s8 =	sshrl.u32 s2, $0x1  }
0xa: {  	s9 =	sand.u32 $0x2800, s29;
	s5 =	sadd.s32 s5, s6;
	s6 =	sshrl.u32 s26, $0x2  }
0xb: {  	s2 =	ssub.s32 s2, s8;
	s14 =	sadd.s32 s7, s9;
	s26 =	simm.s32 $0x2  }
0xc: {  	s5 =	sshll.u32 s5, $0x4;
	s11 =	sshrl.u32 s14, $0x3;
	s16 =	sadd.s32 $0x800, s14  }
0xd: {  	s17 =	smax.u32 s2, $0x1;
	s0 =	sadd.s32 s5, s0;
	s5 =	sadd.s32 s6, s3  }
0xe: {  	s10 =	sadd.s32 s19, s11;
	s30 =	sadd.s32 s18, s11;
	s20 =	sshrl.u32 s16, $0x3  }
0xf: {  	s6 =	sadd.s32 $0x4000, s5;
	s7 =	sadd.s32 $0x8000, s5;
	[dreg:$0x4] =	wrdreg s10  }
0x10: {  	s8 =	sadd.s32 $0xC000, s5;
	s9 =	sadd.s32 $0x10000, s5;
	[dreg:$0x5] =	wrdreg s30  }
0x11: {  	s31 =	sadd.s32 $0xBA00, s0;
	s13 =	sadd.s32 $0xC200, s0;
	s14 =	sadd.s32 $0xCA00, s0  }
0x12: {  	s15 =	sadd.s32 $0xD200, s0;
	s16 =	sadd.s32 $0xDA00, s0;
	s18 =	sadd.s32 s20, s18  }
0x13: {  	v0 =	vimm.f32 $0.0e+00;
	s19 =	sadd.s32 s20, s19;
	s20 =	simm.s32 $0x2000;
	[dreg:$0x6] =	wrdreg s31  }
.LBB2_1:
0x14: {  	s0 =	simm.s32 $0x0;
	s2 =	simm.s32 $0x200  }
.LBB2_2:
0x15: {  	p0 =	sne.s32 s2, $0xFE00;
	[tilespmem:s0+$0x2070] =	vst v0  }
0x16: {  	[tilespmem:s0+$0x2000] =	vst v0  }
0x17: {  	[tilespmem:s0+$0x2010] =	vst v0  }
.Ltmp0:
0x18: {  	[tilespmem:s0+$0x2020] =	vst v0;
	(pc) =	sbr.rel @p0 .LBB2_2-.Ltmp0, $4  }
0x19: {  	[tilespmem:s0+$0x2030] =	vst v0  }
0x1a: {  	[tilespmem:s0+$0x2040] =	vst v0  }
0x1b: {  	[tilespmem:s0+$0x2050] =	vst v0  }
0x1c: {  	[tilespmem:s0+$0x2060] =	vst v0;
	s0 =	sshra.s32 s2, $0x2;
	s2 =	sadd.s32 $0x200, s2  }
0x1d: {  	[tilespmem:s0+$0x2070] =	vst v0  }
0x1e: {  	[tilespmem:s0+$0x2000] =	vst v0  }
0x1f: {  	[tilespmem:s0+$0x2010] =	vst v0  }
0x20: {  	[tilespmem:s0+$0x2020] =	vst v0  }
0x21: {  	[tilespmem:s0+$0x2030] =	vst v0  }
0x22: {  	[tilespmem:s0+$0x2040] =	vst v0  }
0x23: {  	[tilespmem:s0+$0x2050] =	vst v0  }
0x24: {  	[tilespmem:s0+$0x2060] =	vst v0  }
0x25: {  	[spmem:s5] =	stream.linear.scatter [tilespmem:s20], [sflag:$0x3], $0x4000, $0x38;
	[tilespmem:$0x1E000] =	vst v63  }
0x26: {  	_ =	swait.ge [sflag:s21], $0x4000  }
0x27: {  	[sflag:s21] =	ssyncset.done $0x0  }
0x28: {  	[sflag:s21] =	ssyncadd.s32 $0xFFFFC000  }
0x29: {  	[spmem:s6] =	stream.linear.scatter [tilespmem:s20], [sflag:$0x3], $0x4000, $0x38;
	[tilespmem:$0x1E000] =	vst v63  }
0x2a: {  	_ =	swait.ge [sflag:s21], $0x4000  }
0x2b: {  	[sflag:s21] =	ssyncset.done $0x0  }
0x2c: {  	[sflag:s21] =	ssyncadd.s32 $0xFFFFC000  }
0x2d: {  	[spmem:s7] =	stream.linear.scatter [tilespmem:s20], [sflag:$0x3], $0x4000, $0x38;
	[tilespmem:$0x1E000] =	vst v63  }
0x2e: {  	_ =	swait.ge [sflag:s21], $0x4000  }
0x2f: {  	[sflag:s21] =	ssyncset.done $0x0  }
0x30: {  	[sflag:s21] =	ssyncadd.s32 $0xFFFFC000  }
0x31: {  	[spmem:s8] =	stream.linear.scatter [tilespmem:s20], [sflag:$0x3], $0x4000, $0x38;
	[tilespmem:$0x1E000] =	vst v63  }
0x32: {  	_ =	swait.ge [sflag:s21], $0x4000  }
0x33: {  	[sflag:s21] =	ssyncset.done $0x0  }
0x34: {  	[sflag:s21] =	ssyncadd.s32 $0xFFFFC000  }
0x35: {  	[spmem:s9] =	stream.linear.scatter [tilespmem:s20], [sflag:$0x3], $0x4000, $0x38;
	[tilespmem:$0x1E000] =	vst v63  }
0x36: {  	_ =	swait.ge [sflag:s21], $0x4000  }
0x37: {  	[sflag:s21] =	ssyncset.done $0x0  }
0x38: {  	[sflag:s21] =	ssyncadd.s32 $0xFFFFC000  }
0x39: {  	[bflag:$0x0] =	sbarrier.arrive $0xFFFF  }
0x3a: {  	s0 =	simm.s32 $0x0;
	s2 =	rddreg [dreg:$0x4]  }
0x3b: {  	[tilespmem:s0], [sflag:$0x3] =	stream.linear.gather [hbm4b:s2+s0], $0x800, $0x38;
	[tilespmem:$0x1E000] =	vst v63  }
0x3c: {  	_ =	swait.ge [sflag:s21], $0x800  }
0x3d: {  	[sflag:s21] =	ssyncset.done $0x0  }
0x3e: {  	s10 =	simm.s32 $0x1000;
	s12 =	rddreg [dreg:$0x5];
	[sflag:s21] =	ssyncadd.s32 $0xFFFFF800  }
0x3f: {  	[tilespmem:s10], [sflag:$0x3] =	stream.linear.gather [hbm4b:s12+s0], $0x800, $0x38;
	[tilespmem:$0x1E000] =	vst v63  }
0x40: {  	s22 =	sand.u32 $0x27, s0;
	_ =	swait.ge [sflag:s21], $0x800  }
0x41: {  	p0 =	sne.s32 s22, $0x0;
	[sflag:s21] =	ssyncset.done $0x0  }
0x42: {  	s2 =	sxor.u32 @!p0 $0xFFFFFFFF, s0;
	[sflag:s21] =	ssyncadd.s32 $0xFFFFF800  }
0x43: {  	[tilespmem:s20], [sflag:$0x1] =	stream.indirect.gather [hbm4b:s1+s23], $0x80, s0, s23, $0xb8;
	[tilespmem:$0x1E000] =	vst v63  }
0x44: {  	s22 =	simm.s32 @!p0 $0x3;
	s29 =	simm.s32 @!p0 $0x0;
	s2 =	sand.u32 @!p0 $0x800, s2  }
0x45: {  	[tilespmem:s2], [sflag:$0x3] =	stream.linear.gather @!p0 [hbm4b:s19+s29], $0x800, $0x38;
	[tilespmem:$0x1E000] =	vst v63  }
0x46: {  	_ =	swait.ge @!p0 [sflag:s22], $0x800  }
0x47: {  	[sflag:s22] =	ssyncset.done @!p0 $0x0  }
0x48: {  	s2 =	sor.u32 @!p0 $0x1000, s2;
	[sflag:s22] =	ssyncadd.s32 @!p0 $0xFFFFF800  }
0x49: {  	[tilespmem:s2], [sflag:$0x3] =	stream.linear.gather @!p0 [hbm4b:s18+s29], $0x800, $0x38;
	[tilespmem:$0x1E000] =	vst v63  }
0x4a: {  	_ =	swait.ge @!p0 [sflag:s22], $0x800  }
0x4b: {  	[sflag:s22] =	ssyncset.done @!p0 $0x0  }
0x4c: {  	[sflag:s22] =	ssyncadd.s32 @!p0 $0xFFFFF800  }
0x4d: {  	_ =	swait.ge [sflag:s24], $0x4000  }
0x4e: {  	s2 =	sand.u32 $0xF00, s0;
	s0 =	sand.u32 $0x3C00, s0;
	[sflag:s24] =	ssyncset.done $0x0  }
0x4f: {  	s10 =	sor.u32 $0x80, s2;
	s0 =	sshrl.u32 s0, $0x2;
	[sflag:s24] =	ssyncadd.s32 $0xFFFFC000  }
0x50: {  	[tilespmem:s25], [sflag:$0x2] =	stream.indirect.gather [hbm4b:s1+s23], $0x80, s10, s23, $0xb8;
	[tilespmem:$0x1E000] =	vst v63  }
0x51: {  	s0 =	sor.u32 $0x1000, s0  }
0x52: {  	[spmem:s3] =	stream.indirect.scatter.add.f32 [tilespmem:s20], [sflag:$0x3], $0x80, s0, s23, $0xb8;
	[tilespmem:$0x1E000] =	vst v63  }
0x53: {  	_ =	swait.ge [sflag:s21], $0x4000  }
0x54: {  	[sflag:s21] =	ssyncset.done $0x0  }
0x55: {  	[sflag:s21] =	ssyncadd.s32 $0xFFFFC000  }
0x56: {  	s31 =	sadd.s32 $0x20, s18;
	s29 =	simm.s32 $0x400;
	_ =	swait.ge [sflag:s26], $0x4000  }
0x57: {  	s12 =	simm.s32 $0x1;
	s11 =	sand.u32 $0x3C00, s29;
	[sflag:s26] =	ssyncset.done $0x0  }
0x58: {  	s22 =	sand.u32 $0x27, s12;
	s0 =	sshrl.u32 s11, $0x2;
	[sflag:s26] =	ssyncadd.s32 $0xFFFFC000  }
0x59: {  	[tilespmem:s20], [sflag:$0x1] =	stream.indirect.gather [hbm4b:s1+s23], $0x80, s0, s23, $0xb8;
	[tilespmem:$0x1E000] =	vst v63  }
0x5a: {  	s30 =	simm.s32 $0x100;
	s2 =	sor.u32 $0x1080, s2;
	p1 =	sne.s32 s22, $0x0  }
0x5b: {  	[spmem:s3] =	stream.indirect.scatter.add.f32 [tilespmem:s25], [sflag:$0x3], $0x80, s2, s23, $0xb8;
	[tilespmem:$0x1E000] =	vst v63  }
0x5c: {  	s0 =	simm.s32 $0x2;
	s2 =	sadd.s32 $0x20, s19;
	_ =	swait.ge [sflag:s21], $0x4000  }
.LBB2_4:
0x5d: {  	s22 =	sxor.u32 @!p1 $0xFFFFFFFF, s30  }
0x5e: {  	s10 =	simm.s32 @!p1 $0x3;
	[sflag:s21] =	ssyncset.done $0x0;
	s11 =	smov.u32 s0  }
0x5f: {  	s12 =	simm.s32 @!p1 $0x0;
	s22 =	sand.u32 @!p1 $0x800, s22;
	[sflag:s21] =	ssyncadd.s32 $0xFFFFC000  }
0x60: {  	[tilespmem:s22], [sflag:$0x3] =	stream.linear.gather @!p1 [hbm4b:s2+s12], $0x800, $0x38;
	[tilespmem:$0x1E000] =	vst v63  }
0x61: {  	s0 =	sadd.s32 $0x1, s0;
	s22 =	sor.u32 @!p1 $0x1000, s22;
	_ =	swait.ge @!p1 [sflag:s10], $0x800  }
0x62: {  	p0 =	sne.s32 s0, $0x28;
	[sflag:s10] =	ssyncset.done @!p1 $0x0  }
0x63: {  	[sflag:s10] =	ssyncadd.s32 @!p1 $0xFFFFF800  }
0x64: {  	[tilespmem:s22], [sflag:$0x3] =	stream.linear.gather @!p1 [hbm4b:s31+s12], $0x800, $0x38;
	[tilespmem:$0x1E000] =	vst v63  }
0x65: {  	_ =	swait.ge @!p1 [sflag:s10], $0x800  }
0x66: {  	[sflag:s10] =	ssyncset.done @!p1 $0x0  }
0x67: {  	[sflag:s10] =	ssyncadd.s32 @!p1 $0xFFFFF800  }
0x68: {  	_ =	swait.ge [sflag:s24], $0x4000  }
0x69: {  	s10 =	sand.u32 $0xF00, s30;
	[sflag:s24] =	ssyncset.done $0x0  }
0x6a: {  	s22 =	sand.u32 $0x3C00, s29;
	s12 =	sor.u32 $0x80, s10;
	[sflag:s24] =	ssyncadd.s32 $0xFFFFC000  }
0x6b: {  	[tilespmem:s25], [sflag:$0x2] =	stream.indirect.gather [hbm4b:s1+s23], $0x80, s12, s23, $0xb8;
	[tilespmem:$0x1E000] =	vst v63  }
0x6c: {  	s12 =	sshrl.u32 s22, $0x2  }
0x6d: {  	s12 =	sor.u32 $0x1000, s12  }
0x6e: {  	[spmem:s3] =	stream.indirect.scatter.add.f32 [tilespmem:s20], [sflag:$0x3], $0x80, s12, s23, $0xb8;
	[tilespmem:$0x1E000] =	vst v63  }
0x6f: {  	_ =	swait.ge [sflag:s21], $0x4000  }
0x70: {  	[sflag:s21] =	ssyncset.done $0x0  }
0x71: {  	s29 =	sadd.s32 $0x400, s29;
	[sflag:s21] =	ssyncadd.s32 $0xFFFFC000  }
0x72: {  	s12 =	sand.u32 $0x3C00, s29;
	_ =	swait.ge [sflag:s26], $0x4000  }
0x73: {  	s22 =	sshrl.u32 s12, $0x2;
	[sflag:s26] =	ssyncset.done $0x0  }
.Ltmp1:
0x74: {  	s10 =	sor.u32 $0x1080, s10;
	[sflag:s26] =	ssyncadd.s32 $0xFFFFC000;
	(pc) =	sbr.rel @p0 .LBB2_4-.Ltmp1, $4  }
0x75: {  	[tilespmem:s20], [sflag:$0x1] =	stream.indirect.gather [hbm4b:s1+s23], $0x80, s22, s23, $0xb8;
	[tilespmem:$0x1E000] =	vst v63  }
0x76: {  	s11 =	sand.u32 $0x27, s11;
	s2 =	sadd.s32 $0x20, s2;
	s31 =	sadd.s32 $0x20, s31  }
0x77: {  	[spmem:s3] =	stream.indirect.scatter.add.f32 [tilespmem:s25], [sflag:$0x3], $0x80, s10, s23, $0xb8;
	[tilespmem:$0x1E000] =	vst v63  }
0x78: {  	p1 =	sne.s32 s11, $0x0;
	s30 =	sadd.s32 $0x100, s30;
	_ =	swait.ge [sflag:s21], $0x4000  }
0x79: {  	s0 =	sxor.u32 @!p1 $0xFFFFFFFF, s30;
	[sflag:s21] =	ssyncset.done $0x0  }
0x7a: {  	s10 =	simm.s32 @!p1 $0x0;
	s0 =	sand.u32 @!p1 $0x800, s0;
	[sflag:s21] =	ssyncadd.s32 $0xFFFFC000  }
0x7b: {  	[tilespmem:s0], [sflag:$0x3] =	stream.linear.gather @!p1 [hbm4b:s2+s10], $0x800, $0x38;
	[tilespmem:$0x1E000] =	vst v63  }
0x7c: {  	s2 =	simm.s32 @!p1 $0x3  }
0x7d: {  	_ =	swait.ge @!p1 [sflag:s2], $0x800  }
0x7e: {  	[sflag:s2] =	ssyncset.done @!p1 $0x0  }
0x7f: {  	s0 =	sor.u32 @!p1 $0x1000, s0;
	[sflag:s2] =	ssyncadd.s32 @!p1 $0xFFFFF800  }
0x80: {  	[tilespmem:s0], [sflag:$0x3] =	stream.linear.gather @!p1 [hbm4b:s31+s10], $0x800, $0x38;
	[tilespmem:$0x1E000] =	vst v63  }
0x81: {  	_ =	swait.ge @!p1 [sflag:s2], $0x800  }
0x82: {  	[sflag:s2] =	ssyncset.done @!p1 $0x0  }
0x83: {  	[sflag:s2] =	ssyncadd.s32 @!p1 $0xFFFFF800  }
0x84: {  	_ =	swait.ge [sflag:s24], $0x4000  }
0x85: {  	s11 =	sand.u32 $0xF00, s30;
	[sflag:s24] =	ssyncset.done $0x0  }
0x86: {  	s12 =	sor.u32 $0x80, s11;
	[sflag:s24] =	ssyncadd.s32 $0xFFFFC000  }
0x87: {  	[tilespmem:s25], [sflag:$0x2] =	stream.indirect.gather [hbm4b:s1+s23], $0x80, s12, s23, $0xb8;
	[tilespmem:$0x1E000] =	vst v63  }
0x88: {  	s22 =	sor.u32 $0x1000, s22  }
0x89: {  	[spmem:s3] =	stream.indirect.scatter.add.f32 [tilespmem:s20], [sflag:$0x3], $0x80, s22, s23, $0xb8;
	[tilespmem:$0x1E000] =	vst v63  }
0x8a: {  	_ =	swait.ge [sflag:s21], $0x4000  }
0x8b: {  	[sflag:s21] =	ssyncset.done $0x0  }
0x8c: {  	[sflag:s21] =	ssyncadd.s32 $0xFFFFC000  }
0x8d: {  	s30 =	sadd.s32 $0x400, s29;
	_ =	swait.ge [sflag:s26], $0x4000  }
0x8e: {  	s2 =	sand.u32 $0x3C00, s30;
	[sflag:s26] =	ssyncset.done $0x0  }
0x8f: {  	s2 =	sshrl.u32 s2, $0x2;
	[sflag:s26] =	ssyncadd.s32 $0xFFFFC000  }
0x90: {  	[tilespmem:s20], [sflag:$0x1] =	stream.indirect.gather [hbm4b:s1+s23], $0x80, s2, s23, $0xb8;
	[tilespmem:$0x1E000] =	vst v63  }
0x91: {  	s0 =	sor.u32 $0x1080, s11  }
0x92: {  	[spmem:s3] =	stream.indirect.scatter.add.f32 [tilespmem:s25], [sflag:$0x3], $0x80, s0, s23, $0xb8;
	[tilespmem:$0x1E000] =	vst v63  }
0x93: {  	_ =	swait.ge [sflag:s21], $0x4000  }
0x94: {  	[sflag:s21] =	ssyncset.done $0x0  }
0x95: {  	[sflag:s21] =	ssyncadd.s32 $0xFFFFC000  }
0x96: {  	_ =	swait.ge [sflag:s24], $0x4000  }
0x97: {  	[sflag:s24] =	ssyncset.done $0x0  }
0x98: {  	[sflag:s24] =	ssyncadd.s32 $0xFFFFC000  }
0x99: {  	[bflag:$0x0] =	sbarrier.arrive $0xFFFF  }
0x9a: {  	[tilespmem:s20], [sflag:$0x3] =	stream.linear.gather [spmem:s5], $0x4000, $0x38;
	[tilespmem:$0x1E000] =	vst v63  }
0x9b: {  	_ =	swait.ge [sflag:s21], $0x4000  }
0x9c: {  	[sflag:s21] =	ssyncset.done $0x0  }
0x9d: {  	s31 =	rddreg [dreg:$0x6];
	[sflag:s21] =	ssyncadd.s32 $0xFFFFC000  }
0x9e: {  	[hbm4b:s31+s4] =	stream.linear.scatter [tilespmem:s20], [sflag:$0x3], $0x4000, $0x38;
	[tilespmem:$0x1E000] =	vst v63  }
0x9f: {  	_ =	swait.ge [sflag:s21], $0x4000  }
0xa0: {  	[sflag:s21] =	ssyncset.done $0x0  }
0xa1: {  	[sflag:s21] =	ssyncadd.s32 $0xFFFFC000  }
0xa2: {  	[tilespmem:s20], [sflag:$0x3] =	stream.linear.gather [spmem:s6], $0x4000, $0x38;
	[tilespmem:$0x1E000] =	vst v63  }
0xa3: {  	_ =	swait.ge [sflag:s21], $0x4000  }
0xa4: {  	[sflag:s21] =	ssyncset.done $0x0  }
0xa5: {  	[sflag:s21] =	ssyncadd.s32 $0xFFFFC000  }
0xa6: {  	[hbm4b:s13+s4] =	stream.linear.scatter [tilespmem:s20], [sflag:$0x3], $0x4000, $0x38;
	[tilespmem:$0x1E000] =	vst v63  }
0xa7: {  	_ =	swait.ge [sflag:s21], $0x4000  }
0xa8: {  	[sflag:s21] =	ssyncset.done $0x0  }
0xa9: {  	[sflag:s21] =	ssyncadd.s32 $0xFFFFC000  }
0xaa: {  	[tilespmem:s20], [sflag:$0x3] =	stream.linear.gather [spmem:s7], $0x4000, $0x38;
	[tilespmem:$0x1E000] =	vst v63  }
0xab: {  	_ =	swait.ge [sflag:s21], $0x4000  }
0xac: {  	[sflag:s21] =	ssyncset.done $0x0  }
0xad: {  	[sflag:s21] =	ssyncadd.s32 $0xFFFFC000  }
0xae: {  	[hbm4b:s14+s4] =	stream.linear.scatter [tilespmem:s20], [sflag:$0x3], $0x4000, $0x38;
	[tilespmem:$0x1E000] =	vst v63  }
0xaf: {  	_ =	swait.ge [sflag:s21], $0x4000  }
0xb0: {  	[sflag:s21] =	ssyncset.done $0x0  }
0xb1: {  	[sflag:s21] =	ssyncadd.s32 $0xFFFFC000  }
0xb2: {  	[tilespmem:s20], [sflag:$0x3] =	stream.linear.gather [spmem:s8], $0x4000, $0x38;
	[tilespmem:$0x1E000] =	vst v63  }
0xb3: {  	_ =	swait.ge [sflag:s21], $0x4000  }
0xb4: {  	[sflag:s21] =	ssyncset.done $0x0  }
0xb5: {  	[sflag:s21] =	ssyncadd.s32 $0xFFFFC000  }
0xb6: {  	[hbm4b:s15+s4] =	stream.linear.scatter [tilespmem:s20], [sflag:$0x3], $0x4000, $0x38;
	[tilespmem:$0x1E000] =	vst v63  }
0xb7: {  	_ =	swait.ge [sflag:s21], $0x4000  }
0xb8: {  	[sflag:s21] =	ssyncset.done $0x0  }
0xb9: {  	[sflag:s21] =	ssyncadd.s32 $0xFFFFC000  }
0xba: {  	[tilespmem:s20], [sflag:$0x3] =	stream.linear.gather [spmem:s9], $0x4000, $0x38;
	[tilespmem:$0x1E000] =	vst v63  }
0xbb: {  	s28 =	sadd.s32 $0x1, s28;
	_ =	swait.ge [sflag:s21], $0x4000  }
0xbc: {  	p0 =	sne.s32 s28, s17;
	[sflag:s21] =	ssyncset.done $0x0  }
.Ltmp2:
0xbd: {  	[sflag:s21] =	ssyncadd.s32 $0xFFFFC000;
	(pc) =	sbr.rel @p0 .LBB2_1-.Ltmp2, $4  }
0xbe: {  	[hbm4b:s16+s4] =	stream.linear.scatter [tilespmem:s20], [sflag:$0x3], $0x4000, $0x38;
	[tilespmem:$0x1E000] =	vst v63  }
0xbf: {  	_ =	swait.ge [sflag:s21], $0x4000  }
0xc0: {  	[sflag:s21] =	ssyncset.done $0x0  }
0xc1: {  	[sflag:s21] =	ssyncadd.s32 $0xFFFFC000  }
0xc2: {  	_ =	sfence.sel $0x180000  }
0xc3: {  	[bflag:$0x0] =	sbarrier.arrive $0xFFFF  }
0xc4: {  	_ =	strace $0x9000004A  }
0xc5: {  	s0 =	stileid.u32;
	[bflag:$0x2] =	sbarrier.arrive $0xFFFF  }
0xc6: {  	p0 =	sne.s32 s0, $0x0;
	s0 =	rddreg [dreg:$0x3]  }
0xc7: {  	s0 =	sadd.s32 @!p0 $0x100000, s0  }
0xc8: {  	[sflag:s0] =	ssyncadd.tile.s32 @!p0 $0x1;
	_ =	shalt  }
.Lfunc_end2:
_tile_overlayer_lowered:
.L_overlay_start_2:
0xc9: {  	(tag) =	ssettag $0x2  }
0xca: {  	s0 =	rddreg [dreg:$0x0];
	s2 =	stileid.u32  }
0xcb: {  	s1 =	rddreg [dreg:$0x1];
	p0 =	sne.s32 s2, $0x0  }
0xcc: {  	s3 =	rddreg [dreg:$0x2];
	[bflag:$0x3] =	sbarrier.arrive $0xFFFF;
	s2 =	simm.s32 @!p0 $0x1C03  }
0xcd: {  	[timem:s3], [sflag:s2] =	dma.local @!p0 [hbm:s0], s1  }
0xce: {  	s0 =	simm.s32 @!p0 $0x3  }
0xcf: {  	_ =	swait.ge @!p0 [sflag:s0], s1  }
0xd0: {  	s1 =	ssub.s32 @!p0 $0x0, s1;
	[sflag:s0] =	ssyncset.done @!p0 $0x0  }
0xd1: {  	[sflag:s0] =	ssyncadd.s32 @!p0 s1  }
0xd2: {  	[bflag:$0x3] =	sbarrier.arrive $0xFFFF  }
0xd3: {  	_ =	shalt  }

// kernel: kernel.14.cloned.1.call-start
scs
__scs_entry_jumppad:
0x0: {  	(pc) =	sbr.rel $0x88, $3  }
0x1: {  	(tag) =	ssettag $0x0;
	lr =	simm.s32 $0x1  }
0x2: {  	[smem:$0x3F9C] =	sst lr;
	_ =	strace $0xD0000000  }
0x3: {  	_ = 	snop  }
0x4: {  	_ = 	snop  }
0x5: {  	_ = 	snop  }
0x6: {  	_ = 	snop  }
0x7: {  	_ = 	snop  }
__scs_overlays_trampoline_lowered:
0x8: {  	[smem:$0x3FAB] =	sst s0  }
0x9: {  	[smem:$0x3FAC] =	sst s1  }
0xa: {  	[smem:$0x3FAD] =	sst s2  }
0xb: {  	[smem:$0x3FAE] =	sst s3  }
0xc: {  	[smem:$0x3FAF] =	sst s4  }
0xd: {  	[smem:$0x3FB0] =	sst s5  }
0xe: {  	[smem:$0x3FB1] =	sst s6  }
0xf: {  	[smem:$0x3FB2] =	sst s7  }
0x10: {  	[smem:$0x3FB3] =	sst s8  }
0x11: {  	[smem:$0x3FB4] =	sst s9;
	s0 =	simm.s32 @!p0 $0x0  }
0x12: {  	s1 =	sld [smem:$0x3F9A];
	s0 =	simm.s32 @p0 $0x1  }
0x13: {  	[smem:$0x3FB5] =	sst s0;
	s0 =	simm.s32 @!p1 $0x0  }
0x14: {  	s2 =	sld [smem:$0x3F99];
	s0 =	simm.s32 @p1 $0x1  }
0x15: {  	[smem:$0x3FB6] =	sst s0;
	s0 =	simm.s32 @!p2 $0x0  }
0x16: {  	s3 =	sld [smem:$0x3FDB];
	s0 =	simm.s32 @p2 $0x1  }
0x17: {  	s4 =	simm.s32 $0x1BF5;
	[smem:$0x3FB8] =	sst s0  }
0x18: {  	s0 =	sld [smem:$0x3F9B];
	_ =	swait.ge [sflag:s4], $0x0  }
0x19: {  	s7 =	sld [smem:$0x3F9C]  }
0x1a: {  	s8 =	sadd.s32 $0xFFFFE003, lr  }
0x1b: {  	s9 =	sadd.s32 $0xFFFFFEF7, lr;
	s5 =	simm.s32 $0xFFFFFFFF;
	p2 =	slt.u32 s8, $0xFFFFF086  }
0x1c: {  	p1 =	slt.u32 s9, $0xF7A;
	s5 =	simm.s32 @!p2 $0x0  }
0x1d: {  	s5 =	simm.s32 @p1 $0x1;
	p0 =	seq.s32 s7, s2  }
0x1e: {  	s7 =	smul.u32 @!p0 $0xF7A, s2;
	p2 =	seq.s32 @!p0 s5, $0x0  }
0x1f: {  	s9 =	smul.u32 $0xF7A, s1;
	s8 =	simm.s32 @!p0 $0x1BF5;
	p2 =	por !p2, p0  }
0x20: {  	[sflag:s8] =	ssyncset.s32 @!p0 $0xFFFFF086;
	s6 =	sadd.s32 @!p0 s3, s7;
	s7 =	simm.s32 @!p0 $0x108  }
0x21: {  	s3 =	sadd.s32 s3, s9;
	s6 =	sadd.s32 @!p0 $0x88, s6;
	s7 =	simm.s32 @p2 $0x1082  }
0x22: {  	[simem:s7], [sflag:s8] =	dma.local @!p0 [hbm:s6], $0xF7A  }
0x23: {  	s9 =	sor.u32 $0xD0000000, s2;
	s6 =	simm.s32 $0x108;
	_ =	swait.ge @!p0 [sflag:s8], $0x0  }
0x24: {  	s3 =	sadd.s32 $0x88, s3;
	s6 =	simm.s32 @!p1 $0x1082;
	[sflag:s4] =	ssyncset.s32 $0xFFFFF086  }
0x25: {  	[simem:s6], [sflag:s4] =	dma.local [hbm:s3], $0xF7A  }
0x26: {  	[smem:$0x3F9C] =	sst s1;
	(tag) =	ssettag s2;
	_ =	strace s9  }
0x27: {  	s1 =	sld [smem:$0x3FAC]  }
0x28: {  	s2 =	sld [smem:$0x3FAD]  }
0x29: {  	s4 =	sld [smem:$0x3FAF]  }
0x2a: {  	p0 =	seq.s32 s5, $0x0;
	s5 =	sld [smem:$0x3FB0]  }
0x2b: {  	s6 =	sld [smem:$0x3FB1]  }
0x2c: {  	s7 =	sld [smem:$0x3FB2]  }
0x2d: {  	s3 =	simm.s32 $0x108;
	s8 =	sld [smem:$0x3FB3]  }
0x2e: {  	s3 =	simm.s32 @!p0 $0x1082;
	s9 =	sld [smem:$0x3FB4]  }
0x2f: {  	lr =	sadd.s32 s0, s3;
	s0 =	sld [smem:$0x3FAB]  }
0x30: {  	s3 =	sld [smem:$0x3FAE]  }
0x31: {  	[smem:$0x3FB7] =	sst s10  }
0x32: {  	s10 =	sld [smem:$0x3FB5];
	_ =	sdelay $0x3  }
0x33: {  	p0 =	seq.s32 s10, $0x1;
	s10 =	sld [smem:$0x3FB7];
	_ =	sdelay $0x3  }
0x34: {  	[smem:$0x3FB7] =	sst s10  }
0x35: {  	s10 =	sld [smem:$0x3FB6];
	_ =	sdelay $0x3  }
0x36: {  	p1 =	seq.s32 s10, $0x1;
	s10 =	sld [smem:$0x3FB7];
	_ =	sdelay $0x3  }
0x37: {  	[smem:$0x3FB7] =	sst s10  }
0x38: {  	s10 =	sld [smem:$0x3FB8]  }
0x39: {  	_ = 	snop;
	(pc) =	sbr.ind lr, $3  }
0x3a: {  	_ = 	snop  }
0x3b: {  	_ = 	snop  }
0x3c: {  	p2 =	seq.s32 s10, $0x1;
	s10 =	sld [smem:$0x3FB7]  }
0x3d: {  	_ =	shalt  }
0x3e: {  	_ =	shalt  }
0x3f: {  	_ =	shalt  }
0x40: {  	_ =	shalt  }
0x41: {  	_ =	shalt  }
0x42: {  	_ =	shalt  }
0x43: {  	_ =	shalt  }
0x44: {  	_ =	shalt  }
0x45: {  	_ =	shalt  }
0x46: {  	_ =	shalt  }
0x47: {  	_ =	shalt  }
0x48: {  	_ =	shalt  }
0x49: {  	_ =	shalt  }
0x4a: {  	_ =	shalt  }
0x4b: {  	_ =	shalt  }
0x4c: {  	_ =	shalt  }
0x4d: {  	_ =	shalt  }
0x4e: {  	_ =	shalt  }
0x4f: {  	_ =	shalt  }
0x50: {  	_ =	shalt  }
0x51: {  	_ =	shalt  }
0x52: {  	_ =	shalt  }
0x53: {  	_ =	shalt  }
0x54: {  	_ =	shalt  }
0x55: {  	_ =	shalt  }
0x56: {  	_ =	shalt  }
0x57: {  	_ =	shalt  }
0x58: {  	_ =	shalt  }
0x59: {  	_ =	shalt  }
0x5a: {  	_ =	shalt  }
0x5b: {  	_ =	shalt  }
0x5c: {  	_ =	shalt  }
0x5d: {  	_ =	shalt  }
0x5e: {  	_ =	shalt  }
0x5f: {  	_ =	shalt  }
0x60: {  	_ =	shalt  }
0x61: {  	_ =	shalt  }
0x62: {  	_ =	shalt  }
0x63: {  	_ =	shalt  }
0x64: {  	_ =	shalt  }
0x65: {  	_ =	shalt  }
0x66: {  	_ =	shalt  }
0x67: {  	_ =	shalt  }
0x68: {  	_ =	shalt  }
0x69: {  	_ =	shalt  }
0x6a: {  	_ =	shalt  }
0x6b: {  	_ =	shalt  }
0x6c: {  	_ =	shalt  }
0x6d: {  	_ =	shalt  }
0x6e: {  	_ =	shalt  }
0x6f: {  	_ =	shalt  }
0x70: {  	_ =	shalt  }
0x71: {  	_ =	shalt  }
0x72: {  	_ =	shalt  }
0x73: {  	_ =	shalt  }
0x74: {  	_ =	shalt  }
0x75: {  	_ =	shalt  }
0x76: {  	_ =	shalt  }
0x77: {  	_ =	shalt  }
0x78: {  	_ =	shalt  }
0x79: {  	_ =	shalt  }
0x7a: {  	_ =	shalt  }
0x7b: {  	_ =	shalt  }
0x7c: {  	_ =	shalt  }
0x7d: {  	_ =	shalt  }
0x7e: {  	_ =	shalt  }
0x7f: {  	_ =	shalt  }
0x80: {  	_ =	shalt  }
0x81: {  	_ =	shalt  }
0x82: {  	_ =	shalt  }
0x83: {  	_ =	shalt  }
0x84: {  	_ =	shalt  }
0x85: {  	_ =	shalt  }
0x86: {  	_ =	shalt  }
0x87: {  	_ =	shalt  }
.Lfunc_end0:
.L_simem_size_0:
called_computation.2_lowered:
.L_overlay_start_0:
0x88: {  	s2 =	sld [smem:$0x3FD9]  }
0x89: {  	s3 =	sld [smem:$0x3FFE];
	_ =	sdelay $0x1  }
0x8a: {  	s1 =	srdreg.scid  }
0x8b: {  	s0 =	sand.u32 $0x1, s1  }
0x8c: {  	s17 =	sshll.u32 s0, $0xA;
	s2 =	sadd.s32 s3, s2  }
0x8d: {  	s2 =	sadd.s32 s2, s17  }
0x8e: {  	[smem:$0x3FC3] =	sst s2  }
0x8f: {  	_ = 	snop  }
0x90: {  	s2 =	sld [smem:$0x3FD0];
	(tm) =	ssettm $0x1  }
0x91: {  	s18 =	sld [smem:$0x3FFB];
	_ =	sdelay $0x3  }
0x92: {  	_ =	strace s18  }
0x93: {  	s3 =	sld [smem:$0x3FFC];
	_ =	sdelay $0x3  }
0x94: {  	_ =	strace s3  }
0x95: {  	s3 =	sld [smem:$0x3FFD];
	_ =	sdelay $0x3  }
0x96: {  	_ =	strace s3  }
0x97: {  	_ =	strace $0x8FFFFFFF  }
0x98: {  	s19 =	sld [smem:$0x3FDB];
	_ =	sdelay $0x1  }
0x99: {  	s4 =	simm.s32 $_scs_section_size  }
0x9a: {  	s5 =	simm.s32 $_size__tile_overlayer_lowered;
	s6 =	simm.s32 $_tile_overlayer_lowered  }
0x9b: {  	s22 =	simm.s32 $0x1BFF;
	s21 =	sshll.u32 s6, $0x1;
	s3 =	sadd.s32 s4, s19  }
0x9c: {  	s7 =	simm.s32 $0x0;
	s20 =	sshll.u32 s5, $0x1;
	s5 =	sadd.s32 s21, s3  }
0x9d: {  	[timem:s7], [sflag:s22] =	dma.local [hbm:s5], s20  }
0x9e: {  	_ =	swait.ge [sflag:s22], s20  }
0x9f: {  	s4 =	ssub.s32 $0x0, s20;
	[sflag:s22] =	ssyncset.done $0x0  }
0xa0: {  	[sflag:s22] =	ssyncadd.s32 s4;
	_ =	sdelay $0x1  }
0xa1: {  	s23 =	simm.s32 $0x1B8B  }
0xa2: {  	_ =	swait.ge [sflag:s23], $0x1  }
0xa3: {  	[sflag:s23] =	ssyncset.done $0x0  }
0xa4: {  	s25 =	simm.s32 $0x1B8E;
	s24 =	sld [smem:$0x3FFE];
	[sflag:s23] =	ssyncadd.s32 $0xFFFFFFFF  }
0xa5: {  	s26 =	simm.s32 $execute0_lowered;
	[smem:$0x3FD2] =	sst s25  }
0xa6: {  	s5 =	sshll.u32 s26, $0x1;
	_ =	strace $0x8000004C;
	[dreg:$0x1] =	wrdreg $0xFFFFFFFF  }
0xa7: {  	s28 =	simm.s32 $_size_execute0_lowered;
	s3 =	sadd.s32 s3, s5;
	[dreg:$0x0] =	wrdreg $0x0  }
0xa8: {  	s5 =	sshll.u32 s28, $0x1;
	[dreg:$0x2] =	wrdreg s3  }
0xa9: {  	[dreg:$0x3] =	wrdreg s5  }
0xaa: {  	[dreg:$0x4] =	wrdreg $0xC0  }
0xab: {  	_ =	task [dreg:s7], $0x5FFFF  }
0xac: {  	[dreg:$0x1] =	wrdreg $0xFFFFFFFF  }
0xad: {  	[dreg:$0x0] =	wrdreg $0x60  }
0xae: {  	[dreg:$0x2] =	wrdreg s2  }
0xaf: {  	[dreg:$0x3] =	wrdreg s24  }
0xb0: {  	[dreg:$0x4] =	wrdreg $0xA0000  }
0xb1: {  	[dreg:$0x5] =	wrdreg $0x9  }
0xb2: {  	_ =	task.clear_ibuf [dreg:s7], $0x6FFFF;
	_ =	strace $0x9000004C  }
0xb3: {  	s29 =	simm.s32 $0x9;
	_ =	strace $0x8000004E  }
0xb4: {  	_ =	swait.ge [sflag:s29], $0x1  }
0xb5: {  	[sflag:s29] =	ssyncadd.s32 $0xFFFFFFFF  }
0xb6: {  	_ =	strace $0x9000004E  }
0xb7: {  	_ =	sfence  }
0xb8: {  	s30 =	sld [smem:$0x0];
	_ =	sdelay $0x2  }
0xb9: {  	s31 =	sshll.u32 s1, $0xD;
	s1 =	sshrl.u32 s1, $0x2  }
0xba: {  	s3 =	sand.u32 $0x4000, s31;
	s1 =	sadd.s32 s1, s30  }
0xbb: {  	s0 =	sor.u32 s3, s0;
	s1 =	sshll.u32 s1, $0x11  }
0xbc: {  	s0 =	sor.u32 s1, s0  }
0xbd: {  	s0 =	sadd.s32 $0x8F2B, s0  }
0xbe: {  	[sflag:s0] =	ssyncadd.remote.s32 $0x1  }
0xbf: {  	_ =	sfence.sel $0xFFFF  }
0xc0: {  	[dreg:$0x0] =	wrdreg $0xFFFFFFFF;
	(pc) =	sbr.abs _section_cstart, $3  }
0xc1: {  	[dreg:$0x1] =	wrdreg $0xFFFFFFFF  }
0xc2: {  	_ =	task.clear_ibuf [dreg:s7], $0x2FFFF;
	_ =	strace $0x9FFFFFFF  }
0xc3: {  	(tm) =	ssettm $0x7FFFFFFF  }
tec
execute0_lowered:
.L_overlay_start_1:
0x0: {  	(tag) =	ssettag $0x1  }
0x1: {  	s1 =	rddreg [dreg:$0x0]  }
0x2: {  	s0 =	rddreg [dreg:$0x1];
	s2 =	srdreg.scid  }
0x3: {  	s7 =	stileid.u32;
	s3 =	rddreg [dreg:$0x2]  }
0x4: {  	s4 =	simm.s32 $0x0;
	s21 =	simm.s32 $0x3;
	s23 =	simm.s32 $0x80  }
0x5: {  	s24 =	simm.s32 $0x1;
	s25 =	simm.s32 $0x6000;
	s28 =	simm.s32 $0x0  }
0x6: {  	s2 =	sand.u32 $0x1, s2;
	s5 =	smul.u32 $0x280, s7;
	[smem:$0x7FF] =	sst s4  }
0x7: {  	s19 =	sadd.s32 $0x5BA00, s0;
	s26 =	smul.u32 $0x50000, s7;
	s18 =	sadd.s32 $0x1A00, s0  }
0x8: {  	s6 =	smul.u32 $0x2800, s2;
	s29 =	ssub.s32 $0x0, s2;
	s2 =	ssub.s32 $0x2, s2  }
0x9: {  	s7 =	smul.u32 $0x5000, s7;
	_ =	strace $0x8000004D;
	s8 =	sshrl.u32 s2, $0x1  }
0xa: {  	s9 =	sand.u32 $0x2800, s29;
	s5 =	sadd.s32 s5, s6;
	s6 =	sshrl.u32 s26, $0x2  }
0xb: {  	s2 =	ssub.s32 s2, s8;
	s14 =	sadd.s32 s7, s9;
	s26 =	simm.s32 $0x2  }
0xc: {  	s5 =	sshll.u32 s5, $0x4;
	s11 =	sshrl.u32 s14, $0x3;
	s16 =	sadd.s32 $0x800, s14  }
0xd: {  	s17 =	smax.u32 s2, $0x1;
	s0 =	sadd.s32 s5, s0;
	s5 =	sadd.s32 s6, s3  }
0xe: {  	s10 =	sadd.s32 s19, s11;
	s30 =	sadd.s32 s18, s11;
	s20 =	sshrl.u32 s16, $0x3  }
0xf: {  	s6 =	sadd.s32 $0x4000, s5;
	s7 =	sadd.s32 $0x8000, s5;
	[dreg:$0x4] =	wrdreg s10  }
0x10: {  	s8 =	sadd.s32 $0xC000, s5;
	s9 =	sadd.s32 $0x10000, s5;
	[dreg:$0x5] =	wrdreg s30  }
0x11: {  	s31 =	sadd.s32 $0xBA00, s0;
	s13 =	sadd.s32 $0xC200, s0;
	s14 =	sadd.s32 $0xCA00, s0  }
0x12: {  	s15 =	sadd.s32 $0xD200, s0;
	s16 =	sadd.s32 $0xDA00, s0;
	s18 =	sadd.s32 s20, s18  }
0x13: {  	v0 =	vimm.f32 $0.0e+00;
	s19 =	sadd.s32 s20, s19;
	s20 =	simm.s32 $0x2000;
	[dreg:$0x6] =	wrdreg s31  }
.LBB2_1:
0x14: {  	s0 =	simm.s32 $0x0;
	s2 =	simm.s32 $0x200  }
.LBB2_2:
0x15: {  	p0 =	sne.s32 s2, $0xFE00;
	[tilespmem:s0+$0x2070] =	vst v0  }
0x16: {  	[tilespmem:s0+$0x2000] =	vst v0  }
0x17: {  	[tilespmem:s0+$0x2010] =	vst v0  }
.Ltmp0:
0x18: {  	[tilespmem:s0+$0x2020] =	vst v0;
	(pc) =	sbr.rel @p0 .LBB2_2-.Ltmp0, $4  }
0x19: {  	[tilespmem:s0+$0x2030] =	vst v0  }
0x1a: {  	[tilespmem:s0+$0x2040] =	vst v0  }
0x1b: {  	[tilespmem:s0+$0x2050] =	vst v0  }
0x1c: {  	[tilespmem:s0+$0x2060] =	vst v0;
	s0 =	sshra.s32 s2, $0x2;
	s2 =	sadd.s32 $0x200, s2  }
0x1d: {  	[tilespmem:s0+$0x2070] =	vst v0  }
0x1e: {  	[tilespmem:s0+$0x2000] =	vst v0  }
0x1f: {  	[tilespmem:s0+$0x2010] =	vst v0  }
0x20: {  	[tilespmem:s0+$0x2020] =	vst v0  }
0x21: {  	[tilespmem:s0+$0x2030] =	vst v0  }
0x22: {  	[tilespmem:s0+$0x2040] =	vst v0  }
0x23: {  	[tilespmem:s0+$0x2050] =	vst v0  }
0x24: {  	[tilespmem:s0+$0x2060] =	vst v0  }
0x25: {  	[spmem:s5] =	stream.linear.scatter [tilespmem:s20], [sflag:$0x3], $0x4000, $0x38;
	[tilespmem:$0x1E000] =	vst v63  }
0x26: {  	_ =	swait.ge [sflag:s21], $0x4000  }
0x27: {  	[sflag:s21] =	ssyncset.done $0x0  }
0x28: {  	[sflag:s21] =	ssyncadd.s32 $0xFFFFC000  }
0x29: {  	[spmem:s6] =	stream.linear.scatter [tilespmem:s20], [sflag:$0x3], $0x4000, $0x38;
	[tilespmem:$0x1E000] =	vst v63  }
0x2a: {  	_ =	swait.ge [sflag:s21], $0x4000  }
0x2b: {  	[sflag:s21] =	ssyncset.done $0x0  }
0x2c: {  	[sflag:s21] =	ssyncadd.s32 $0xFFFFC000  }
0x2d: {  	[spmem:s7] =	stream.linear.scatter [tilespmem:s20], [sflag:$0x3], $0x4000, $0x38;
	[tilespmem:$0x1E000] =	vst v63  }
0x2e: {  	_ =	swait.ge [sflag:s21], $0x4000  }
0x2f: {  	[sflag:s21] =	ssyncset.done $0x0  }
0x30: {  	[sflag:s21] =	ssyncadd.s32 $0xFFFFC000  }
0x31: {  	[spmem:s8] =	stream.linear.scatter [tilespmem:s20], [sflag:$0x3], $0x4000, $0x38;
	[tilespmem:$0x1E000] =	vst v63  }
0x32: {  	_ =	swait.ge [sflag:s21], $0x4000  }
0x33: {  	[sflag:s21] =	ssyncset.done $0x0  }
0x34: {  	[sflag:s21] =	ssyncadd.s32 $0xFFFFC000  }
0x35: {  	[spmem:s9] =	stream.linear.scatter [tilespmem:s20], [sflag:$0x3], $0x4000, $0x38;
	[tilespmem:$0x1E000] =	vst v63  }
0x36: {  	_ =	swait.ge [sflag:s21], $0x4000  }
0x37: {  	[sflag:s21] =	ssyncset.done $0x0  }
0x38: {  	[sflag:s21] =	ssyncadd.s32 $0xFFFFC000  }
0x39: {  	[bflag:$0x0] =	sbarrier.arrive $0xFFFF  }
0x3a: {  	s0 =	simm.s32 $0x0;
	s2 =	rddreg [dreg:$0x4]  }
0x3b: {  	[tilespmem:s0], [sflag:$0x3] =	stream.linear.gather [hbm4b:s2+s0], $0x800, $0x38;
	[tilespmem:$0x1E000] =	vst v63  }
0x3c: {  	_ =	swait.ge [sflag:s21], $0x800  }
0x3d: {  	[sflag:s21] =	ssyncset.done $0x0  }
0x3e: {  	s10 =	simm.s32 $0x1000;
	s12 =	rddreg [dreg:$0x5];
	[sflag:s21] =	ssyncadd.s32 $0xFFFFF800  }
0x3f: {  	[tilespmem:s10], [sflag:$0x3] =	stream.linear.gather [hbm4b:s12+s0], $0x800, $0x38;
	[tilespmem:$0x1E000] =	vst v63  }
0x40: {  	s22 =	sand.u32 $0x27, s0;
	_ =	swait.ge [sflag:s21], $0x800  }
0x41: {  	p0 =	sne.s32 s22, $0x0;
	[sflag:s21] =	ssyncset.done $0x0  }
0x42: {  	s2 =	sxor.u32 @!p0 $0xFFFFFFFF, s0;
	[sflag:s21] =	ssyncadd.s32 $0xFFFFF800  }
0x43: {  	[tilespmem:s20], [sflag:$0x1] =	stream.indirect.gather [hbm4b:s1+s23], $0x80, s0, s23, $0xb8;
	[tilespmem:$0x1E000] =	vst v63  }
0x44: {  	s22 =	simm.s32 @!p0 $0x3;
	s29 =	simm.s32 @!p0 $0x0;
	s2 =	sand.u32 @!p0 $0x800, s2  }
0x45: {  	[tilespmem:s2], [sflag:$0x3] =	stream.linear.gather @!p0 [hbm4b:s19+s29], $0x800, $0x38;
	[tilespmem:$0x1E000] =	vst v63  }
0x46: {  	_ =	swait.ge @!p0 [sflag:s22], $0x800  }
0x47: {  	[sflag:s22] =	ssyncset.done @!p0 $0x0  }
0x48: {  	s2 =	sor.u32 @!p0 $0x1000, s2;
	[sflag:s22] =	ssyncadd.s32 @!p0 $0xFFFFF800  }
0x49: {  	[tilespmem:s2], [sflag:$0x3] =	stream.linear.gather @!p0 [hbm4b:s18+s29], $0x800, $0x38;
	[tilespmem:$0x1E000] =	vst v63  }
0x4a: {  	_ =	swait.ge @!p0 [sflag:s22], $0x800  }
0x4b: {  	[sflag:s22] =	ssyncset.done @!p0 $0x0  }
0x4c: {  	[sflag:s22] =	ssyncadd.s32 @!p0 $0xFFFFF800  }
0x4d: {  	_ =	swait.ge [sflag:s24], $0x4000  }
0x4e: {  	s2 =	sand.u32 $0xF00, s0;
	s0 =	sand.u32 $0x3C00, s0;
	[sflag:s24] =	ssyncset.done $0x0  }
0x4f: {  	s10 =	sor.u32 $0x80, s2;
	s0 =	sshrl.u32 s0, $0x2;
	[sflag:s24] =	ssyncadd.s32 $0xFFFFC000  }
0x50: {  	[tilespmem:s25], [sflag:$0x2] =	stream.indirect.gather [hbm4b:s1+s23], $0x80, s10, s23, $0xb8;
	[tilespmem:$0x1E000] =	vst v63  }
0x51: {  	s0 =	sor.u32 $0x1000, s0  }
0x52: {  	[spmem:s3] =	stream.indirect.scatter.add.f32 [tilespmem:s20], [sflag:$0x3], $0x80, s0, s23, $0xb8;
	[tilespmem:$0x1E000] =	vst v63  }
0x53: {  	_ =	swait.ge [sflag:s21], $0x4000  }
0x54: {  	[sflag:s21] =	ssyncset.done $0x0  }
0x55: {  	[sflag:s21] =	ssyncadd.s32 $0xFFFFC000  }
0x56: {  	s31 =	sadd.s32 $0x20, s18;
	s29 =	simm.s32 $0x400;
	_ =	swait.ge [sflag:s26], $0x4000  }
0x57: {  	s12 =	simm.s32 $0x1;
	s11 =	sand.u32 $0x3C00, s29;
	[sflag:s26] =	ssyncset.done $0x0  }
0x58: {  	s22 =	sand.u32 $0x27, s12;
	s0 =	sshrl.u32 s11, $0x2;
	[sflag:s26] =	ssyncadd.s32 $0xFFFFC000  }
0x59: {  	[tilespmem:s20], [sflag:$0x1] =	stream.indirect.gather [hbm4b:s1+s23], $0x80, s0, s23, $0xb8;
	[tilespmem:$0x1E000] =	vst v63  }
0x5a: {  	s30 =	simm.s32 $0x100;
	s2 =	sor.u32 $0x1080, s2;
	p1 =	sne.s32 s22, $0x0  }
0x5b: {  	[spmem:s3] =	stream.indirect.scatter.add.f32 [tilespmem:s25], [sflag:$0x3], $0x80, s2, s23, $0xb8;
	[tilespmem:$0x1E000] =	vst v63  }
0x5c: {  	s0 =	simm.s32 $0x2;
	s2 =	sadd.s32 $0x20, s19;
	_ =	swait.ge [sflag:s21], $0x4000  }
.LBB2_4:
0x5d: {  	s22 =	sxor.u32 @!p1 $0xFFFFFFFF, s30  }
0x5e: {  	s10 =	simm.s32 @!p1 $0x3;
	[sflag:s21] =	ssyncset.done $0x0;
	s11 =	smov.u32 s0  }
0x5f: {  	s12 =	simm.s32 @!p1 $0x0;
	s22 =	sand.u32 @!p1 $0x800, s22;
	[sflag:s21] =	ssyncadd.s32 $0xFFFFC000  }
0x60: {  	[tilespmem:s22], [sflag:$0x3] =	stream.linear.gather @!p1 [hbm4b:s2+s12], $0x800, $0x38;
	[tilespmem:$0x1E000] =	vst v63  }
0x61: {  	s0 =	sadd.s32 $0x1, s0;
	s22 =	sor.u32 @!p1 $0x1000, s22;
	_ =	swait.ge @!p1 [sflag:s10], $0x800  }
0x62: {  	p0 =	sne.s32 s0, $0x28;
	[sflag:s10] =	ssyncset.done @!p1 $0x0  }
0x63: {  	[sflag:s10] =	ssyncadd.s32 @!p1 $0xFFFFF800  }
0x64: {  	[tilespmem:s22], [sflag:$0x3] =	stream.linear.gather @!p1 [hbm4b:s31+s12], $0x800, $0x38;
	[tilespmem:$0x1E000] =	vst v63  }
0x65: {  	_ =	swait.ge @!p1 [sflag:s10], $0x800  }
0x66: {  	[sflag:s10] =	ssyncset.done @!p1 $0x0  }
0x67: {  	[sflag:s10] =	ssyncadd.s32 @!p1 $0xFFFFF800  }
0x68: {  	_ =	swait.ge [sflag:s24], $0x4000  }
0x69: {  	s10 =	sand.u32 $0xF00, s30;
	[sflag:s24] =	ssyncset.done $0x0  }
0x6a: {  	s22 =	sand.u32 $0x3C00, s29;
	s12 =	sor.u32 $0x80, s10;
	[sflag:s24] =	ssyncadd.s32 $0xFFFFC000  }
0x6b: {  	[tilespmem:s25], [sflag:$0x2] =	stream.indirect.gather [hbm4b:s1+s23], $0x80, s12, s23, $0xb8;
	[tilespmem:$0x1E000] =	vst v63  }
0x6c: {  	s12 =	sshrl.u32 s22, $0x2  }
0x6d: {  	s12 =	sor.u32 $0x1000, s12  }
0x6e: {  	[spmem:s3] =	stream.indirect.scatter.add.f32 [tilespmem:s20], [sflag:$0x3], $0x80, s12, s23, $0xb8;
	[tilespmem:$0x1E000] =	vst v63  }
0x6f: {  	_ =	swait.ge [sflag:s21], $0x4000  }
0x70: {  	[sflag:s21] =	ssyncset.done $0x0  }
0x71: {  	s29 =	sadd.s32 $0x400, s29;
	[sflag:s21] =	ssyncadd.s32 $0xFFFFC000  }
0x72: {  	s12 =	sand.u32 $0x3C00, s29;
	_ =	swait.ge [sflag:s26], $0x4000  }
0x73: {  	s22 =	sshrl.u32 s12, $0x2;
	[sflag:s26] =	ssyncset.done $0x0  }
.Ltmp1:
0x74: {  	s10 =	sor.u32 $0x1080, s10;
	[sflag:s26] =	ssyncadd.s32 $0xFFFFC000;
	(pc) =	sbr.rel @p0 .LBB2_4-.Ltmp1, $4  }
0x75: {  	[tilespmem:s20], [sflag:$0x1] =	stream.indirect.gather [hbm4b:s1+s23], $0x80, s22, s23, $0xb8;
	[tilespmem:$0x1E000] =	vst v63  }
0x76: {  	s11 =	sand.u32 $0x27, s11;
	s2 =	sadd.s32 $0x20, s2;
	s31 =	sadd.s32 $0x20, s31  }
0x77: {  	[spmem:s3] =	stream.indirect.scatter.add.f32 [tilespmem:s25], [sflag:$0x3], $0x80, s10, s23, $0xb8;
	[tilespmem:$0x1E000] =	vst v63  }
0x78: {  	p1 =	sne.s32 s11, $0x0;
	s30 =	sadd.s32 $0x100, s30;
	_ =	swait.ge [sflag:s21], $0x4000  }
0x79: {  	s0 =	sxor.u32 @!p1 $0xFFFFFFFF, s30;
	[sflag:s21] =	ssyncset.done $0x0  }
0x7a: {  	s10 =	simm.s32 @!p1 $0x0;
	s0 =	sand.u32 @!p1 $0x800, s0;
	[sflag:s21] =	ssyncadd.s32 $0xFFFFC000  }
0x7b: {  	[tilespmem:s0], [sflag:$0x3] =	stream.linear.gather @!p1 [hbm4b:s2+s10], $0x800, $0x38;
	[tilespmem:$0x1E000] =	vst v63  }
0x7c: {  	s2 =	simm.s32 @!p1 $0x3  }
0x7d: {  	_ =	swait.ge @!p1 [sflag:s2], $0x800  }
0x7e: {  	[sflag:s2] =	ssyncset.done @!p1 $0x0  }
0x7f: {  	s0 =	sor.u32 @!p1 $0x1000, s0;
	[sflag:s2] =	ssyncadd.s32 @!p1 $0xFFFFF800  }
0x80: {  	[tilespmem:s0], [sflag:$0x3] =	stream.linear.gather @!p1 [hbm4b:s31+s10], $0x800, $0x38;
	[tilespmem:$0x1E000] =	vst v63  }
0x81: {  	_ =	swait.ge @!p1 [sflag:s2], $0x800  }
0x82: {  	[sflag:s2] =	ssyncset.done @!p1 $0x0  }
0x83: {  	[sflag:s2] =	ssyncadd.s32 @!p1 $0xFFFFF800  }
0x84: {  	_ =	swait.ge [sflag:s24], $0x4000  }
0x85: {  	s11 =	sand.u32 $0xF00, s30;
	[sflag:s24] =	ssyncset.done $0x0  }
0x86: {  	s12 =	sor.u32 $0x80, s11;
	[sflag:s24] =	ssyncadd.s32 $0xFFFFC000  }
0x87: {  	[tilespmem:s25], [sflag:$0x2] =	stream.indirect.gather [hbm4b:s1+s23], $0x80, s12, s23, $0xb8;
	[tilespmem:$0x1E000] =	vst v63  }
0x88: {  	s22 =	sor.u32 $0x1000, s22  }
0x89: {  	[spmem:s3] =	stream.indirect.scatter.add.f32 [tilespmem:s20], [sflag:$0x3], $0x80, s22, s23, $0xb8;
	[tilespmem:$0x1E000] =	vst v63  }
0x8a: {  	_ =	swait.ge [sflag:s21], $0x4000  }
0x8b: {  	[sflag:s21] =	ssyncset.done $0x0  }
0x8c: {  	[sflag:s21] =	ssyncadd.s32 $0xFFFFC000  }
0x8d: {  	s30 =	sadd.s32 $0x400, s29;
	_ =	swait.ge [sflag:s26], $0x4000  }
0x8e: {  	s2 =	sand.u32 $0x3C00, s30;
	[sflag:s26] =	ssyncset.done $0x0  }
0x8f: {  	s2 =	sshrl.u32 s2, $0x2;
	[sflag:s26] =	ssyncadd.s32 $0xFFFFC000  }
0x90: {  	[tilespmem:s20], [sflag:$0x1] =	stream.indirect.gather [hbm4b:s1+s23], $0x80, s2, s23, $0xb8;
	[tilespmem:$0x1E000] =	vst v63  }
0x91: {  	s0 =	sor.u32 $0x1080, s11  }
0x92: {  	[spmem:s3] =	stream.indirect.scatter.add.f32 [tilespmem:s25], [sflag:$0x3], $0x80, s0, s23, $0xb8;
	[tilespmem:$0x1E000] =	vst v63  }
0x93: {  	_ =	swait.ge [sflag:s21], $0x4000  }
0x94: {  	[sflag:s21] =	ssyncset.done $0x0  }
0x95: {  	[sflag:s21] =	ssyncadd.s32 $0xFFFFC000  }
0x96: {  	_ =	swait.ge [sflag:s24], $0x4000  }
0x97: {  	[sflag:s24] =	ssyncset.done $0x0  }
0x98: {  	[sflag:s24] =	ssyncadd.s32 $0xFFFFC000  }
0x99: {  	[bflag:$0x0] =	sbarrier.arrive $0xFFFF  }
0x9a: {  	[tilespmem:s20], [sflag:$0x3] =	stream.linear.gather [spmem:s5], $0x4000, $0x38;
	[tilespmem:$0x1E000] =	vst v63  }
0x9b: {  	_ =	swait.ge [sflag:s21], $0x4000  }
0x9c: {  	[sflag:s21] =	ssyncset.done $0x0  }
0x9d: {  	s31 =	rddreg [dreg:$0x6];
	[sflag:s21] =	ssyncadd.s32 $0xFFFFC000  }
0x9e: {  	[hbm4b:s31+s4] =	stream.linear.scatter [tilespmem:s20], [sflag:$0x3], $0x4000, $0x38;
	[tilespmem:$0x1E000] =	vst v63  }
0x9f: {  	_ =	swait.ge [sflag:s21], $0x4000  }
0xa0: {  	[sflag:s21] =	ssyncset.done $0x0  }
0xa1: {  	[sflag:s21] =	ssyncadd.s32 $0xFFFFC000  }
0xa2: {  	[tilespmem:s20], [sflag:$0x3] =	stream.linear.gather [spmem:s6], $0x4000, $0x38;
	[tilespmem:$0x1E000] =	vst v63  }
0xa3: {  	_ =	swait.ge [sflag:s21], $0x4000  }
0xa4: {  	[sflag:s21] =	ssyncset.done $0x0  }
0xa5: {  	[sflag:s21] =	ssyncadd.s32 $0xFFFFC000  }
0xa6: {  	[hbm4b:s13+s4] =	stream.linear.scatter [tilespmem:s20], [sflag:$0x3], $0x4000, $0x38;
	[tilespmem:$0x1E000] =	vst v63  }
0xa7: {  	_ =	swait.ge [sflag:s21], $0x4000  }
0xa8: {  	[sflag:s21] =	ssyncset.done $0x0  }
0xa9: {  	[sflag:s21] =	ssyncadd.s32 $0xFFFFC000  }
0xaa: {  	[tilespmem:s20], [sflag:$0x3] =	stream.linear.gather [spmem:s7], $0x4000, $0x38;
	[tilespmem:$0x1E000] =	vst v63  }
0xab: {  	_ =	swait.ge [sflag:s21], $0x4000  }
0xac: {  	[sflag:s21] =	ssyncset.done $0x0  }
0xad: {  	[sflag:s21] =	ssyncadd.s32 $0xFFFFC000  }
0xae: {  	[hbm4b:s14+s4] =	stream.linear.scatter [tilespmem:s20], [sflag:$0x3], $0x4000, $0x38;
	[tilespmem:$0x1E000] =	vst v63  }
0xaf: {  	_ =	swait.ge [sflag:s21], $0x4000  }
0xb0: {  	[sflag:s21] =	ssyncset.done $0x0  }
0xb1: {  	[sflag:s21] =	ssyncadd.s32 $0xFFFFC000  }
0xb2: {  	[tilespmem:s20], [sflag:$0x3] =	stream.linear.gather [spmem:s8], $0x4000, $0x38;
	[tilespmem:$0x1E000] =	vst v63  }
0xb3: {  	_ =	swait.ge [sflag:s21], $0x4000  }
0xb4: {  	[sflag:s21] =	ssyncset.done $0x0  }
0xb5: {  	[sflag:s21] =	ssyncadd.s32 $0xFFFFC000  }
0xb6: {  	[hbm4b:s15+s4] =	stream.linear.scatter [tilespmem:s20], [sflag:$0x3], $0x4000, $0x38;
	[tilespmem:$0x1E000] =	vst v63  }
0xb7: {  	_ =	swait.ge [sflag:s21], $0x4000  }
0xb8: {  	[sflag:s21] =	ssyncset.done $0x0  }
0xb9: {  	[sflag:s21] =	ssyncadd.s32 $0xFFFFC000  }
0xba: {  	[tilespmem:s20], [sflag:$0x3] =	stream.linear.gather [spmem:s9], $0x4000, $0x38;
	[tilespmem:$0x1E000] =	vst v63  }
0xbb: {  	s28 =	sadd.s32 $0x1, s28;
	_ =	swait.ge [sflag:s21], $0x4000  }
0xbc: {  	p0 =	sne.s32 s28, s17;
	[sflag:s21] =	ssyncset.done $0x0  }
.Ltmp2:
0xbd: {  	[sflag:s21] =	ssyncadd.s32 $0xFFFFC000;
	(pc) =	sbr.rel @p0 .LBB2_1-.Ltmp2, $4  }
0xbe: {  	[hbm4b:s16+s4] =	stream.linear.scatter [tilespmem:s20], [sflag:$0x3], $0x4000, $0x38;
	[tilespmem:$0x1E000] =	vst v63  }
0xbf: {  	_ =	swait.ge [sflag:s21], $0x4000  }
0xc0: {  	[sflag:s21] =	ssyncset.done $0x0  }
0xc1: {  	[sflag:s21] =	ssyncadd.s32 $0xFFFFC000  }
0xc2: {  	_ =	sfence.sel $0x180000  }
0xc3: {  	[bflag:$0x0] =	sbarrier.arrive $0xFFFF  }
0xc4: {  	_ =	strace $0x9000004D  }
0xc5: {  	s0 =	stileid.u32;
	[bflag:$0x2] =	sbarrier.arrive $0xFFFF  }
0xc6: {  	p0 =	sne.s32 s0, $0x0;
	s0 =	rddreg [dreg:$0x3]  }
0xc7: {  	s0 =	sadd.s32 @!p0 $0x100000, s0  }
0xc8: {  	[sflag:s0] =	ssyncadd.tile.s32 @!p0 $0x1;
	_ =	shalt  }
.Lfunc_end2:
_tile_overlayer_lowered:
.L_overlay_start_2:
0xc9: {  	(tag) =	ssettag $0x2  }
0xca: {  	s0 =	rddreg [dreg:$0x0];
	s2 =	stileid.u32  }
0xcb: {  	s1 =	rddreg [dreg:$0x1];
	p0 =	sne.s32 s2, $0x0  }
0xcc: {  	s3 =	rddreg [dreg:$0x2];
	[bflag:$0x3] =	sbarrier.arrive $0xFFFF;
	s2 =	simm.s32 @!p0 $0x1C03  }
0xcd: {  	[timem:s3], [sflag:s2] =	dma.local @!p0 [hbm:s0], s1  }
0xce: {  	s0 =	simm.s32 @!p0 $0x3  }
0xcf: {  	_ =	swait.ge @!p0 [sflag:s0], s1  }
0xd0: {  	s1 =	ssub.s32 @!p0 $0x0, s1;
	[sflag:s0] =	ssyncset.done @!p0 $0x0  }
0xd1: {  	[sflag:s0] =	ssyncadd.s32 @!p0 s1  }
0xd2: {  	[bflag:$0x3] =	sbarrier.arrive $0xFFFF  }
0xd3: {  	_ =	shalt  }

// kernel: kernel.8.cloned.1.call-start
scs
__scs_entry_jumppad:
0x0: {  	(pc) =	sbr.rel $0x88, $3  }
0x1: {  	(tag) =	ssettag $0x0;
	lr =	simm.s32 $0x1  }
0x2: {  	[smem:$0x3F9C] =	sst lr;
	_ =	strace $0xD0000000  }
0x3: {  	_ = 	snop  }
0x4: {  	_ = 	snop  }
0x5: {  	_ = 	snop  }
0x6: {  	_ = 	snop  }
0x7: {  	_ = 	snop  }
__scs_overlays_trampoline_lowered:
0x8: {  	[smem:$0x3FAB] =	sst s0  }
0x9: {  	[smem:$0x3FAC] =	sst s1  }
0xa: {  	[smem:$0x3FAD] =	sst s2  }
0xb: {  	[smem:$0x3FAE] =	sst s3  }
0xc: {  	[smem:$0x3FAF] =	sst s4  }
0xd: {  	[smem:$0x3FB0] =	sst s5  }
0xe: {  	[smem:$0x3FB1] =	sst s6  }
0xf: {  	[smem:$0x3FB2] =	sst s7  }
0x10: {  	[smem:$0x3FB3] =	sst s8  }
0x11: {  	[smem:$0x3FB4] =	sst s9;
	s0 =	simm.s32 @!p0 $0x0  }
0x12: {  	s1 =	sld [smem:$0x3F9A];
	s0 =	simm.s32 @p0 $0x1  }
0x13: {  	[smem:$0x3FB5] =	sst s0;
	s0 =	simm.s32 @!p1 $0x0  }
0x14: {  	s2 =	sld [smem:$0x3F99];
	s0 =	simm.s32 @p1 $0x1  }
0x15: {  	[smem:$0x3FB6] =	sst s0;
	s0 =	simm.s32 @!p2 $0x0  }
0x16: {  	s3 =	sld [smem:$0x3FDB];
	s0 =	simm.s32 @p2 $0x1  }
0x17: {  	s4 =	simm.s32 $0x1BF5;
	[smem:$0x3FB8] =	sst s0  }
0x18: {  	s0 =	sld [smem:$0x3F9B];
	_ =	swait.ge [sflag:s4], $0x0  }
0x19: {  	s7 =	sld [smem:$0x3F9C]  }
0x1a: {  	s8 =	sadd.s32 $0xFFFFE003, lr  }
0x1b: {  	s9 =	sadd.s32 $0xFFFFFEF7, lr;
	s5 =	simm.s32 $0xFFFFFFFF;
	p2 =	slt.u32 s8, $0xFFFFF086  }
0x1c: {  	p1 =	slt.u32 s9, $0xF7A;
	s5 =	simm.s32 @!p2 $0x0  }
0x1d: {  	s5 =	simm.s32 @p1 $0x1;
	p0 =	seq.s32 s7, s2  }
0x1e: {  	s7 =	smul.u32 @!p0 $0xF7A, s2;
	p2 =	seq.s32 @!p0 s5, $0x0  }
0x1f: {  	s9 =	smul.u32 $0xF7A, s1;
	s8 =	simm.s32 @!p0 $0x1BF5;
	p2 =	por !p2, p0  }
0x20: {  	[sflag:s8] =	ssyncset.s32 @!p0 $0xFFFFF086;
	s6 =	sadd.s32 @!p0 s3, s7;
	s7 =	simm.s32 @!p0 $0x108  }
0x21: {  	s3 =	sadd.s32 s3, s9;
	s6 =	sadd.s32 @!p0 $0x88, s6;
	s7 =	simm.s32 @p2 $0x1082  }
0x22: {  	[simem:s7], [sflag:s8] =	dma.local @!p0 [hbm:s6], $0xF7A  }
0x23: {  	s9 =	sor.u32 $0xD0000000, s2;
	s6 =	simm.s32 $0x108;
	_ =	swait.ge @!p0 [sflag:s8], $0x0  }
0x24: {  	s3 =	sadd.s32 $0x88, s3;
	s6 =	simm.s32 @!p1 $0x1082;
	[sflag:s4] =	ssyncset.s32 $0xFFFFF086  }
0x25: {  	[simem:s6], [sflag:s4] =	dma.local [hbm:s3], $0xF7A  }
0x26: {  	[smem:$0x3F9C] =	sst s1;
	(tag) =	ssettag s2;
	_ =	strace s9  }
0x27: {  	s1 =	sld [smem:$0x3FAC]  }
0x28: {  	s2 =	sld [smem:$0x3FAD]  }
0x29: {  	s4 =	sld [smem:$0x3FAF]  }
0x2a: {  	p0 =	seq.s32 s5, $0x0;
	s5 =	sld [smem:$0x3FB0]  }
0x2b: {  	s6 =	sld [smem:$0x3FB1]  }
0x2c: {  	s7 =	sld [smem:$0x3FB2]  }
0x2d: {  	s3 =	simm.s32 $0x108;
	s8 =	sld [smem:$0x3FB3]  }
0x2e: {  	s3 =	simm.s32 @!p0 $0x1082;
	s9 =	sld [smem:$0x3FB4]  }
0x2f: {  	lr =	sadd.s32 s0, s3;
	s0 =	sld [smem:$0x3FAB]  }
0x30: {  	s3 =	sld [smem:$0x3FAE]  }
0x31: {  	[smem:$0x3FB7] =	sst s10  }
0x32: {  	s10 =	sld [smem:$0x3FB5];
	_ =	sdelay $0x3  }
0x33: {  	p0 =	seq.s32 s10, $0x1;
	s10 =	sld [smem:$0x3FB7];
	_ =	sdelay $0x3  }
0x34: {  	[smem:$0x3FB7] =	sst s10  }
0x35: {  	s10 =	sld [smem:$0x3FB6];
	_ =	sdelay $0x3  }
0x36: {  	p1 =	seq.s32 s10, $0x1;
	s10 =	sld [smem:$0x3FB7];
	_ =	sdelay $0x3  }
0x37: {  	[smem:$0x3FB7] =	sst s10  }
0x38: {  	s10 =	sld [smem:$0x3FB8]  }
0x39: {  	_ = 	snop;
	(pc) =	sbr.ind lr, $3  }
0x3a: {  	_ = 	snop  }
0x3b: {  	_ = 	snop  }
0x3c: {  	p2 =	seq.s32 s10, $0x1;
	s10 =	sld [smem:$0x3FB7]  }
0x3d: {  	_ =	shalt  }
0x3e: {  	_ =	shalt  }
0x3f: {  	_ =	shalt  }
0x40: {  	_ =	shalt  }
0x41: {  	_ =	shalt  }
0x42: {  	_ =	shalt  }
0x43: {  	_ =	shalt  }
0x44: {  	_ =	shalt  }
0x45: {  	_ =	shalt  }
0x46: {  	_ =	shalt  }
0x47: {  	_ =	shalt  }
0x48: {  	_ =	shalt  }
0x49: {  	_ =	shalt  }
0x4a: {  	_ =	shalt  }
0x4b: {  	_ =	shalt  }
0x4c: {  	_ =	shalt  }
0x4d: {  	_ =	shalt  }
0x4e: {  	_ =	shalt  }
0x4f: {  	_ =	shalt  }
0x50: {  	_ =	shalt  }
0x51: {  	_ =	shalt  }
0x52: {  	_ =	shalt  }
0x53: {  	_ =	shalt  }
0x54: {  	_ =	shalt  }
0x55: {  	_ =	shalt  }
0x56: {  	_ =	shalt  }
0x57: {  	_ =	shalt  }
0x58: {  	_ =	shalt  }
0x59: {  	_ =	shalt  }
0x5a: {  	_ =	shalt  }
0x5b: {  	_ =	shalt  }
0x5c: {  	_ =	shalt  }
0x5d: {  	_ =	shalt  }
0x5e: {  	_ =	shalt  }
0x5f: {  	_ =	shalt  }
0x60: {  	_ =	shalt  }
0x61: {  	_ =	shalt  }
0x62: {  	_ =	shalt  }
0x63: {  	_ =	shalt  }
0x64: {  	_ =	shalt  }
0x65: {  	_ =	shalt  }
0x66: {  	_ =	shalt  }
0x67: {  	_ =	shalt  }
0x68: {  	_ =	shalt  }
0x69: {  	_ =	shalt  }
0x6a: {  	_ =	shalt  }
0x6b: {  	_ =	shalt  }
0x6c: {  	_ =	shalt  }
0x6d: {  	_ =	shalt  }
0x6e: {  	_ =	shalt  }
0x6f: {  	_ =	shalt  }
0x70: {  	_ =	shalt  }
0x71: {  	_ =	shalt  }
0x72: {  	_ =	shalt  }
0x73: {  	_ =	shalt  }
0x74: {  	_ =	shalt  }
0x75: {  	_ =	shalt  }
0x76: {  	_ =	shalt  }
0x77: {  	_ =	shalt  }
0x78: {  	_ =	shalt  }
0x79: {  	_ =	shalt  }
0x7a: {  	_ =	shalt  }
0x7b: {  	_ =	shalt  }
0x7c: {  	_ =	shalt  }
0x7d: {  	_ =	shalt  }
0x7e: {  	_ =	shalt  }
0x7f: {  	_ =	shalt  }
0x80: {  	_ =	shalt  }
0x81: {  	_ =	shalt  }
0x82: {  	_ =	shalt  }
0x83: {  	_ =	shalt  }
0x84: {  	_ =	shalt  }
0x85: {  	_ =	shalt  }
0x86: {  	_ =	shalt  }
0x87: {  	_ =	shalt  }
.Lfunc_end0:
.L_simem_size_0:
called_computation_lowered:
.L_overlay_start_0:
0x88: {  	s2 =	sld [smem:$0x3FD9]  }
0x89: {  	s3 =	sld [smem:$0x3FFE];
	_ =	sdelay $0x1  }
0x8a: {  	s1 =	srdreg.scid  }
0x8b: {  	s0 =	sand.u32 $0x1, s1  }
0x8c: {  	s16 =	sshll.u32 s0, $0xA;
	s2 =	sadd.s32 s3, s2  }
0x8d: {  	s2 =	sadd.s32 s2, s16  }
0x8e: {  	[smem:$0x3FC3] =	sst s2  }
0x8f: {  	_ = 	snop  }
0x90: {  	(tm) =	ssettm $0x1  }
0x91: {  	s17 =	sld [smem:$0x3FFB];
	_ =	sdelay $0x3  }
0x92: {  	_ =	strace s17  }
0x93: {  	s2 =	sld [smem:$0x3FFC];
	_ =	sdelay $0x3  }
0x94: {  	_ =	strace s2  }
0x95: {  	s2 =	sld [smem:$0x3FFD];
	_ =	sdelay $0x3  }
0x96: {  	_ =	strace s2  }
0x97: {  	_ =	strace $0x8FFFFFFF  }
0x98: {  	s18 =	sld [smem:$0x3FDB];
	_ =	sdelay $0x1  }
0x99: {  	s19 =	simm.s32 $_scs_section_size  }
0x9a: {  	s4 =	simm.s32 $_size__tile_overlayer_lowered;
	s5 =	simm.s32 $_tile_overlayer_lowered  }
0x9b: {  	s22 =	simm.s32 $0x1BFF;
	s21 =	sshll.u32 s5, $0x1;
	s2 =	sadd.s32 s19, s18  }
0x9c: {  	s6 =	simm.s32 $0x0;
	s20 =	sshll.u32 s4, $0x1;
	s4 =	sadd.s32 s21, s2  }
0x9d: {  	[timem:s6], [sflag:s22] =	dma.local [hbm:s4], s20  }
0x9e: {  	_ =	swait.ge [sflag:s22], s20  }
0x9f: {  	s3 =	ssub.s32 $0x0, s20;
	[sflag:s22] =	ssyncset.done $0x0  }
0xa0: {  	[sflag:s22] =	ssyncadd.s32 s3;
	_ =	sdelay $0x1  }
0xa1: {  	s23 =	simm.s32 $0x1B8B  }
0xa2: {  	_ =	swait.ge [sflag:s23], $0x1  }
0xa3: {  	[sflag:s23] =	ssyncset.done $0x0  }
0xa4: {  	s25 =	simm.s32 $0x1B8E;
	s24 =	sld [smem:$0x3FFE];
	[sflag:s23] =	ssyncadd.s32 $0xFFFFFFFF  }
0xa5: {  	s26 =	simm.s32 $execute0_lowered;
	[smem:$0x3FD2] =	sst s25  }
0xa6: {  	s4 =	sshll.u32 s26, $0x1;
	_ =	strace $0x80000046;
	[dreg:$0x1] =	wrdreg $0xFFFFFFFF  }
0xa7: {  	s28 =	simm.s32 $_size_execute0_lowered;
	s2 =	sadd.s32 s2, s4;
	[dreg:$0x0] =	wrdreg $0x0  }
0xa8: {  	s4 =	sshll.u32 s28, $0x1;
	[dreg:$0x2] =	wrdreg s2  }
0xa9: {  	[dreg:$0x3] =	wrdreg s4  }
0xaa: {  	[dreg:$0x4] =	wrdreg $0xC0  }
0xab: {  	_ =	task [dreg:s6], $0x5FFFF  }
0xac: {  	[dreg:$0x1] =	wrdreg $0xFFFFFFFF  }
0xad: {  	[dreg:$0x0] =	wrdreg $0x60  }
0xae: {  	[dreg:$0x2] =	wrdreg s24  }
0xaf: {  	[dreg:$0x3] =	wrdreg $0x68000  }
0xb0: {  	[dreg:$0x4] =	wrdreg $0x9  }
0xb1: {  	_ =	task.clear_ibuf [dreg:s6], $0x5FFFF;
	_ =	strace $0x90000046  }
0xb2: {  	s29 =	simm.s32 $0x9;
	_ =	strace $0x80000048  }
0xb3: {  	_ =	swait.ge [sflag:s29], $0x1  }
0xb4: {  	[sflag:s29] =	ssyncadd.s32 $0xFFFFFFFF  }
0xb5: {  	_ =	strace $0x90000048  }
0xb6: {  	_ =	sfence  }
0xb7: {  	s30 =	sld [smem:$0x0];
	_ =	sdelay $0x2  }
0xb8: {  	s31 =	sshll.u32 s1, $0xD;
	s1 =	sshrl.u32 s1, $0x2  }
0xb9: {  	s3 =	sand.u32 $0x4000, s31;
	s1 =	sadd.s32 s1, s30  }
0xba: {  	s0 =	sor.u32 s3, s0;
	s1 =	sshll.u32 s1, $0x11  }
0xbb: {  	s0 =	sor.u32 s1, s0  }
0xbc: {  	s0 =	sadd.s32 $0x8F2B, s0  }
0xbd: {  	[sflag:s0] =	ssyncadd.remote.s32 $0x1  }
0xbe: {  	_ =	sfence.sel $0xFFFF  }
0xbf: {  	[dreg:$0x0] =	wrdreg $0xFFFFFFFF;
	(pc) =	sbr.abs _section_cstart, $3  }
0xc0: {  	[dreg:$0x1] =	wrdreg $0xFFFFFFFF  }
0xc1: {  	_ =	task.clear_ibuf [dreg:s6], $0x2FFFF;
	_ =	strace $0x9FFFFFFF  }
0xc2: {  	(tm) =	ssettm $0x7FFFFFFF  }
0xc3: {  	_ =	shalt  }
tec
execute0_lowered:
.L_overlay_start_1:
0x0: {  	(tag) =	ssettag $0x1  }
0x1: {  	s1 =	srdreg.scid  }
0x2: {  	s0 =	stileid.u32;
	s5 =	rddreg [dreg:$0x0]  }
0x3: {  	s2 =	rddreg [dreg:$0x1];
	s3 =	simm.s32 $0x0;
	s16 =	simm.s32 $0x1  }
0x4: {  	s17 =	simm.s32 $0x2800;
	s18 =	simm.s32 $0x80;
	s7 =	smul.u32 $0x280, s0  }
0x5: {  	s4 =	sand.u32 $0x1, s1;
	s30 =	sshll.u32 s0, $0x1;
	s9 =	smul.u32 $0x50000, s0  }
0x6: {  	s19 =	simm.s32 $0x0;
	s1 =	sor.u32 s4, s30;
	s8 =	smul.u32 $0x2800, s4  }
0x7: {  	[smem:$0x7FF] =	sst s3;
	s4 =	ssub.s32 $0x2, s4;
	s6 =	smul.u32 $0x500, s1  }
0x8: {  	s1 =	rddreg [dreg:$0x2];
	_ =	strace $0x80000047;
	s31 =	sshrl.u32 s4, $0x1  }
0x9: {  	s9 =	sshrl.u32 s9, $0x2;
	s7 =	sadd.s32 s7, s8;
	s15 =	ssub.s32 s4, s31  }
0xa: {  	s4 =	sadd.s32 s9, s2;
	s6 =	sadd.s32 s6, s5;
	s7 =	sshll.u32 s7, $0x4  }
0xb: {  	s8 =	sadd.s32 $0xC000, s4;
	s9 =	sadd.s32 $0x10000, s4;
	s15 =	smax.u32 s15, $0x1  }
0xc: {  	s14 =	sadd.s32 s7, s5;
	s5 =	sadd.s32 $0x1A00, s6;
	s6 =	sadd.s32 $0x4000, s4  }
0xd: {  	s7 =	sadd.s32 $0x8000, s4;
	s10 =	sadd.s32 $0xBA00, s14;
	s11 =	sadd.s32 $0xC200, s14  }
0xe: {  	v0 =	vimm.f32 $0.0e+00;
	v1 =	vimm.f32 $1.000000000e+00;
	s12 =	sadd.s32 $0xCA00, s14;
	s13 =	sadd.s32 $0xD200, s14;
	s14 =	sadd.s32 $0xDA00, s14  }
.LBB2_1:
0xf: {  	[tilespmem:s3], [sflag:$0x1] =	stream.linear.gather [hbm4b:s5+s3], $0x2800, $0x38;
	[tilespmem:$0x1A800] =	vst v63  }
0x10: {  	_ =	swait.ge [sflag:s16], $0x2800  }
0x11: {  	[sflag:s16] =	ssyncset.done $0x0  }
0x12: {  	s20 =	simm.s32 $0x0;
	s21 =	simm.s32 $0x200;
	[sflag:s16] =	ssyncadd.s32 $0xFFFFD800  }
.LBB2_2:
0x13: {  	p0 =	sne.s32 s21, $0xFE00;
	[tilespmem:s20+$0x2870] =	vst v0  }
0x14: {  	[tilespmem:s20+$0x2800] =	vst v0  }
0x15: {  	[tilespmem:s20+$0x2810] =	vst v0  }
.Ltmp0:
0x16: {  	[tilespmem:s20+$0x2820] =	vst v0;
	(pc) =	sbr.rel @p0 .LBB2_2-.Ltmp0, $4  }
0x17: {  	[tilespmem:s20+$0x2830] =	vst v0  }
0x18: {  	[tilespmem:s20+$0x2840] =	vst v0  }
0x19: {  	[tilespmem:s20+$0x2850] =	vst v0  }
0x1a: {  	[tilespmem:s20+$0x2860] =	vst v0;
	s20 =	sshra.s32 s21, $0x2;
	s21 =	sadd.s32 $0x200, s21  }
0x1b: {  	[tilespmem:s20+$0x2870] =	vst v0  }
0x1c: {  	[tilespmem:s20+$0x2800] =	vst v0  }
0x1d: {  	[tilespmem:s20+$0x2810] =	vst v0  }
0x1e: {  	[tilespmem:s20+$0x2820] =	vst v0  }
0x1f: {  	[tilespmem:s20+$0x2830] =	vst v0  }
0x20: {  	[tilespmem:s20+$0x2840] =	vst v0  }
0x21: {  	[tilespmem:s20+$0x2850] =	vst v0  }
0x22: {  	[tilespmem:s20+$0x2860] =	vst v0  }
0x23: {  	[spmem:s4] =	stream.linear.scatter [tilespmem:s17], [sflag:$0x1], $0x4000, $0x38;
	[tilespmem:$0x1A800] =	vst v63  }
0x24: {  	_ =	swait.ge [sflag:s16], $0x4000  }
0x25: {  	[sflag:s16] =	ssyncset.done $0x0  }
0x26: {  	[sflag:s16] =	ssyncadd.s32 $0xFFFFC000  }
0x27: {  	[spmem:s6] =	stream.linear.scatter [tilespmem:s17], [sflag:$0x1], $0x4000, $0x38;
	[tilespmem:$0x1A800] =	vst v63  }
0x28: {  	_ =	swait.ge [sflag:s16], $0x4000  }
0x29: {  	[sflag:s16] =	ssyncset.done $0x0  }
0x2a: {  	[sflag:s16] =	ssyncadd.s32 $0xFFFFC000  }
0x2b: {  	[spmem:s7] =	stream.linear.scatter [tilespmem:s17], [sflag:$0x1], $0x4000, $0x38;
	[tilespmem:$0x1A800] =	vst v63  }
0x2c: {  	_ =	swait.ge [sflag:s16], $0x4000  }
0x2d: {  	[sflag:s16] =	ssyncset.done $0x0  }
0x2e: {  	[sflag:s16] =	ssyncadd.s32 $0xFFFFC000  }
0x2f: {  	[spmem:s8] =	stream.linear.scatter [tilespmem:s17], [sflag:$0x1], $0x4000, $0x38;
	[tilespmem:$0x1A800] =	vst v63  }
0x30: {  	_ =	swait.ge [sflag:s16], $0x4000  }
0x31: {  	[sflag:s16] =	ssyncset.done $0x0  }
0x32: {  	[sflag:s16] =	ssyncadd.s32 $0xFFFFC000  }
0x33: {  	[spmem:s9] =	stream.linear.scatter [tilespmem:s17], [sflag:$0x1], $0x4000, $0x38;
	[tilespmem:$0x1A800] =	vst v63  }
0x34: {  	_ =	swait.ge [sflag:s16], $0x4000  }
0x35: {  	[sflag:s16] =	ssyncset.done $0x0  }
0x36: {  	[sflag:s16] =	ssyncadd.s32 $0xFFFFC000  }
0x37: {  	s20 =	simm.s32 $0x0;
	s21 =	simm.s32 $0x200;
	[bflag:$0x0] =	sbarrier.arrive $0xFFFF  }
.LBB2_4:
0x38: {  	p0 =	sne.s32 s21, $0xFE00;
	[tilespmem:s20+$0x2870] =	vst v1  }
0x39: {  	[tilespmem:s20+$0x2800] =	vst v1  }
0x3a: {  	[tilespmem:s20+$0x2810] =	vst v1  }
.Ltmp1:
0x3b: {  	[tilespmem:s20+$0x2820] =	vst v1;
	(pc) =	sbr.rel @p0 .LBB2_4-.Ltmp1, $4  }
0x3c: {  	[tilespmem:s20+$0x2830] =	vst v1  }
0x3d: {  	[tilespmem:s20+$0x2840] =	vst v1  }
0x3e: {  	[tilespmem:s20+$0x2850] =	vst v1  }
0x3f: {  	[tilespmem:s20+$0x2860] =	vst v1;
	s20 =	sshra.s32 s21, $0x2;
	s21 =	sadd.s32 $0x200, s21  }
0x40: {  	[tilespmem:s20+$0x2870] =	vst v1  }
0x41: {  	[tilespmem:s20+$0x2800] =	vst v1  }
0x42: {  	[tilespmem:s20+$0x2810] =	vst v1  }
0x43: {  	[tilespmem:s20+$0x2820] =	vst v1  }
0x44: {  	[tilespmem:s20+$0x2830] =	vst v1  }
0x45: {  	[tilespmem:s20+$0x2840] =	vst v1  }
0x46: {  	[tilespmem:s20+$0x2850] =	vst v1  }
0x47: {  	[tilespmem:s20+$0x2860] =	vst v1;
	s31 =	simm.s32 $0x0  }
0x48: {  	[spmem:s2] =	stream.indirect.scatter.add.f32 [tilespmem:s17], [sflag:$0x1], $0x80, s31, s18, $0xb8;
	[tilespmem:$0x1A800] =	vst v63  }
0x49: {  	_ =	swait.ge [sflag:s16], $0x4000  }
0x4a: {  	s20 =	simm.s32 $0x200;
	[sflag:s16] =	ssyncset.done $0x0  }
.LBB2_6:
0x4b: {  	s21 =	sshra.s32 s20, $0x2;
	[sflag:s16] =	ssyncadd.s32 $0xFFFFC000;
	p0 =	sne.s32 s20, $0x9E00  }
0x4c: {  	[spmem:s2] =	stream.indirect.scatter.add.f32 [tilespmem:s17], [sflag:$0x1], $0x80, s21, s18, $0xb8;
	[tilespmem:$0x1A800] =	vst v63  }
.Ltmp2:
0x4d: {  	_ = 	snop;
	(pc) =	sbr.rel @p0 .LBB2_6-.Ltmp2, $4  }
0x4e: {  	_ = 	snop  }
0x4f: {  	s20 =	sadd.s32 $0x200, s20  }
0x50: {  	_ =	swait.ge [sflag:s16], $0x4000  }
0x51: {  	[sflag:s16] =	ssyncset.done $0x0  }
0x52: {  	[sflag:s16] =	ssyncadd.s32 $0xFFFFC000  }
0x53: {  	[bflag:$0x0] =	sbarrier.arrive $0xFFFF  }
0x54: {  	[tilespmem:s17], [sflag:$0x1] =	stream.linear.gather [spmem:s4], $0x4000, $0x38;
	[tilespmem:$0x1A800] =	vst v63  }
0x55: {  	_ =	swait.ge [sflag:s16], $0x4000  }
0x56: {  	[sflag:s16] =	ssyncset.done $0x0  }
0x57: {  	[sflag:s16] =	ssyncadd.s32 $0xFFFFC000  }
0x58: {  	[hbm4b:s10+s3] =	stream.linear.scatter [tilespmem:s17], [sflag:$0x1], $0x4000, $0x38;
	[tilespmem:$0x1A800] =	vst v63  }
0x59: {  	_ =	swait.ge [sflag:s16], $0x4000  }
0x5a: {  	[sflag:s16] =	ssyncset.done $0x0  }
0x5b: {  	[sflag:s16] =	ssyncadd.s32 $0xFFFFC000  }
0x5c: {  	[tilespmem:s17], [sflag:$0x1] =	stream.linear.gather [spmem:s6], $0x4000, $0x38;
	[tilespmem:$0x1A800] =	vst v63  }
0x5d: {  	_ =	swait.ge [sflag:s16], $0x4000  }
0x5e: {  	[sflag:s16] =	ssyncset.done $0x0  }
0x5f: {  	[sflag:s16] =	ssyncadd.s32 $0xFFFFC000  }
0x60: {  	[hbm4b:s11+s3] =	stream.linear.scatter [tilespmem:s17], [sflag:$0x1], $0x4000, $0x38;
	[tilespmem:$0x1A800] =	vst v63  }
0x61: {  	_ =	swait.ge [sflag:s16], $0x4000  }
0x62: {  	[sflag:s16] =	ssyncset.done $0x0  }
0x63: {  	[sflag:s16] =	ssyncadd.s32 $0xFFFFC000  }
0x64: {  	[tilespmem:s17], [sflag:$0x1] =	stream.linear.gather [spmem:s7], $0x4000, $0x38;
	[tilespmem:$0x1A800] =	vst v63  }
0x65: {  	_ =	swait.ge [sflag:s16], $0x4000  }
0x66: {  	[sflag:s16] =	ssyncset.done $0x0  }
0x67: {  	[sflag:s16] =	ssyncadd.s32 $0xFFFFC000  }
0x68: {  	[hbm4b:s12+s3] =	stream.linear.scatter [tilespmem:s17], [sflag:$0x1], $0x4000, $0x38;
	[tilespmem:$0x1A800] =	vst v63  }
0x69: {  	_ =	swait.ge [sflag:s16], $0x4000  }
0x6a: {  	[sflag:s16] =	ssyncset.done $0x0  }
0x6b: {  	[sflag:s16] =	ssyncadd.s32 $0xFFFFC000  }
0x6c: {  	[tilespmem:s17], [sflag:$0x1] =	stream.linear.gather [spmem:s8], $0x4000, $0x38;
	[tilespmem:$0x1A800] =	vst v63  }
0x6d: {  	_ =	swait.ge [sflag:s16], $0x4000  }
0x6e: {  	[sflag:s16] =	ssyncset.done $0x0  }
0x6f: {  	[sflag:s16] =	ssyncadd.s32 $0xFFFFC000  }
0x70: {  	[hbm4b:s13+s3] =	stream.linear.scatter [tilespmem:s17], [sflag:$0x1], $0x4000, $0x38;
	[tilespmem:$0x1A800] =	vst v63  }
0x71: {  	_ =	swait.ge [sflag:s16], $0x4000  }
0x72: {  	[sflag:s16] =	ssyncset.done $0x0  }
0x73: {  	[sflag:s16] =	ssyncadd.s32 $0xFFFFC000  }
0x74: {  	[tilespmem:s17], [sflag:$0x1] =	stream.linear.gather [spmem:s9], $0x4000, $0x38;
	[tilespmem:$0x1A800] =	vst v63  }
0x75: {  	s19 =	sadd.s32 $0x1, s19;
	_ =	swait.ge [sflag:s16], $0x4000  }
0x76: {  	p0 =	sne.s32 s19, s15;
	[sflag:s16] =	ssyncset.done $0x0  }
.Ltmp3:
0x77: {  	[sflag:s16] =	ssyncadd.s32 $0xFFFFC000;
	(pc) =	sbr.rel @p0 .LBB2_1-.Ltmp3, $4  }
0x78: {  	[hbm4b:s14+s3] =	stream.linear.scatter [tilespmem:s17], [sflag:$0x1], $0x4000, $0x38;
	[tilespmem:$0x1A800] =	vst v63  }
0x79: {  	_ =	swait.ge [sflag:s16], $0x4000  }
0x7a: {  	[sflag:s16] =	ssyncset.done $0x0  }
0x7b: {  	[sflag:s16] =	ssyncadd.s32 $0xFFFFC000  }
0x7c: {  	_ =	sfence.sel $0x180000  }
0x7d: {  	[bflag:$0x0] =	sbarrier.arrive $0xFFFF  }
0x7e: {  	p0 =	sne.s32 s0, $0x0;
	_ =	strace $0x90000047  }
0x7f: {  	s0 =	sadd.s32 @!p0 $0x100000, s1;
	[bflag:$0x2] =	sbarrier.arrive $0xFFFF  }
0x80: {  	[sflag:s0] =	ssyncadd.tile.s32 @!p0 $0x1;
	_ =	shalt  }
.Lfunc_end2:
_tile_overlayer_lowered:
.L_overlay_start_2:
0x81: {  	(tag) =	ssettag $0x2  }
0x82: {  	s0 =	rddreg [dreg:$0x0];
	s2 =	stileid.u32  }
0x83: {  	s1 =	rddreg [dreg:$0x1];
	p0 =	sne.s32 s2, $0x0  }
0x84: {  	s3 =	rddreg [dreg:$0x2];
	[bflag:$0x3] =	sbarrier.arrive $0xFFFF;
	s2 =	simm.s32 @!p0 $0x1C01  }
0x85: {  	[timem:s3], [sflag:s2] =	dma.local @!p0 [hbm:s0], s1  }
0x86: {  	s0 =	simm.s32 @!p0 $0x1  }
0x87: {  	_ =	swait.ge @!p0 [sflag:s0], s1  }
0x88: {  	s1 =	ssub.s32 @!p0 $0x0, s1;
	[sflag:s0] =	ssyncset.done @!p0 $0x0  }
0x89: {  	[sflag:s0] =	ssyncadd.s32 @!p0 s1  }
0x8a: {  	[bflag:$0x3] =	sbarrier.arrive $0xFFFF  }
0x8b: {  	_ =	shalt  }

</sc_bundles>
